<compile_context>
chip_gen: v7x
topology: tpu7x:2x2x1
jax: 0.10.2.dev20260603
libtpu: 0.0.44.dev20260713+nightly
codegen_flags: <defaults>
</compile_context>

<pallas_src>
import functools

import jax
import jax.numpy as jnp
from jax import lax
from jax.experimental import pallas as pl
from jax.experimental.pallas import tpu as pltpu
from jax.experimental.pallas import tpu_sc as plsc

NC = 2
NS = 16
NW = NC * NS
CH = 16
NB = 2


def _sc_gather(idx, weight):
  S, T = idx.shape
  D = weight.shape[1]
  rows_per_w = S // NW
  n_groups = rows_per_w // CH

  mesh = plsc.VectorSubcoreMesh(core_axis_name="c", subcore_axis_name="s")

  @functools.partial(
      pl.kernel,
      mesh=mesh,
      compiler_params=pltpu.CompilerParams(use_tc_tiling_on_sc=False),
      out_type=jax.ShapeDtypeStruct((S, T, D), jnp.float32),
      scratch_types=[
          pltpu.VMEM((CH, T), jnp.int32),
          pltpu.VMEM((CH, T), jnp.int32),
          pltpu.VMEM((CH, T, D), jnp.float32),
          pltpu.VMEM((CH, T, D), jnp.float32),
          pltpu.SemaphoreType.DMA,
          pltpu.SemaphoreType.DMA,
          pltpu.SemaphoreType.DMA,
          pltpu.SemaphoreType.DMA,
      ],
  )
  def k(table_hbm, idx_hbm, out_hbm, idx0, idx1, rows0, rows1,
        g0s, g1s, o0s, o1s):
    idx_v = [idx0, idx1]
    rows_v = [rows0, rows1]
    gsems = [g0s, g1s]
    osems = [o0s, o1s]
    wid = lax.axis_index("s") * NC + lax.axis_index("c")
    base = wid * rows_per_w

    def idx_slice(g):
      return idx_hbm.at[pl.ds(base + g * CH, CH)]

    def out_slice(g):
      return out_hbm.at[pl.ds(base + g * CH, CH)]

    def fire_gathers(b):
      for j in range(CH):
        pltpu.async_copy(
            table_hbm.at[idx_v[b].at[j]], rows_v[b].at[j], gsems[b])

    def drain_gathers(b):
      for j in range(CH):
        pltpu.make_async_copy(
            table_hbm.at[idx_v[b].at[j]], rows_v[b].at[j], gsems[b]).wait()

    for b in range(NB):
      pltpu.sync_copy(idx_slice(b), idx_v[b])
      fire_gathers(b)

    @pl.loop(0, n_groups - NB, step=NB)
    def body(g0):
      for b in range(NB):
        g = g0 + b
        drain_gathers(b)
        pltpu.async_copy(rows_v[b], out_slice(g), osems[b])
        pltpu.sync_copy(idx_slice(g + NB), idx_v[b])
        pltpu.make_async_copy(rows_v[b], out_slice(g), osems[b]).wait()
        fire_gathers(b)

    for b in range(NB):
      g = n_groups - NB + b
      drain_gathers(b)
      pltpu.sync_copy(rows_v[b], out_slice(g))

  return k(weight, idx)


def kernel(input_ids, weight):
  return _sc_gather(input_ids.astype(jnp.int32), weight)

# --- scband reference (transcript-rebuilt; emitter-appended) ---
"""Pipeline reference for scband-casted-sparse-embedding-46145128628532 (READ-ONLY COPY).

The authoritative reference and input builder live on the scoring server;
editing this copy changes nothing except your own understanding.
"""

import jax, jax.numpy as jnp
import numpy as np

NUM_EMBEDDINGS = 1000000
EMBEDDING_DIM = 32
INIT_STD = 0.02

def setup_inputs(seed: int = 0) -> dict:
    key = jax.random.key(seed)
    k_idx, k_w = jax.random.split(key)
    input_ids = jax.random.randint(k_idx, (16384, 100), 0, NUM_EMBEDDINGS, dtype=jnp.int64 if jax.config.jax_enable_x64 else jnp.int32)
    weight = (jax.random.normal(k_w, (NUM_EMBEDDINGS, EMBEDDING_DIM), dtype=jnp.float32) * INIT_STD)
    return {"input_ids": input_ids, "weight": weight}

def reference(input_ids, weight):
    # nn.Embedding lookup (gather rows) followed by cast to float32
    embeddings = jnp.take(weight, input_ids, axis=0)
    return embeddings.astype(jnp.float32)

if __name__ == "__main__":
    import jax
    _d = setup_inputs()
    print(jax.jit(kernel)(*tuple(_d.values())))

</pallas_src>

<mosaic_0001>
#map = affine_map<(d0, d1) -> (0, 0)>
#map1 = affine_map<(d0, d1) -> (0, 0, 0)>
module attributes {stable_mosaic.version = 14 : i64} {
  func.func @k(%arg0: i32, %arg1: i32, %arg2: memref<1000000x32xf32, #tpu.memory_space<hbm>>, %arg3: memref<16384x100xi32, #tpu.memory_space<hbm>>, %arg4: memref<16384x100x32xf32, #tpu.memory_space<hbm>>, %arg5: memref<16x100xi32, #tpu.memory_space<vmem>>, %arg6: memref<16x100xi32, #tpu.memory_space<vmem>>, %arg7: memref<16x100x32xf32, #tpu.memory_space<vmem>>, %arg8: memref<16x100x32xf32, #tpu.memory_space<vmem>>, %arg9: memref<!tpu.dma_semaphore, #tpu.memory_space<semaphore_mem>>, %arg10: memref<!tpu.dma_semaphore, #tpu.memory_space<semaphore_mem>>, %arg11: memref<!tpu.dma_semaphore, #tpu.memory_space<semaphore_mem>>, %arg12: memref<!tpu.dma_semaphore, #tpu.memory_space<semaphore_mem>>) attributes {dimension_semantics = [#tpu.dimension_semantics<core_parallel>, #tpu.dimension_semantics<subcore_parallel>], iteration_bounds = array<i64: 2, 16>, scalar_prefetch = 0 : i64, scratch_operands = 8 : i64, tpu.core_type = #tpu.core_type<sc_vector_subcore>, window_params = [{transform_indices = #map}, {transform_indices = #map}, {transform_indices = #map1}]} {
    %mul3A = arith.constant 2 : i32
    %mul3A_0 = arith.muli %arg1, %mul3A : i32
    %add3A = arith.addi %mul3A_0, %arg0 : i32
    %mul3A_1 = arith.constant 512 : i32
    %mul3A_2 = arith.muli %add3A, %mul3A_1 : i32
    %add3A_3 = arith.constant 0 : i32
    %add3A_4 = arith.addi %mul3A_2, %add3A_3 : i32
    "tpu.region"() ({
      %run_scoped3A = tpu.sem_alloc : memref<!tpu.dma_semaphore, #tpu.memory_space<semaphore_mem>>
      %dma_start3A_781 = arith.constant 0 : i32
      %dma_start3A_782 = tpu.memref_slice %arg3[%add3A_4, %dma_start3A_781] : memref<16384x100xi32, #tpu.memory_space<hbm>> -> memref<16x100xi32, #tpu.memory_space<hbm>>
      %dma_start3A_783 = arith.constant 0 : i32
      %dma_start3A_784 = tpu.memref_slice %arg3[%add3A_4, %dma_start3A_783] : memref<16384x100xi32, #tpu.memory_space<hbm>> -> memref<16x100xi32, #tpu.memory_space<hbm>>
      tpu.enqueue_dma source(%dma_start3A_784 : memref<16x100xi32, #tpu.memory_space<hbm>>) target(%arg5 : memref<16x100xi32, #tpu.memory_space<vmem>>) target_semaphore(%run_scoped3A : memref<!tpu.dma_semaphore, #tpu.memory_space<semaphore_mem>>)
      %dma_wait3A_785 = arith.constant 0 : i32
      %dma_wait3A_786 = tpu.memref_slice %arg3[%add3A_4, %dma_wait3A_785] : memref<16384x100xi32, #tpu.memory_space<hbm>> -> memref<16x100xi32, #tpu.memory_space<hbm>>
      %dma_wait3A_787 = arith.constant 0 : i32
      %dma_wait3A_788 = tpu.memref_slice %arg3[%add3A_4, %dma_wait3A_787] : memref<16384x100xi32, #tpu.memory_space<hbm>> -> memref<16x100xi32, #tpu.memory_space<hbm>>
      tpu.wait_dma2 semaphore(%run_scoped3A : memref<!tpu.dma_semaphore, #tpu.memory_space<semaphore_mem>>) src(%dma_wait3A_788 : memref<16x100xi32, #tpu.memory_space<hbm>>) dst(%arg5 : memref<16x100xi32, #tpu.memory_space<vmem>>)
      tpu.yield
    }) : () -> ()
    %dma_start3A = arith.constant 0 : i32
    %dma_start3A_5 = arith.constant 0 : i32
    %dma_start3A_6 = arith.constant 0 : i32
    %dma_start3A_7 = arith.constant 0 : i32
    %dma_start3A_8 = tpu.memref_slice %arg7[%dma_start3A_5, %dma_start3A_6, %dma_start3A_7] : memref<16x100x32xf32, #tpu.memory_space<vmem>> -> memref<1x100x32xf32, #tpu.memory_space<vmem>>
    %dma_start3A_9 = tpu.memref_squeeze %dma_start3A_8 : memref<1x100x32xf32, #tpu.memory_space<vmem>> -> memref<100x32xf32, #tpu.memory_space<vmem>>
    %dma_start3A_10 = arith.constant 0 : i32
    %dma_start3A_11 = tpu.memref_slice %arg5[%dma_start3A, %dma_start3A_10] : memref<16x100xi32, #tpu.memory_space<vmem>> -> memref<1x100xi32, #tpu.memory_space<vmem>>
    %dma_start3A_12 = tpu.memref_squeeze %dma_start3A_11 : memref<1x100xi32, #tpu.memory_space<vmem>> -> memref<100xi32, #tpu.memory_space<vmem>>
    %dma_start3A_13 = arith.constant 0 : i32
    %dma_start3A_14 = arith.constant 0 : i32
    %dma_start3A_15 = tpu.memref_slice %arg2[%dma_start3A_13, %dma_start3A_14] : memref<1000000x32xf32, #tpu.memory_space<hbm>> -> memref<1000000x32xf32, #tpu.memory_space<hbm>>
    tpu.enqueue_indirect_dma source(%dma_start3A_15 : memref<1000000x32xf32, #tpu.memory_space<hbm>>) target(%dma_start3A_9 : memref<100x32xf32, #tpu.memory_space<vmem>>) offsets(%dma_start3A_12 : memref<100xi32, #tpu.memory_space<vmem>>) semaphore(%arg9 : memref<!tpu.dma_semaphore, #tpu.memory_space<semaphore_mem>>)
    %dma_start3A_16 = arith.constant 1 : i32
    %dma_start3A_17 = arith.constant 1 : i32
    %dma_start3A_18 = arith.constant 0 : i32
    %dma_start3A_19 = arith.constant 0 : i32
    %dma_start3A_20 = tpu.memref_slice %arg7[%dma_start3A_17, %dma_start3A_18, %dma_start3A_19] : memref<16x100x32xf32, #tpu.memory_space<vmem>> -> memref<1x100x32xf32, #tpu.memory_space<vmem>>
    %dma_start3A_21 = tpu.memref_squeeze %dma_start3A_20 : memref<1x100x32xf32, #tpu.memory_space<vmem>> -> memref<100x32xf32, #tpu.memory_space<vmem>>
    %dma_start3A_22 = arith.constant 0 : i32
    %dma_start3A_23 = tpu.memref_slice %arg5[%dma_start3A_16, %dma_start3A_22] : memref<16x100xi32, #tpu.memory_space<vmem>> -> memref<1x100xi32, #tpu.memory_space<vmem>>
    %dma_start3A_24 = tpu.memref_squeeze %dma_start3A_23 : memref<1x100xi32, #tpu.memory_space<vmem>> -> memref<100xi32, #tpu.memory_space<vmem>>
    %dma_start3A_25 = arith.constant 0 : i32
    %dma_start3A_26 = arith.constant 0 : i32
    %dma_start3A_27 = tpu.memref_slice %arg2[%dma_start3A_25, %dma_start3A_26] : memref<1000000x32xf32, #tpu.memory_space<hbm>> -> memref<1000000x32xf32, #tpu.memory_space<hbm>>
    tpu.enqueue_indirect_dma source(%dma_start3A_27 : memref<1000000x32xf32, #tpu.memory_space<hbm>>) target(%dma_start3A_21 : memref<100x32xf32, #tpu.memory_space<vmem>>) offsets(%dma_start3A_24 : memref<100xi32, #tpu.memory_space<vmem>>) semaphore(%arg9 : memref<!tpu.dma_semaphore, #tpu.memory_space<semaphore_mem>>)
    %dma_start3A_28 = arith.constant 2 : i32
    %dma_start3A_29 = arith.constant 2 : i32
    %dma_start3A_30 = arith.constant 0 : i32
    %dma_start3A_31 = arith.constant 0 : i32
    %dma_start3A_32 = tpu.memref_slice %arg7[%dma_start3A_29, %dma_start3A_30, %dma_start3A_31] : memref<16x100x32xf32, #tpu.memory_space<vmem>> -> memref<1x100x32xf32, #tpu.memory_space<vmem>>
    %dma_start3A_33 = tpu.memref_squeeze %dma_start3A_32 : memref<1x100x32xf32, #tpu.memory_space<vmem>> -> memref<100x32xf32, #tpu.memory_space<vmem>>
    %dma_start3A_34 = arith.constant 0 : i32
    %dma_start3A_35 = tpu.memref_slice %arg5[%dma_start3A_28, %dma_start3A_34] : memref<16x100xi32, #tpu.memory_space<vmem>> -> memref<1x100xi32, #tpu.memory_space<vmem>>
    %dma_start3A_36 = tpu.memref_squeeze %dma_start3A_35 : memref<1x100xi32, #tpu.memory_space<vmem>> -> memref<100xi32, #tpu.memory_space<vmem>>
    %dma_start3A_37 = arith.constant 0 : i32
    %dma_start3A_38 = arith.constant 0 : i32
    %dma_start3A_39 = tpu.memref_slice %arg2[%dma_start3A_37, %dma_start3A_38] : memref<1000000x32xf32, #tpu.memory_space<hbm>> -> memref<1000000x32xf32, #tpu.memory_space<hbm>>
    tpu.enqueue_indirect_dma source(%dma_start3A_39 : memref<1000000x32xf32, #tpu.memory_space<hbm>>) target(%dma_start3A_33 : memref<100x32xf32, #tpu.memory_space<vmem>>) offsets(%dma_start3A_36 : memref<100xi32, #tpu.memory_space<vmem>>) semaphore(%arg9 : memref<!tpu.dma_semaphore, #tpu.memory_space<semaphore_mem>>)
    %dma_start3A_40 = arith.constant 3 : i32
    %dma_start3A_41 = arith.constant 3 : i32
    %dma_start3A_42 = arith.constant 0 : i32
    %dma_start3A_43 = arith.constant 0 : i32
    %dma_start3A_44 = tpu.memref_slice %arg7[%dma_start3A_41, %dma_start3A_42, %dma_start3A_43] : memref<16x100x32xf32, #tpu.memory_space<vmem>> -> memref<1x100x32xf32, #tpu.memory_space<vmem>>
    %dma_start3A_45 = tpu.memref_squeeze %dma_start3A_44 : memref<1x100x32xf32, #tpu.memory_space<vmem>> -> memref<100x32xf32, #tpu.memory_space<vmem>>
    %dma_start3A_46 = arith.constant 0 : i32
    %dma_start3A_47 = tpu.memref_slice %arg5[%dma_start3A_40, %dma_start3A_46] : memref<16x100xi32, #tpu.memory_space<vmem>> -> memref<1x100xi32, #tpu.memory_space<vmem>>
    %dma_start3A_48 = tpu.memref_squeeze %dma_start3A_47 : memref<1x100xi32, #tpu.memory_space<vmem>> -> memref<100xi32, #tpu.memory_space<vmem>>
    %dma_start3A_49 = arith.constant 0 : i32
    %dma_start3A_50 = arith.constant 0 : i32
    %dma_start3A_51 = tpu.memref_slice %arg2[%dma_start3A_49, %dma_start3A_50] : memref<1000000x32xf32, #tpu.memory_space<hbm>> -> memref<1000000x32xf32, #tpu.memory_space<hbm>>
    tpu.enqueue_indirect_dma source(%dma_start3A_51 : memref<1000000x32xf32, #tpu.memory_space<hbm>>) target(%dma_start3A_45 : memref<100x32xf32, #tpu.memory_space<vmem>>) offsets(%dma_start3A_48 : memref<100xi32, #tpu.memory_space<vmem>>) semaphore(%arg9 : memref<!tpu.dma_semaphore, #tpu.memory_space<semaphore_mem>>)
    %dma_start3A_52 = arith.constant 4 : i32
    %dma_start3A_53 = arith.constant 4 : i32
    %dma_start3A_54 = arith.constant 0 : i32
    %dma_start3A_55 = arith.constant 0 : i32
    %dma_start3A_56 = tpu.memref_slice %arg7[%dma_start3A_53, %dma_start3A_54, %dma_start3A_55] : memref<16x100x32xf32, #tpu.memory_space<vmem>> -> memref<1x100x32xf32, #tpu.memory_space<vmem>>
    %dma_start3A_57 = tpu.memref_squeeze %dma_start3A_56 : memref<1x100x32xf32, #tpu.memory_space<vmem>> -> memref<100x32xf32, #tpu.memory_space<vmem>>
    %dma_start3A_58 = arith.constant 0 : i32
    %dma_start3A_59 = tpu.memref_slice %arg5[%dma_start3A_52, %dma_start3A_58] : memref<16x100xi32, #tpu.memory_space<vmem>> -> memref<1x100xi32, #tpu.memory_space<vmem>>
    %dma_start3A_60 = tpu.memref_squeeze %dma_start3A_59 : memref<1x100xi32, #tpu.memory_space<vmem>> -> memref<100xi32, #tpu.memory_space<vmem>>
    %dma_start3A_61 = arith.constant 0 : i32
    %dma_start3A_62 = arith.constant 0 : i32
    %dma_start3A_63 = tpu.memref_slice %arg2[%dma_start3A_61, %dma_start3A_62] : memref<1000000x32xf32, #tpu.memory_space<hbm>> -> memref<1000000x32xf32, #tpu.memory_space<hbm>>
    tpu.enqueue_indirect_dma source(%dma_start3A_63 : memref<1000000x32xf32, #tpu.memory_space<hbm>>) target(%dma_start3A_57 : memref<100x32xf32, #tpu.memory_space<vmem>>) offsets(%dma_start3A_60 : memref<100xi32, #tpu.memory_space<vmem>>) semaphore(%arg9 : memref<!tpu.dma_semaphore, #tpu.memory_space<semaphore_mem>>)
    %dma_start3A_64 = arith.constant 5 : i32
    %dma_start3A_65 = arith.constant 5 : i32
    %dma_start3A_66 = arith.constant 0 : i32
    %dma_start3A_67 = arith.constant 0 : i32
    %dma_start3A_68 = tpu.memref_slice %arg7[%dma_start3A_65, %dma_start3A_66, %dma_start3A_67] : memref<16x100x32xf32, #tpu.memory_space<vmem>> -> memref<1x100x32xf32, #tpu.memory_space<vmem>>
    %dma_start3A_69 = tpu.memref_squeeze %dma_start3A_68 : memref<1x100x32xf32, #tpu.memory_space<vmem>> -> memref<100x32xf32, #tpu.memory_space<vmem>>
    %dma_start3A_70 = arith.constant 0 : i32
    %dma_start3A_71 = tpu.memref_slice %arg5[%dma_start3A_64, %dma_start3A_70] : memref<16x100xi32, #tpu.memory_space<vmem>> -> memref<1x100xi32, #tpu.memory_space<vmem>>
    %dma_start3A_72 = tpu.memref_squeeze %dma_start3A_71 : memref<1x100xi32, #tpu.memory_space<vmem>> -> memref<100xi32, #tpu.memory_space<vmem>>
    %dma_start3A_73 = arith.constant 0 : i32
    %dma_start3A_74 = arith.constant 0 : i32
    %dma_start3A_75 = tpu.memref_slice %arg2[%dma_start3A_73, %dma_start3A_74] : memref<1000000x32xf32, #tpu.memory_space<hbm>> -> memref<1000000x32xf32, #tpu.memory_space<hbm>>
    tpu.enqueue_indirect_dma source(%dma_start3A_75 : memref<1000000x32xf32, #tpu.memory_space<hbm>>) target(%dma_start3A_69 : memref<100x32xf32, #tpu.memory_space<vmem>>) offsets(%dma_start3A_72 : memref<100xi32, #tpu.memory_space<vmem>>) semaphore(%arg9 : memref<!tpu.dma_semaphore, #tpu.memory_space<semaphore_mem>>)
    %dma_start3A_76 = arith.constant 6 : i32
    %dma_start3A_77 = arith.constant 6 : i32
    %dma_start3A_78 = arith.constant 0 : i32
    %dma_start3A_79 = arith.constant 0 : i32
    %dma_start3A_80 = tpu.memref_slice %arg7[%dma_start3A_77, %dma_start3A_78, %dma_start3A_79] : memref<16x100x32xf32, #tpu.memory_space<vmem>> -> memref<1x100x32xf32, #tpu.memory_space<vmem>>
    %dma_start3A_81 = tpu.memref_squeeze %dma_start3A_80 : memref<1x100x32xf32, #tpu.memory_space<vmem>> -> memref<100x32xf32, #tpu.memory_space<vmem>>
    %dma_start3A_82 = arith.constant 0 : i32
    %dma_start3A_83 = tpu.memref_slice %arg5[%dma_start3A_76, %dma_start3A_82] : memref<16x100xi32, #tpu.memory_space<vmem>> -> memref<1x100xi32, #tpu.memory_space<vmem>>
    %dma_start3A_84 = tpu.memref_squeeze %dma_start3A_83 : memref<1x100xi32, #tpu.memory_space<vmem>> -> memref<100xi32, #tpu.memory_space<vmem>>
    %dma_start3A_85 = arith.constant 0 : i32
    %dma_start3A_86 = arith.constant 0 : i32
    %dma_start3A_87 = tpu.memref_slice %arg2[%dma_start3A_85, %dma_start3A_86] : memref<1000000x32xf32, #tpu.memory_space<hbm>> -> memref<1000000x32xf32, #tpu.memory_space<hbm>>
    tpu.enqueue_indirect_dma source(%dma_start3A_87 : memref<1000000x32xf32, #tpu.memory_space<hbm>>) target(%dma_start3A_81 : memref<100x32xf32, #tpu.memory_space<vmem>>) offsets(%dma_start3A_84 : memref<100xi32, #tpu.memory_space<vmem>>) semaphore(%arg9 : memref<!tpu.dma_semaphore, #tpu.memory_space<semaphore_mem>>)
    %dma_start3A_88 = arith.constant 7 : i32
    %dma_start3A_89 = arith.constant 7 : i32
    %dma_start3A_90 = arith.constant 0 : i32
    %dma_start3A_91 = arith.constant 0 : i32
    %dma_start3A_92 = tpu.memref_slice %arg7[%dma_start3A_89, %dma_start3A_90, %dma_start3A_91] : memref<16x100x32xf32, #tpu.memory_space<vmem>> -> memref<1x100x32xf32, #tpu.memory_space<vmem>>
    %dma_start3A_93 = tpu.memref_squeeze %dma_start3A_92 : memref<1x100x32xf32, #tpu.memory_space<vmem>> -> memref<100x32xf32, #tpu.memory_space<vmem>>
    %dma_start3A_94 = arith.constant 0 : i32
    %dma_start3A_95 = tpu.memref_slice %arg5[%dma_start3A_88, %dma_start3A_94] : memref<16x100xi32, #tpu.memory_space<vmem>> -> memref<1x100xi32, #tpu.memory_space<vmem>>
    %dma_start3A_96 = tpu.memref_squeeze %dma_start3A_95 : memref<1x100xi32, #tpu.memory_space<vmem>> -> memref<100xi32, #tpu.memory_space<vmem>>
    %dma_start3A_97 = arith.constant 0 : i32
    %dma_start3A_98 = arith.constant 0 : i32
    %dma_start3A_99 = tpu.memref_slice %arg2[%dma_start3A_97, %dma_start3A_98] : memref<1000000x32xf32, #tpu.memory_space<hbm>> -> memref<1000000x32xf32, #tpu.memory_space<hbm>>
    tpu.enqueue_indirect_dma source(%dma_start3A_99 : memref<1000000x32xf32, #tpu.memory_space<hbm>>) target(%dma_start3A_93 : memref<100x32xf32, #tpu.memory_space<vmem>>) offsets(%dma_start3A_96 : memref<100xi32, #tpu.memory_space<vmem>>) semaphore(%arg9 : memref<!tpu.dma_semaphore, #tpu.memory_space<semaphore_mem>>)
    %dma_start3A_100 = arith.constant 8 : i32
    %dma_start3A_101 = arith.constant 8 : i32
    %dma_start3A_102 = arith.constant 0 : i32
    %dma_start3A_103 = arith.constant 0 : i32
    %dma_start3A_104 = tpu.memref_slice %arg7[%dma_start3A_101, %dma_start3A_102, %dma_start3A_103] : memref<16x100x32xf32, #tpu.memory_space<vmem>> -> memref<1x100x32xf32, #tpu.memory_space<vmem>>
    %dma_start3A_105 = tpu.memref_squeeze %dma_start3A_104 : memref<1x100x32xf32, #tpu.memory_space<vmem>> -> memref<100x32xf32, #tpu.memory_space<vmem>>
    %dma_start3A_106 = arith.constant 0 : i32
    %dma_start3A_107 = tpu.memref_slice %arg5[%dma_start3A_100, %dma_start3A_106] : memref<16x100xi32, #tpu.memory_space<vmem>> -> memref<1x100xi32, #tpu.memory_space<vmem>>
    %dma_start3A_108 = tpu.memref_squeeze %dma_start3A_107 : memref<1x100xi32, #tpu.memory_space<vmem>> -> memref<100xi32, #tpu.memory_space<vmem>>
    %dma_start3A_109 = arith.constant 0 : i32
    %dma_start3A_110 = arith.constant 0 : i32
    %dma_start3A_111 = tpu.memref_slice %arg2[%dma_start3A_109, %dma_start3A_110] : memref<1000000x32xf32, #tpu.memory_space<hbm>> -> memref<1000000x32xf32, #tpu.memory_space<hbm>>
    tpu.enqueue_indirect_dma source(%dma_start3A_111 : memref<1000000x32xf32, #tpu.memory_space<hbm>>) target(%dma_start3A_105 : memref<100x32xf32, #tpu.memory_space<vmem>>) offsets(%dma_start3A_108 : memref<100xi32, #tpu.memory_space<vmem>>) semaphore(%arg9 : memref<!tpu.dma_semaphore, #tpu.memory_space<semaphore_mem>>)
    %dma_start3A_112 = arith.constant 9 : i32
    %dma_start3A_113 = arith.constant 9 : i32
    %dma_start3A_114 = arith.constant 0 : i32
    %dma_start3A_115 = arith.constant 0 : i32
    %dma_start3A_116 = tpu.memref_slice %arg7[%dma_start3A_113, %dma_start3A_114, %dma_start3A_115] : memref<16x100x32xf32, #tpu.memory_space<vmem>> -> memref<1x100x32xf32, #tpu.memory_space<vmem>>
    %dma_start3A_117 = tpu.memref_squeeze %dma_start3A_116 : memref<1x100x32xf32, #tpu.memory_space<vmem>> -> memref<100x32xf32, #tpu.memory_space<vmem>>
    %dma_start3A_118 = arith.constant 0 : i32
    %dma_start3A_119 = tpu.memref_slice %arg5[%dma_start3A_112, %dma_start3A_118] : memref<16x100xi32, #tpu.memory_space<vmem>> -> memref<1x100xi32, #tpu.memory_space<vmem>>
    %dma_start3A_120 = tpu.memref_squeeze %dma_start3A_119 : memref<1x100xi32, #tpu.memory_space<vmem>> -> memref<100xi32, #tpu.memory_space<vmem>>
    %dma_start3A_121 = arith.constant 0 : i32
    %dma_start3A_122 = arith.constant 0 : i32
    %dma_start3A_123 = tpu.memref_slice %arg2[%dma_start3A_121, %dma_start3A_122] : memref<1000000x32xf32, #tpu.memory_space<hbm>> -> memref<1000000x32xf32, #tpu.memory_space<hbm>>
    tpu.enqueue_indirect_dma source(%dma_start3A_123 : memref<1000000x32xf32, #tpu.memory_space<hbm>>) target(%dma_start3A_117 : memref<100x32xf32, #tpu.memory_space<vmem>>) offsets(%dma_start3A_120 : memref<100xi32, #tpu.memory_space<vmem>>) semaphore(%arg9 : memref<!tpu.dma_semaphore, #tpu.memory_space<semaphore_mem>>)
    %dma_start3A_124 = arith.constant 10 : i32
    %dma_start3A_125 = arith.constant 10 : i32
    %dma_start3A_126 = arith.constant 0 : i32
    %dma_start3A_127 = arith.constant 0 : i32
    %dma_start3A_128 = tpu.memref_slice %arg7[%dma_start3A_125, %dma_start3A_126, %dma_start3A_127] : memref<16x100x32xf32, #tpu.memory_space<vmem>> -> memref<1x100x32xf32, #tpu.memory_space<vmem>>
    %dma_start3A_129 = tpu.memref_squeeze %dma_start3A_128 : memref<1x100x32xf32, #tpu.memory_space<vmem>> -> memref<100x32xf32, #tpu.memory_space<vmem>>
    %dma_start3A_130 = arith.constant 0 : i32
    %dma_start3A_131 = tpu.memref_slice %arg5[%dma_start3A_124, %dma_start3A_130] : memref<16x100xi32, #tpu.memory_space<vmem>> -> memref<1x100xi32, #tpu.memory_space<vmem>>
    %dma_start3A_132 = tpu.memref_squeeze %dma_start3A_131 : memref<1x100xi32, #tpu.memory_space<vmem>> -> memref<100xi32, #tpu.memory_space<vmem>>
    %dma_start3A_133 = arith.constant 0 : i32
    %dma_start3A_134 = arith.constant 0 : i32
    %dma_start3A_135 = tpu.memref_slice %arg2[%dma_start3A_133, %dma_start3A_134] : memref<1000000x32xf32, #tpu.memory_space<hbm>> -> memref<1000000x32xf32, #tpu.memory_space<hbm>>
    tpu.enqueue_indirect_dma source(%dma_start3A_135 : memref<1000000x32xf32, #tpu.memory_space<hbm>>) target(%dma_start3A_129 : memref<100x32xf32, #tpu.memory_space<vmem>>) offsets(%dma_start3A_132 : memref<100xi32, #tpu.memory_space<vmem>>) semaphore(%arg9 : memref<!tpu.dma_semaphore, #tpu.memory_space<semaphore_mem>>)
    %dma_start3A_136 = arith.constant 11 : i32
    %dma_start3A_137 = arith.constant 11 : i32
    %dma_start3A_138 = arith.constant 0 : i32
    %dma_start3A_139 = arith.constant 0 : i32
    %dma_start3A_140 = tpu.memref_slice %arg7[%dma_start3A_137, %dma_start3A_138, %dma_start3A_139] : memref<16x100x32xf32, #tpu.memory_space<vmem>> -> memref<1x100x32xf32, #tpu.memory_space<vmem>>
    %dma_start3A_141 = tpu.memref_squeeze %dma_start3A_140 : memref<1x100x32xf32, #tpu.memory_space<vmem>> -> memref<100x32xf32, #tpu.memory_space<vmem>>
    %dma_start3A_142 = arith.constant 0 : i32
    %dma_start3A_143 = tpu.memref_slice %arg5[%dma_start3A_136, %dma_start3A_142] : memref<16x100xi32, #tpu.memory_space<vmem>> -> memref<1x100xi32, #tpu.memory_space<vmem>>
    %dma_start3A_144 = tpu.memref_squeeze %dma_start3A_143 : memref<1x100xi32, #tpu.memory_space<vmem>> -> memref<100xi32, #tpu.memory_space<vmem>>
    %dma_start3A_145 = arith.constant 0 : i32
    %dma_start3A_146 = arith.constant 0 : i32
    %dma_start3A_147 = tpu.memref_slice %arg2[%dma_start3A_145, %dma_start3A_146] : memref<1000000x32xf32, #tpu.memory_space<hbm>> -> memref<1000000x32xf32, #tpu.memory_space<hbm>>
    tpu.enqueue_indirect_dma source(%dma_start3A_147 : memref<1000000x32xf32, #tpu.memory_space<hbm>>) target(%dma_start3A_141 : memref<100x32xf32, #tpu.memory_space<vmem>>) offsets(%dma_start3A_144 : memref<100xi32, #tpu.memory_space<vmem>>) semaphore(%arg9 : memref<!tpu.dma_semaphore, #tpu.memory_space<semaphore_mem>>)
    %dma_start3A_148 = arith.constant 12 : i32
    %dma_start3A_149 = arith.constant 12 : i32
    %dma_start3A_150 = arith.constant 0 : i32
    %dma_start3A_151 = arith.constant 0 : i32
    %dma_start3A_152 = tpu.memref_slice %arg7[%dma_start3A_149, %dma_start3A_150, %dma_start3A_151] : memref<16x100x32xf32, #tpu.memory_space<vmem>> -> memref<1x100x32xf32, #tpu.memory_space<vmem>>
    %dma_start3A_153 = tpu.memref_squeeze %dma_start3A_152 : memref<1x100x32xf32, #tpu.memory_space<vmem>> -> memref<100x32xf32, #tpu.memory_space<vmem>>
    %dma_start3A_154 = arith.constant 0 : i32
    %dma_start3A_155 = tpu.memref_slice %arg5[%dma_start3A_148, %dma_start3A_154] : memref<16x100xi32, #tpu.memory_space<vmem>> -> memref<1x100xi32, #tpu.memory_space<vmem>>
    %dma_start3A_156 = tpu.memref_squeeze %dma_start3A_155 : memref<1x100xi32, #tpu.memory_space<vmem>> -> memref<100xi32, #tpu.memory_space<vmem>>
    %dma_start3A_157 = arith.constant 0 : i32
    %dma_start3A_158 = arith.constant 0 : i32
    %dma_start3A_159 = tpu.memref_slice %arg2[%dma_start3A_157, %dma_start3A_158] : memref<1000000x32xf32, #tpu.memory_space<hbm>> -> memref<1000000x32xf32, #tpu.memory_space<hbm>>
    tpu.enqueue_indirect_dma source(%dma_start3A_159 : memref<1000000x32xf32, #tpu.memory_space<hbm>>) target(%dma_start3A_153 : memref<100x32xf32, #tpu.memory_space<vmem>>) offsets(%dma_start3A_156 : memref<100xi32, #tpu.memory_space<vmem>>) semaphore(%arg9 : memref<!tpu.dma_semaphore, #tpu.memory_space<semaphore_mem>>)
    %dma_start3A_160 = arith.constant 13 : i32
    %dma_start3A_161 = arith.constant 13 : i32
    %dma_start3A_162 = arith.constant 0 : i32
    %dma_start3A_163 = arith.constant 0 : i32
    %dma_start3A_164 = tpu.memref_slice %arg7[%dma_start3A_161, %dma_start3A_162, %dma_start3A_163] : memref<16x100x32xf32, #tpu.memory_space<vmem>> -> memref<1x100x32xf32, #tpu.memory_space<vmem>>
    %dma_start3A_165 = tpu.memref_squeeze %dma_start3A_164 : memref<1x100x32xf32, #tpu.memory_space<vmem>> -> memref<100x32xf32, #tpu.memory_space<vmem>>
    %dma_start3A_166 = arith.constant 0 : i32
    %dma_start3A_167 = tpu.memref_slice %arg5[%dma_start3A_160, %dma_start3A_166] : memref<16x100xi32, #tpu.memory_space<vmem>> -> memref<1x100xi32, #tpu.memory_space<vmem>>
    %dma_start3A_168 = tpu.memref_squeeze %dma_start3A_167 : memref<1x100xi32, #tpu.memory_space<vmem>> -> memref<100xi32, #tpu.memory_space<vmem>>
    %dma_start3A_169 = arith.constant 0 : i32
    %dma_start3A_170 = arith.constant 0 : i32
    %dma_start3A_171 = tpu.memref_slice %arg2[%dma_start3A_169, %dma_start3A_170] : memref<1000000x32xf32, #tpu.memory_space<hbm>> -> memref<1000000x32xf32, #tpu.memory_space<hbm>>
    tpu.enqueue_indirect_dma source(%dma_start3A_171 : memref<1000000x32xf32, #tpu.memory_space<hbm>>) target(%dma_start3A_165 : memref<100x32xf32, #tpu.memory_space<vmem>>) offsets(%dma_start3A_168 : memref<100xi32, #tpu.memory_space<vmem>>) semaphore(%arg9 : memref<!tpu.dma_semaphore, #tpu.memory_space<semaphore_mem>>)
    %dma_start3A_172 = arith.constant 14 : i32
    %dma_start3A_173 = arith.constant 14 : i32
    %dma_start3A_174 = arith.constant 0 : i32
    %dma_start3A_175 = arith.constant 0 : i32
    %dma_start3A_176 = tpu.memref_slice %arg7[%dma_start3A_173, %dma_start3A_174, %dma_start3A_175] : memref<16x100x32xf32, #tpu.memory_space<vmem>> -> memref<1x100x32xf32, #tpu.memory_space<vmem>>
    %dma_start3A_177 = tpu.memref_squeeze %dma_start3A_176 : memref<1x100x32xf32, #tpu.memory_space<vmem>> -> memref<100x32xf32, #tpu.memory_space<vmem>>
    %dma_start3A_178 = arith.constant 0 : i32
    %dma_start3A_179 = tpu.memref_slice %arg5[%dma_start3A_172, %dma_start3A_178] : memref<16x100xi32, #tpu.memory_space<vmem>> -> memref<1x100xi32, #tpu.memory_space<vmem>>
    %dma_start3A_180 = tpu.memref_squeeze %dma_start3A_179 : memref<1x100xi32, #tpu.memory_space<vmem>> -> memref<100xi32, #tpu.memory_space<vmem>>
    %dma_start3A_181 = arith.constant 0 : i32
    %dma_start3A_182 = arith.constant 0 : i32
    %dma_start3A_183 = tpu.memref_slice %arg2[%dma_start3A_181, %dma_start3A_182] : memref<1000000x32xf32, #tpu.memory_space<hbm>> -> memref<1000000x32xf32, #tpu.memory_space<hbm>>
    tpu.enqueue_indirect_dma source(%dma_start3A_183 : memref<1000000x32xf32, #tpu.memory_space<hbm>>) target(%dma_start3A_177 : memref<100x32xf32, #tpu.memory_space<vmem>>) offsets(%dma_start3A_180 : memref<100xi32, #tpu.memory_space<vmem>>) semaphore(%arg9 : memref<!tpu.dma_semaphore, #tpu.memory_space<semaphore_mem>>)
    %dma_start3A_184 = arith.constant 15 : i32
    %dma_start3A_185 = arith.constant 15 : i32
    %dma_start3A_186 = arith.constant 0 : i32
    %dma_start3A_187 = arith.constant 0 : i32
    %dma_start3A_188 = tpu.memref_slice %arg7[%dma_start3A_185, %dma_start3A_186, %dma_start3A_187] : memref<16x100x32xf32, #tpu.memory_space<vmem>> -> memref<1x100x32xf32, #tpu.memory_space<vmem>>
    %dma_start3A_189 = tpu.memref_squeeze %dma_start3A_188 : memref<1x100x32xf32, #tpu.memory_space<vmem>> -> memref<100x32xf32, #tpu.memory_space<vmem>>
    %dma_start3A_190 = arith.constant 0 : i32
    %dma_start3A_191 = tpu.memref_slice %arg5[%dma_start3A_184, %dma_start3A_190] : memref<16x100xi32, #tpu.memory_space<vmem>> -> memref<1x100xi32, #tpu.memory_space<vmem>>
    %dma_start3A_192 = tpu.memref_squeeze %dma_start3A_191 : memref<1x100xi32, #tpu.memory_space<vmem>> -> memref<100xi32, #tpu.memory_space<vmem>>
    %dma_start3A_193 = arith.constant 0 : i32
    %dma_start3A_194 = arith.constant 0 : i32
    %dma_start3A_195 = tpu.memref_slice %arg2[%dma_start3A_193, %dma_start3A_194] : memref<1000000x32xf32, #tpu.memory_space<hbm>> -> memref<1000000x32xf32, #tpu.memory_space<hbm>>
    tpu.enqueue_indirect_dma source(%dma_start3A_195 : memref<1000000x32xf32, #tpu.memory_space<hbm>>) target(%dma_start3A_189 : memref<100x32xf32, #tpu.memory_space<vmem>>) offsets(%dma_start3A_192 : memref<100xi32, #tpu.memory_space<vmem>>) semaphore(%arg9 : memref<!tpu.dma_semaphore, #tpu.memory_space<semaphore_mem>>)
    %add3A_196 = arith.constant 16 : i32
    %add3A_197 = arith.addi %mul3A_2, %add3A_196 : i32
    "tpu.region"() ({
      %run_scoped3A = tpu.sem_alloc : memref<!tpu.dma_semaphore, #tpu.memory_space<semaphore_mem>>
      %dma_start3A_781 = arith.constant 0 : i32
      %dma_start3A_782 = tpu.memref_slice %arg3[%add3A_197, %dma_start3A_781] : memref<16384x100xi32, #tpu.memory_space<hbm>> -> memref<16x100xi32, #tpu.memory_space<hbm>>
      %dma_start3A_783 = arith.constant 0 : i32
      %dma_start3A_784 = tpu.memref_slice %arg3[%add3A_197, %dma_start3A_783] : memref<16384x100xi32, #tpu.memory_space<hbm>> -> memref<16x100xi32, #tpu.memory_space<hbm>>
      tpu.enqueue_dma source(%dma_start3A_784 : memref<16x100xi32, #tpu.memory_space<hbm>>) target(%arg6 : memref<16x100xi32, #tpu.memory_space<vmem>>) target_semaphore(%run_scoped3A : memref<!tpu.dma_semaphore, #tpu.memory_space<semaphore_mem>>)
      %dma_wait3A_785 = arith.constant 0 : i32
      %dma_wait3A_786 = tpu.memref_slice %arg3[%add3A_197, %dma_wait3A_785] : memref<16384x100xi32, #tpu.memory_space<hbm>> -> memref<16x100xi32, #tpu.memory_space<hbm>>
      %dma_wait3A_787 = arith.constant 0 : i32
      %dma_wait3A_788 = tpu.memref_slice %arg3[%add3A_197, %dma_wait3A_787] : memref<16384x100xi32, #tpu.memory_space<hbm>> -> memref<16x100xi32, #tpu.memory_space<hbm>>
      tpu.wait_dma2 semaphore(%run_scoped3A : memref<!tpu.dma_semaphore, #tpu.memory_space<semaphore_mem>>) src(%dma_wait3A_788 : memref<16x100xi32, #tpu.memory_space<hbm>>) dst(%arg6 : memref<16x100xi32, #tpu.memory_space<vmem>>)
      tpu.yield
    }) : () -> ()
    %dma_start3A_198 = arith.constant 0 : i32
    %dma_start3A_199 = arith.constant 0 : i32
    %dma_start3A_200 = arith.constant 0 : i32
    %dma_start3A_201 = arith.constant 0 : i32
    %dma_start3A_202 = tpu.memref_slice %arg8[%dma_start3A_199, %dma_start3A_200, %dma_start3A_201] : memref<16x100x32xf32, #tpu.memory_space<vmem>> -> memref<1x100x32xf32, #tpu.memory_space<vmem>>
    %dma_start3A_203 = tpu.memref_squeeze %dma_start3A_202 : memref<1x100x32xf32, #tpu.memory_space<vmem>> -> memref<100x32xf32, #tpu.memory_space<vmem>>
    %dma_start3A_204 = arith.constant 0 : i32
    %dma_start3A_205 = tpu.memref_slice %arg6[%dma_start3A_198, %dma_start3A_204] : memref<16x100xi32, #tpu.memory_space<vmem>> -> memref<1x100xi32, #tpu.memory_space<vmem>>
    %dma_start3A_206 = tpu.memref_squeeze %dma_start3A_205 : memref<1x100xi32, #tpu.memory_space<vmem>> -> memref<100xi32, #tpu.memory_space<vmem>>
    %dma_start3A_207 = arith.constant 0 : i32
    %dma_start3A_208 = arith.constant 0 : i32
    %dma_start3A_209 = tpu.memref_slice %arg2[%dma_start3A_207, %dma_start3A_208] : memref<1000000x32xf32, #tpu.memory_space<hbm>> -> memref<1000000x32xf32, #tpu.memory_space<hbm>>
    tpu.enqueue_indirect_dma source(%dma_start3A_209 : memref<1000000x32xf32, #tpu.memory_space<hbm>>) target(%dma_start3A_203 : memref<100x32xf32, #tpu.memory_space<vmem>>) offsets(%dma_start3A_206 : memref<100xi32, #tpu.memory_space<vmem>>) semaphore(%arg10 : memref<!tpu.dma_semaphore, #tpu.memory_space<semaphore_mem>>)
    %dma_start3A_210 = arith.constant 1 : i32
    %dma_start3A_211 = arith.constant 1 : i32
    %dma_start3A_212 = arith.constant 0 : i32
    %dma_start3A_213 = arith.constant 0 : i32
    %dma_start3A_214 = tpu.memref_slice %arg8[%dma_start3A_211, %dma_start3A_212, %dma_start3A_213] : memref<16x100x32xf32, #tpu.memory_space<vmem>> -> memref<1x100x32xf32, #tpu.memory_space<vmem>>
    %dma_start3A_215 = tpu.memref_squeeze %dma_start3A_214 : memref<1x100x32xf32, #tpu.memory_space<vmem>> -> memref<100x32xf32, #tpu.memory_space<vmem>>
    %dma_start3A_216 = arith.constant 0 : i32
    %dma_start3A_217 = tpu.memref_slice %arg6[%dma_start3A_210, %dma_start3A_216] : memref<16x100xi32, #tpu.memory_space<vmem>> -> memref<1x100xi32, #tpu.memory_space<vmem>>
    %dma_start3A_218 = tpu.memref_squeeze %dma_start3A_217 : memref<1x100xi32, #tpu.memory_space<vmem>> -> memref<100xi32, #tpu.memory_space<vmem>>
    %dma_start3A_219 = arith.constant 0 : i32
    %dma_start3A_220 = arith.constant 0 : i32
    %dma_start3A_221 = tpu.memref_slice %arg2[%dma_start3A_219, %dma_start3A_220] : memref<1000000x32xf32, #tpu.memory_space<hbm>> -> memref<1000000x32xf32, #tpu.memory_space<hbm>>
    tpu.enqueue_indirect_dma source(%dma_start3A_221 : memref<1000000x32xf32, #tpu.memory_space<hbm>>) target(%dma_start3A_215 : memref<100x32xf32, #tpu.memory_space<vmem>>) offsets(%dma_start3A_218 : memref<100xi32, #tpu.memory_space<vmem>>) semaphore(%arg10 : memref<!tpu.dma_semaphore, #tpu.memory_space<semaphore_mem>>)
    %dma_start3A_222 = arith.constant 2 : i32
    %dma_start3A_223 = arith.constant 2 : i32
    %dma_start3A_224 = arith.constant 0 : i32
    %dma_start3A_225 = arith.constant 0 : i32
    %dma_start3A_226 = tpu.memref_slice %arg8[%dma_start3A_223, %dma_start3A_224, %dma_start3A_225] : memref<16x100x32xf32, #tpu.memory_space<vmem>> -> memref<1x100x32xf32, #tpu.memory_space<vmem>>
    %dma_start3A_227 = tpu.memref_squeeze %dma_start3A_226 : memref<1x100x32xf32, #tpu.memory_space<vmem>> -> memref<100x32xf32, #tpu.memory_space<vmem>>
    %dma_start3A_228 = arith.constant 0 : i32
    %dma_start3A_229 = tpu.memref_slice %arg6[%dma_start3A_222, %dma_start3A_228] : memref<16x100xi32, #tpu.memory_space<vmem>> -> memref<1x100xi32, #tpu.memory_space<vmem>>
    %dma_start3A_230 = tpu.memref_squeeze %dma_start3A_229 : memref<1x100xi32, #tpu.memory_space<vmem>> -> memref<100xi32, #tpu.memory_space<vmem>>
    %dma_start3A_231 = arith.constant 0 : i32
    %dma_start3A_232 = arith.constant 0 : i32
    %dma_start3A_233 = tpu.memref_slice %arg2[%dma_start3A_231, %dma_start3A_232] : memref<1000000x32xf32, #tpu.memory_space<hbm>> -> memref<1000000x32xf32, #tpu.memory_space<hbm>>
    tpu.enqueue_indirect_dma source(%dma_start3A_233 : memref<1000000x32xf32, #tpu.memory_space<hbm>>) target(%dma_start3A_227 : memref<100x32xf32, #tpu.memory_space<vmem>>) offsets(%dma_start3A_230 : memref<100xi32, #tpu.memory_space<vmem>>) semaphore(%arg10 : memref<!tpu.dma_semaphore, #tpu.memory_space<semaphore_mem>>)
    %dma_start3A_234 = arith.constant 3 : i32
    %dma_start3A_235 = arith.constant 3 : i32
    %dma_start3A_236 = arith.constant 0 : i32
    %dma_start3A_237 = arith.constant 0 : i32
    %dma_start3A_238 = tpu.memref_slice %arg8[%dma_start3A_235, %dma_start3A_236, %dma_start3A_237] : memref<16x100x32xf32, #tpu.memory_space<vmem>> -> memref<1x100x32xf32, #tpu.memory_space<vmem>>
    %dma_start3A_239 = tpu.memref_squeeze %dma_start3A_238 : memref<1x100x32xf32, #tpu.memory_space<vmem>> -> memref<100x32xf32, #tpu.memory_space<vmem>>
    %dma_start3A_240 = arith.constant 0 : i32
    %dma_start3A_241 = tpu.memref_slice %arg6[%dma_start3A_234, %dma_start3A_240] : memref<16x100xi32, #tpu.memory_space<vmem>> -> memref<1x100xi32, #tpu.memory_space<vmem>>
    %dma_start3A_242 = tpu.memref_squeeze %dma_start3A_241 : memref<1x100xi32, #tpu.memory_space<vmem>> -> memref<100xi32, #tpu.memory_space<vmem>>
    %dma_start3A_243 = arith.constant 0 : i32
    %dma_start3A_244 = arith.constant 0 : i32
    %dma_start3A_245 = tpu.memref_slice %arg2[%dma_start3A_243, %dma_start3A_244] : memref<1000000x32xf32, #tpu.memory_space<hbm>> -> memref<1000000x32xf32, #tpu.memory_space<hbm>>
    tpu.enqueue_indirect_dma source(%dma_start3A_245 : memref<1000000x32xf32, #tpu.memory_space<hbm>>) target(%dma_start3A_239 : memref<100x32xf32, #tpu.memory_space<vmem>>) offsets(%dma_start3A_242 : memref<100xi32, #tpu.memory_space<vmem>>) semaphore(%arg10 : memref<!tpu.dma_semaphore, #tpu.memory_space<semaphore_mem>>)
    %dma_start3A_246 = arith.constant 4 : i32
    %dma_start3A_247 = arith.constant 4 : i32
    %dma_start3A_248 = arith.constant 0 : i32
    %dma_start3A_249 = arith.constant 0 : i32
    %dma_start3A_250 = tpu.memref_slice %arg8[%dma_start3A_247, %dma_start3A_248, %dma_start3A_249] : memref<16x100x32xf32, #tpu.memory_space<vmem>> -> memref<1x100x32xf32, #tpu.memory_space<vmem>>
    %dma_start3A_251 = tpu.memref_squeeze %dma_start3A_250 : memref<1x100x32xf32, #tpu.memory_space<vmem>> -> memref<100x32xf32, #tpu.memory_space<vmem>>
    %dma_start3A_252 = arith.constant 0 : i32
    %dma_start3A_253 = tpu.memref_slice %arg6[%dma_start3A_246, %dma_start3A_252] : memref<16x100xi32, #tpu.memory_space<vmem>> -> memref<1x100xi32, #tpu.memory_space<vmem>>
    %dma_start3A_254 = tpu.memref_squeeze %dma_start3A_253 : memref<1x100xi32, #tpu.memory_space<vmem>> -> memref<100xi32, #tpu.memory_space<vmem>>
    %dma_start3A_255 = arith.constant 0 : i32
    %dma_start3A_256 = arith.constant 0 : i32
    %dma_start3A_257 = tpu.memref_slice %arg2[%dma_start3A_255, %dma_start3A_256] : memref<1000000x32xf32, #tpu.memory_space<hbm>> -> memref<1000000x32xf32, #tpu.memory_space<hbm>>
    tpu.enqueue_indirect_dma source(%dma_start3A_257 : memref<1000000x32xf32, #tpu.memory_space<hbm>>) target(%dma_start3A_251 : memref<100x32xf32, #tpu.memory_space<vmem>>) offsets(%dma_start3A_254 : memref<100xi32, #tpu.memory_space<vmem>>) semaphore(%arg10 : memref<!tpu.dma_semaphore, #tpu.memory_space<semaphore_mem>>)
    %dma_start3A_258 = arith.constant 5 : i32
    %dma_start3A_259 = arith.constant 5 : i32
    %dma_start3A_260 = arith.constant 0 : i32
    %dma_start3A_261 = arith.constant 0 : i32
    %dma_start3A_262 = tpu.memref_slice %arg8[%dma_start3A_259, %dma_start3A_260, %dma_start3A_261] : memref<16x100x32xf32, #tpu.memory_space<vmem>> -> memref<1x100x32xf32, #tpu.memory_space<vmem>>
    %dma_start3A_263 = tpu.memref_squeeze %dma_start3A_262 : memref<1x100x32xf32, #tpu.memory_space<vmem>> -> memref<100x32xf32, #tpu.memory_space<vmem>>
    %dma_start3A_264 = arith.constant 0 : i32
    %dma_start3A_265 = tpu.memref_slice %arg6[%dma_start3A_258, %dma_start3A_264] : memref<16x100xi32, #tpu.memory_space<vmem>> -> memref<1x100xi32, #tpu.memory_space<vmem>>
    %dma_start3A_266 = tpu.memref_squeeze %dma_start3A_265 : memref<1x100xi32, #tpu.memory_space<vmem>> -> memref<100xi32, #tpu.memory_space<vmem>>
    %dma_start3A_267 = arith.constant 0 : i32
    %dma_start3A_268 = arith.constant 0 : i32
    %dma_start3A_269 = tpu.memref_slice %arg2[%dma_start3A_267, %dma_start3A_268] : memref<1000000x32xf32, #tpu.memory_space<hbm>> -> memref<1000000x32xf32, #tpu.memory_space<hbm>>
    tpu.enqueue_indirect_dma source(%dma_start3A_269 : memref<1000000x32xf32, #tpu.memory_space<hbm>>) target(%dma_start3A_263 : memref<100x32xf32, #tpu.memory_space<vmem>>) offsets(%dma_start3A_266 : memref<100xi32, #tpu.memory_space<vmem>>) semaphore(%arg10 : memref<!tpu.dma_semaphore, #tpu.memory_space<semaphore_mem>>)
    %dma_start3A_270 = arith.constant 6 : i32
    %dma_start3A_271 = arith.constant 6 : i32
    %dma_start3A_272 = arith.constant 0 : i32
    %dma_start3A_273 = arith.constant 0 : i32
    %dma_start3A_274 = tpu.memref_slice %arg8[%dma_start3A_271, %dma_start3A_272, %dma_start3A_273] : memref<16x100x32xf32, #tpu.memory_space<vmem>> -> memref<1x100x32xf32, #tpu.memory_space<vmem>>
    %dma_start3A_275 = tpu.memref_squeeze %dma_start3A_274 : memref<1x100x32xf32, #tpu.memory_space<vmem>> -> memref<100x32xf32, #tpu.memory_space<vmem>>
    %dma_start3A_276 = arith.constant 0 : i32
    %dma_start3A_277 = tpu.memref_slice %arg6[%dma_start3A_270, %dma_start3A_276] : memref<16x100xi32, #tpu.memory_space<vmem>> -> memref<1x100xi32, #tpu.memory_space<vmem>>
    %dma_start3A_278 = tpu.memref_squeeze %dma_start3A_277 : memref<1x100xi32, #tpu.memory_space<vmem>> -> memref<100xi32, #tpu.memory_space<vmem>>
    %dma_start3A_279 = arith.constant 0 : i32
    %dma_start3A_280 = arith.constant 0 : i32
    %dma_start3A_281 = tpu.memref_slice %arg2[%dma_start3A_279, %dma_start3A_280] : memref<1000000x32xf32, #tpu.memory_space<hbm>> -> memref<1000000x32xf32, #tpu.memory_space<hbm>>
    tpu.enqueue_indirect_dma source(%dma_start3A_281 : memref<1000000x32xf32, #tpu.memory_space<hbm>>) target(%dma_start3A_275 : memref<100x32xf32, #tpu.memory_space<vmem>>) offsets(%dma_start3A_278 : memref<100xi32, #tpu.memory_space<vmem>>) semaphore(%arg10 : memref<!tpu.dma_semaphore, #tpu.memory_space<semaphore_mem>>)
    %dma_start3A_282 = arith.constant 7 : i32
    %dma_start3A_283 = arith.constant 7 : i32
    %dma_start3A_284 = arith.constant 0 : i32
    %dma_start3A_285 = arith.constant 0 : i32
    %dma_start3A_286 = tpu.memref_slice %arg8[%dma_start3A_283, %dma_start3A_284, %dma_start3A_285] : memref<16x100x32xf32, #tpu.memory_space<vmem>> -> memref<1x100x32xf32, #tpu.memory_space<vmem>>
    %dma_start3A_287 = tpu.memref_squeeze %dma_start3A_286 : memref<1x100x32xf32, #tpu.memory_space<vmem>> -> memref<100x32xf32, #tpu.memory_space<vmem>>
    %dma_start3A_288 = arith.constant 0 : i32
    %dma_start3A_289 = tpu.memref_slice %arg6[%dma_start3A_282, %dma_start3A_288] : memref<16x100xi32, #tpu.memory_space<vmem>> -> memref<1x100xi32, #tpu.memory_space<vmem>>
    %dma_start3A_290 = tpu.memref_squeeze %dma_start3A_289 : memref<1x100xi32, #tpu.memory_space<vmem>> -> memref<100xi32, #tpu.memory_space<vmem>>
    %dma_start3A_291 = arith.constant 0 : i32
    %dma_start3A_292 = arith.constant 0 : i32
    %dma_start3A_293 = tpu.memref_slice %arg2[%dma_start3A_291, %dma_start3A_292] : memref<1000000x32xf32, #tpu.memory_space<hbm>> -> memref<1000000x32xf32, #tpu.memory_space<hbm>>
    tpu.enqueue_indirect_dma source(%dma_start3A_293 : memref<1000000x32xf32, #tpu.memory_space<hbm>>) target(%dma_start3A_287 : memref<100x32xf32, #tpu.memory_space<vmem>>) offsets(%dma_start3A_290 : memref<100xi32, #tpu.memory_space<vmem>>) semaphore(%arg10 : memref<!tpu.dma_semaphore, #tpu.memory_space<semaphore_mem>>)
    %dma_start3A_294 = arith.constant 8 : i32
    %dma_start3A_295 = arith.constant 8 : i32
    %dma_start3A_296 = arith.constant 0 : i32
    %dma_start3A_297 = arith.constant 0 : i32
    %dma_start3A_298 = tpu.memref_slice %arg8[%dma_start3A_295, %dma_start3A_296, %dma_start3A_297] : memref<16x100x32xf32, #tpu.memory_space<vmem>> -> memref<1x100x32xf32, #tpu.memory_space<vmem>>
    %dma_start3A_299 = tpu.memref_squeeze %dma_start3A_298 : memref<1x100x32xf32, #tpu.memory_space<vmem>> -> memref<100x32xf32, #tpu.memory_space<vmem>>
    %dma_start3A_300 = arith.constant 0 : i32
    %dma_start3A_301 = tpu.memref_slice %arg6[%dma_start3A_294, %dma_start3A_300] : memref<16x100xi32, #tpu.memory_space<vmem>> -> memref<1x100xi32, #tpu.memory_space<vmem>>
    %dma_start3A_302 = tpu.memref_squeeze %dma_start3A_301 : memref<1x100xi32, #tpu.memory_space<vmem>> -> memref<100xi32, #tpu.memory_space<vmem>>
    %dma_start3A_303 = arith.constant 0 : i32
    %dma_start3A_304 = arith.constant 0 : i32
    %dma_start3A_305 = tpu.memref_slice %arg2[%dma_start3A_303, %dma_start3A_304] : memref<1000000x32xf32, #tpu.memory_space<hbm>> -> memref<1000000x32xf32, #tpu.memory_space<hbm>>
    tpu.enqueue_indirect_dma source(%dma_start3A_305 : memref<1000000x32xf32, #tpu.memory_space<hbm>>) target(%dma_start3A_299 : memref<100x32xf32, #tpu.memory_space<vmem>>) offsets(%dma_start3A_302 : memref<100xi32, #tpu.memory_space<vmem>>) semaphore(%arg10 : memref<!tpu.dma_semaphore, #tpu.memory_space<semaphore_mem>>)
    %dma_start3A_306 = arith.constant 9 : i32
    %dma_start3A_307 = arith.constant 9 : i32
    %dma_start3A_308 = arith.constant 0 : i32
    %dma_start3A_309 = arith.constant 0 : i32
    %dma_start3A_310 = tpu.memref_slice %arg8[%dma_start3A_307, %dma_start3A_308, %dma_start3A_309] : memref<16x100x32xf32, #tpu.memory_space<vmem>> -> memref<1x100x32xf32, #tpu.memory_space<vmem>>
    %dma_start3A_311 = tpu.memref_squeeze %dma_start3A_310 : memref<1x100x32xf32, #tpu.memory_space<vmem>> -> memref<100x32xf32, #tpu.memory_space<vmem>>
    %dma_start3A_312 = arith.constant 0 : i32
    %dma_start3A_313 = tpu.memref_slice %arg6[%dma_start3A_306, %dma_start3A_312] : memref<16x100xi32, #tpu.memory_space<vmem>> -> memref<1x100xi32, #tpu.memory_space<vmem>>
    %dma_start3A_314 = tpu.memref_squeeze %dma_start3A_313 : memref<1x100xi32, #tpu.memory_space<vmem>> -> memref<100xi32, #tpu.memory_space<vmem>>
    %dma_start3A_315 = arith.constant 0 : i32
    %dma_start3A_316 = arith.constant 0 : i32
    %dma_start3A_317 = tpu.memref_slice %arg2[%dma_start3A_315, %dma_start3A_316] : memref<1000000x32xf32, #tpu.memory_space<hbm>> -> memref<1000000x32xf32, #tpu.memory_space<hbm>>
    tpu.enqueue_indirect_dma source(%dma_start3A_317 : memref<1000000x32xf32, #tpu.memory_space<hbm>>) target(%dma_start3A_311 : memref<100x32xf32, #tpu.memory_space<vmem>>) offsets(%dma_start3A_314 : memref<100xi32, #tpu.memory_space<vmem>>) semaphore(%arg10 : memref<!tpu.dma_semaphore, #tpu.memory_space<semaphore_mem>>)
    %dma_start3A_318 = arith.constant 10 : i32
    %dma_start3A_319 = arith.constant 10 : i32
    %dma_start3A_320 = arith.constant 0 : i32
    %dma_start3A_321 = arith.constant 0 : i32
    %dma_start3A_322 = tpu.memref_slice %arg8[%dma_start3A_319, %dma_start3A_320, %dma_start3A_321] : memref<16x100x32xf32, #tpu.memory_space<vmem>> -> memref<1x100x32xf32, #tpu.memory_space<vmem>>
    %dma_start3A_323 = tpu.memref_squeeze %dma_start3A_322 : memref<1x100x32xf32, #tpu.memory_space<vmem>> -> memref<100x32xf32, #tpu.memory_space<vmem>>
    %dma_start3A_324 = arith.constant 0 : i32
    %dma_start3A_325 = tpu.memref_slice %arg6[%dma_start3A_318, %dma_start3A_324] : memref<16x100xi32, #tpu.memory_space<vmem>> -> memref<1x100xi32, #tpu.memory_space<vmem>>
    %dma_start3A_326 = tpu.memref_squeeze %dma_start3A_325 : memref<1x100xi32, #tpu.memory_space<vmem>> -> memref<100xi32, #tpu.memory_space<vmem>>
    %dma_start3A_327 = arith.constant 0 : i32
    %dma_start3A_328 = arith.constant 0 : i32
    %dma_start3A_329 = tpu.memref_slice %arg2[%dma_start3A_327, %dma_start3A_328] : memref<1000000x32xf32, #tpu.memory_space<hbm>> -> memref<1000000x32xf32, #tpu.memory_space<hbm>>
    tpu.enqueue_indirect_dma source(%dma_start3A_329 : memref<1000000x32xf32, #tpu.memory_space<hbm>>) target(%dma_start3A_323 : memref<100x32xf32, #tpu.memory_space<vmem>>) offsets(%dma_start3A_326 : memref<100xi32, #tpu.memory_space<vmem>>) semaphore(%arg10 : memref<!tpu.dma_semaphore, #tpu.memory_space<semaphore_mem>>)
    %dma_start3A_330 = arith.constant 11 : i32
    %dma_start3A_331 = arith.constant 11 : i32
    %dma_start3A_332 = arith.constant 0 : i32
    %dma_start3A_333 = arith.constant 0 : i32
    %dma_start3A_334 = tpu.memref_slice %arg8[%dma_start3A_331, %dma_start3A_332, %dma_start3A_333] : memref<16x100x32xf32, #tpu.memory_space<vmem>> -> memref<1x100x32xf32, #tpu.memory_space<vmem>>
    %dma_start3A_335 = tpu.memref_squeeze %dma_start3A_334 : memref<1x100x32xf32, #tpu.memory_space<vmem>> -> memref<100x32xf32, #tpu.memory_space<vmem>>
    %dma_start3A_336 = arith.constant 0 : i32
    %dma_start3A_337 = tpu.memref_slice %arg6[%dma_start3A_330, %dma_start3A_336] : memref<16x100xi32, #tpu.memory_space<vmem>> -> memref<1x100xi32, #tpu.memory_space<vmem>>
    %dma_start3A_338 = tpu.memref_squeeze %dma_start3A_337 : memref<1x100xi32, #tpu.memory_space<vmem>> -> memref<100xi32, #tpu.memory_space<vmem>>
    %dma_start3A_339 = arith.constant 0 : i32
    %dma_start3A_340 = arith.constant 0 : i32
    %dma_start3A_341 = tpu.memref_slice %arg2[%dma_start3A_339, %dma_start3A_340] : memref<1000000x32xf32, #tpu.memory_space<hbm>> -> memref<1000000x32xf32, #tpu.memory_space<hbm>>
    tpu.enqueue_indirect_dma source(%dma_start3A_341 : memref<1000000x32xf32, #tpu.memory_space<hbm>>) target(%dma_start3A_335 : memref<100x32xf32, #tpu.memory_space<vmem>>) offsets(%dma_start3A_338 : memref<100xi32, #tpu.memory_space<vmem>>) semaphore(%arg10 : memref<!tpu.dma_semaphore, #tpu.memory_space<semaphore_mem>>)
    %dma_start3A_342 = arith.constant 12 : i32
    %dma_start3A_343 = arith.constant 12 : i32
    %dma_start3A_344 = arith.constant 0 : i32
    %dma_start3A_345 = arith.constant 0 : i32
    %dma_start3A_346 = tpu.memref_slice %arg8[%dma_start3A_343, %dma_start3A_344, %dma_start3A_345] : memref<16x100x32xf32, #tpu.memory_space<vmem>> -> memref<1x100x32xf32, #tpu.memory_space<vmem>>
    %dma_start3A_347 = tpu.memref_squeeze %dma_start3A_346 : memref<1x100x32xf32, #tpu.memory_space<vmem>> -> memref<100x32xf32, #tpu.memory_space<vmem>>
    %dma_start3A_348 = arith.constant 0 : i32
    %dma_start3A_349 = tpu.memref_slice %arg6[%dma_start3A_342, %dma_start3A_348] : memref<16x100xi32, #tpu.memory_space<vmem>> -> memref<1x100xi32, #tpu.memory_space<vmem>>
    %dma_start3A_350 = tpu.memref_squeeze %dma_start3A_349 : memref<1x100xi32, #tpu.memory_space<vmem>> -> memref<100xi32, #tpu.memory_space<vmem>>
    %dma_start3A_351 = arith.constant 0 : i32
    %dma_start3A_352 = arith.constant 0 : i32
    %dma_start3A_353 = tpu.memref_slice %arg2[%dma_start3A_351, %dma_start3A_352] : memref<1000000x32xf32, #tpu.memory_space<hbm>> -> memref<1000000x32xf32, #tpu.memory_space<hbm>>
    tpu.enqueue_indirect_dma source(%dma_start3A_353 : memref<1000000x32xf32, #tpu.memory_space<hbm>>) target(%dma_start3A_347 : memref<100x32xf32, #tpu.memory_space<vmem>>) offsets(%dma_start3A_350 : memref<100xi32, #tpu.memory_space<vmem>>) semaphore(%arg10 : memref<!tpu.dma_semaphore, #tpu.memory_space<semaphore_mem>>)
    %dma_start3A_354 = arith.constant 13 : i32
    %dma_start3A_355 = arith.constant 13 : i32
    %dma_start3A_356 = arith.constant 0 : i32
    %dma_start3A_357 = arith.constant 0 : i32
    %dma_start3A_358 = tpu.memref_slice %arg8[%dma_start3A_355, %dma_start3A_356, %dma_start3A_357] : memref<16x100x32xf32, #tpu.memory_space<vmem>> -> memref<1x100x32xf32, #tpu.memory_space<vmem>>
    %dma_start3A_359 = tpu.memref_squeeze %dma_start3A_358 : memref<1x100x32xf32, #tpu.memory_space<vmem>> -> memref<100x32xf32, #tpu.memory_space<vmem>>
    %dma_start3A_360 = arith.constant 0 : i32
    %dma_start3A_361 = tpu.memref_slice %arg6[%dma_start3A_354, %dma_start3A_360] : memref<16x100xi32, #tpu.memory_space<vmem>> -> memref<1x100xi32, #tpu.memory_space<vmem>>
    %dma_start3A_362 = tpu.memref_squeeze %dma_start3A_361 : memref<1x100xi32, #tpu.memory_space<vmem>> -> memref<100xi32, #tpu.memory_space<vmem>>
    %dma_start3A_363 = arith.constant 0 : i32
    %dma_start3A_364 = arith.constant 0 : i32
    %dma_start3A_365 = tpu.memref_slice %arg2[%dma_start3A_363, %dma_start3A_364] : memref<1000000x32xf32, #tpu.memory_space<hbm>> -> memref<1000000x32xf32, #tpu.memory_space<hbm>>
    tpu.enqueue_indirect_dma source(%dma_start3A_365 : memref<1000000x32xf32, #tpu.memory_space<hbm>>) target(%dma_start3A_359 : memref<100x32xf32, #tpu.memory_space<vmem>>) offsets(%dma_start3A_362 : memref<100xi32, #tpu.memory_space<vmem>>) semaphore(%arg10 : memref<!tpu.dma_semaphore, #tpu.memory_space<semaphore_mem>>)
    %dma_start3A_366 = arith.constant 14 : i32
    %dma_start3A_367 = arith.constant 14 : i32
    %dma_start3A_368 = arith.constant 0 : i32
    %dma_start3A_369 = arith.constant 0 : i32
    %dma_start3A_370 = tpu.memref_slice %arg8[%dma_start3A_367, %dma_start3A_368, %dma_start3A_369] : memref<16x100x32xf32, #tpu.memory_space<vmem>> -> memref<1x100x32xf32, #tpu.memory_space<vmem>>
    %dma_start3A_371 = tpu.memref_squeeze %dma_start3A_370 : memref<1x100x32xf32, #tpu.memory_space<vmem>> -> memref<100x32xf32, #tpu.memory_space<vmem>>
    %dma_start3A_372 = arith.constant 0 : i32
    %dma_start3A_373 = tpu.memref_slice %arg6[%dma_start3A_366, %dma_start3A_372] : memref<16x100xi32, #tpu.memory_space<vmem>> -> memref<1x100xi32, #tpu.memory_space<vmem>>
    %dma_start3A_374 = tpu.memref_squeeze %dma_start3A_373 : memref<1x100xi32, #tpu.memory_space<vmem>> -> memref<100xi32, #tpu.memory_space<vmem>>
    %dma_start3A_375 = arith.constant 0 : i32
    %dma_start3A_376 = arith.constant 0 : i32
    %dma_start3A_377 = tpu.memref_slice %arg2[%dma_start3A_375, %dma_start3A_376] : memref<1000000x32xf32, #tpu.memory_space<hbm>> -> memref<1000000x32xf32, #tpu.memory_space<hbm>>
    tpu.enqueue_indirect_dma source(%dma_start3A_377 : memref<1000000x32xf32, #tpu.memory_space<hbm>>) target(%dma_start3A_371 : memref<100x32xf32, #tpu.memory_space<vmem>>) offsets(%dma_start3A_374 : memref<100xi32, #tpu.memory_space<vmem>>) semaphore(%arg10 : memref<!tpu.dma_semaphore, #tpu.memory_space<semaphore_mem>>)
    %dma_start3A_378 = arith.constant 15 : i32
    %dma_start3A_379 = arith.constant 15 : i32
    %dma_start3A_380 = arith.constant 0 : i32
    %dma_start3A_381 = arith.constant 0 : i32
    %dma_start3A_382 = tpu.memref_slice %arg8[%dma_start3A_379, %dma_start3A_380, %dma_start3A_381] : memref<16x100x32xf32, #tpu.memory_space<vmem>> -> memref<1x100x32xf32, #tpu.memory_space<vmem>>
    %dma_start3A_383 = tpu.memref_squeeze %dma_start3A_382 : memref<1x100x32xf32, #tpu.memory_space<vmem>> -> memref<100x32xf32, #tpu.memory_space<vmem>>
    %dma_start3A_384 = arith.constant 0 : i32
    %dma_start3A_385 = tpu.memref_slice %arg6[%dma_start3A_378, %dma_start3A_384] : memref<16x100xi32, #tpu.memory_space<vmem>> -> memref<1x100xi32, #tpu.memory_space<vmem>>
    %dma_start3A_386 = tpu.memref_squeeze %dma_start3A_385 : memref<1x100xi32, #tpu.memory_space<vmem>> -> memref<100xi32, #tpu.memory_space<vmem>>
    %dma_start3A_387 = arith.constant 0 : i32
    %dma_start3A_388 = arith.constant 0 : i32
    %dma_start3A_389 = tpu.memref_slice %arg2[%dma_start3A_387, %dma_start3A_388] : memref<1000000x32xf32, #tpu.memory_space<hbm>> -> memref<1000000x32xf32, #tpu.memory_space<hbm>>
    tpu.enqueue_indirect_dma source(%dma_start3A_389 : memref<1000000x32xf32, #tpu.memory_space<hbm>>) target(%dma_start3A_383 : memref<100x32xf32, #tpu.memory_space<vmem>>) offsets(%dma_start3A_386 : memref<100xi32, #tpu.memory_space<vmem>>) semaphore(%arg10 : memref<!tpu.dma_semaphore, #tpu.memory_space<semaphore_mem>>)
    %scan3A = arith.constant 0 : i32
    %scan3A_390 = arith.constant 15 : i32
    %scan3A_391 = arith.addi %scan3A, %scan3A_390 : i32
    %scan3A_392 = arith.constant 1 : i32
    scf.for %scan3A_781 = %scan3A to %scan3A_391 step %scan3A_392  : i32 {
      %mul3A_782 = arith.constant 2 : i32
      %mul3A_783 = arith.muli %scan3A_781, %mul3A_782 : i32
      %add3A_784 = arith.constant 0 : i32
      %add3A_785 = arith.addi %add3A_784, %mul3A_783 : i32
      %add3A_786 = arith.constant 0 : i32
      %add3A_787 = arith.addi %add3A_785, %add3A_786 : i32
      %dma_wait3A_788 = arith.constant 0 : i32
      %dma_wait3A_789 = arith.constant 0 : i32
      %dma_wait3A_790 = arith.constant 0 : i32
      %dma_wait3A_791 = arith.constant 0 : i32
      %dma_wait3A_792 = tpu.memref_slice %arg7[%dma_wait3A_789, %dma_wait3A_790, %dma_wait3A_791] : memref<16x100x32xf32, #tpu.memory_space<vmem>> -> memref<1x100x32xf32, #tpu.memory_space<vmem>>
      %dma_wait3A_793 = tpu.memref_squeeze %dma_wait3A_792 : memref<1x100x32xf32, #tpu.memory_space<vmem>> -> memref<100x32xf32, #tpu.memory_space<vmem>>
      %dma_wait3A_794 = arith.constant 0 : i32
      %dma_wait3A_795 = tpu.memref_slice %arg5[%dma_wait3A_788, %dma_wait3A_794] : memref<16x100xi32, #tpu.memory_space<vmem>> -> memref<1x100xi32, #tpu.memory_space<vmem>>
      %dma_wait3A_796 = tpu.memref_squeeze %dma_wait3A_795 : memref<1x100xi32, #tpu.memory_space<vmem>> -> memref<100xi32, #tpu.memory_space<vmem>>
      %dma_wait3A_797 = arith.constant 0 : i32
      %dma_wait3A_798 = arith.constant 0 : i32
      %dma_wait3A_799 = tpu.memref_slice %arg2[%dma_wait3A_797, %dma_wait3A_798] : memref<1000000x32xf32, #tpu.memory_space<hbm>> -> memref<1000000x32xf32, #tpu.memory_space<hbm>>
      tpu.wait_indirect_dma semaphore(%arg9 : memref<!tpu.dma_semaphore, #tpu.memory_space<semaphore_mem>>) src(%dma_wait3A_799 : memref<1000000x32xf32, #tpu.memory_space<hbm>>) dst(%dma_wait3A_793 : memref<100x32xf32, #tpu.memory_space<vmem>>)
      %dma_wait3A_800 = arith.constant 1 : i32
      %dma_wait3A_801 = arith.constant 1 : i32
      %dma_wait3A_802 = arith.constant 0 : i32
      %dma_wait3A_803 = arith.constant 0 : i32
      %dma_wait3A_804 = tpu.memref_slice %arg7[%dma_wait3A_801, %dma_wait3A_802, %dma_wait3A_803] : memref<16x100x32xf32, #tpu.memory_space<vmem>> -> memref<1x100x32xf32, #tpu.memory_space<vmem>>
      %dma_wait3A_805 = tpu.memref_squeeze %dma_wait3A_804 : memref<1x100x32xf32, #tpu.memory_space<vmem>> -> memref<100x32xf32, #tpu.memory_space<vmem>>
      %dma_wait3A_806 = arith.constant 0 : i32
      %dma_wait3A_807 = tpu.memref_slice %arg5[%dma_wait3A_800, %dma_wait3A_806] : memref<16x100xi32, #tpu.memory_space<vmem>> -> memref<1x100xi32, #tpu.memory_space<vmem>>
      %dma_wait3A_808 = tpu.memref_squeeze %dma_wait3A_807 : memref<1x100xi32, #tpu.memory_space<vmem>> -> memref<100xi32, #tpu.memory_space<vmem>>
      %dma_wait3A_809 = arith.constant 0 : i32
      %dma_wait3A_810 = arith.constant 0 : i32
      %dma_wait3A_811 = tpu.memref_slice %arg2[%dma_wait3A_809, %dma_wait3A_810] : memref<1000000x32xf32, #tpu.memory_space<hbm>> -> memref<1000000x32xf32, #tpu.memory_space<hbm>>
      tpu.wait_indirect_dma semaphore(%arg9 : memref<!tpu.dma_semaphore, #tpu.memory_space<semaphore_mem>>) src(%dma_wait3A_811 : memref<1000000x32xf32, #tpu.memory_space<hbm>>) dst(%dma_wait3A_805 : memref<100x32xf32, #tpu.memory_space<vmem>>)
      %dma_wait3A_812 = arith.constant 2 : i32
      %dma_wait3A_813 = arith.constant 2 : i32
      %dma_wait3A_814 = arith.constant 0 : i32
      %dma_wait3A_815 = arith.constant 0 : i32
      %dma_wait3A_816 = tpu.memref_slice %arg7[%dma_wait3A_813, %dma_wait3A_814, %dma_wait3A_815] : memref<16x100x32xf32, #tpu.memory_space<vmem>> -> memref<1x100x32xf32, #tpu.memory_space<vmem>>
      %dma_wait3A_817 = tpu.memref_squeeze %dma_wait3A_816 : memref<1x100x32xf32, #tpu.memory_space<vmem>> -> memref<100x32xf32, #tpu.memory_space<vmem>>
      %dma_wait3A_818 = arith.constant 0 : i32
      %dma_wait3A_819 = tpu.memref_slice %arg5[%dma_wait3A_812, %dma_wait3A_818] : memref<16x100xi32, #tpu.memory_space<vmem>> -> memref<1x100xi32, #tpu.memory_space<vmem>>
      %dma_wait3A_820 = tpu.memref_squeeze %dma_wait3A_819 : memref<1x100xi32, #tpu.memory_space<vmem>> -> memref<100xi32, #tpu.memory_space<vmem>>
      %dma_wait3A_821 = arith.constant 0 : i32
      %dma_wait3A_822 = arith.constant 0 : i32
      %dma_wait3A_823 = tpu.memref_slice %arg2[%dma_wait3A_821, %dma_wait3A_822] : memref<1000000x32xf32, #tpu.memory_space<hbm>> -> memref<1000000x32xf32, #tpu.memory_space<hbm>>
      tpu.wait_indirect_dma semaphore(%arg9 : memref<!tpu.dma_semaphore, #tpu.memory_space<semaphore_mem>>) src(%dma_wait3A_823 : memref<1000000x32xf32, #tpu.memory_space<hbm>>) dst(%dma_wait3A_817 : memref<100x32xf32, #tpu.memory_space<vmem>>)
      %dma_wait3A_824 = arith.constant 3 : i32
      %dma_wait3A_825 = arith.constant 3 : i32
      %dma_wait3A_826 = arith.constant 0 : i32
      %dma_wait3A_827 = arith.constant 0 : i32
      %dma_wait3A_828 = tpu.memref_slice %arg7[%dma_wait3A_825, %dma_wait3A_826, %dma_wait3A_827] : memref<16x100x32xf32, #tpu.memory_space<vmem>> -> memref<1x100x32xf32, #tpu.memory_space<vmem>>
      %dma_wait3A_829 = tpu.memref_squeeze %dma_wait3A_828 : memref<1x100x32xf32, #tpu.memory_space<vmem>> -> memref<100x32xf32, #tpu.memory_space<vmem>>
      %dma_wait3A_830 = arith.constant 0 : i32
      %dma_wait3A_831 = tpu.memref_slice %arg5[%dma_wait3A_824, %dma_wait3A_830] : memref<16x100xi32, #tpu.memory_space<vmem>> -> memref<1x100xi32, #tpu.memory_space<vmem>>
      %dma_wait3A_832 = tpu.memref_squeeze %dma_wait3A_831 : memref<1x100xi32, #tpu.memory_space<vmem>> -> memref<100xi32, #tpu.memory_space<vmem>>
      %dma_wait3A_833 = arith.constant 0 : i32
      %dma_wait3A_834 = arith.constant 0 : i32
      %dma_wait3A_835 = tpu.memref_slice %arg2[%dma_wait3A_833, %dma_wait3A_834] : memref<1000000x32xf32, #tpu.memory_space<hbm>> -> memref<1000000x32xf32, #tpu.memory_space<hbm>>
      tpu.wait_indirect_dma semaphore(%arg9 : memref<!tpu.dma_semaphore, #tpu.memory_space<semaphore_mem>>) src(%dma_wait3A_835 : memref<1000000x32xf32, #tpu.memory_space<hbm>>) dst(%dma_wait3A_829 : memref<100x32xf32, #tpu.memory_space<vmem>>)
      %dma_wait3A_836 = arith.constant 4 : i32
      %dma_wait3A_837 = arith.constant 4 : i32
      %dma_wait3A_838 = arith.constant 0 : i32
      %dma_wait3A_839 = arith.constant 0 : i32
      %dma_wait3A_840 = tpu.memref_slice %arg7[%dma_wait3A_837, %dma_wait3A_838, %dma_wait3A_839] : memref<16x100x32xf32, #tpu.memory_space<vmem>> -> memref<1x100x32xf32, #tpu.memory_space<vmem>>
      %dma_wait3A_841 = tpu.memref_squeeze %dma_wait3A_840 : memref<1x100x32xf32, #tpu.memory_space<vmem>> -> memref<100x32xf32, #tpu.memory_space<vmem>>
      %dma_wait3A_842 = arith.constant 0 : i32
      %dma_wait3A_843 = tpu.memref_slice %arg5[%dma_wait3A_836, %dma_wait3A_842] : memref<16x100xi32, #tpu.memory_space<vmem>> -> memref<1x100xi32, #tpu.memory_space<vmem>>
      %dma_wait3A_844 = tpu.memref_squeeze %dma_wait3A_843 : memref<1x100xi32, #tpu.memory_space<vmem>> -> memref<100xi32, #tpu.memory_space<vmem>>
      %dma_wait3A_845 = arith.constant 0 : i32
      %dma_wait3A_846 = arith.constant 0 : i32
      %dma_wait3A_847 = tpu.memref_slice %arg2[%dma_wait3A_845, %dma_wait3A_846] : memref<1000000x32xf32, #tpu.memory_space<hbm>> -> memref<1000000x32xf32, #tpu.memory_space<hbm>>
      tpu.wait_indirect_dma semaphore(%arg9 : memref<!tpu.dma_semaphore, #tpu.memory_space<semaphore_mem>>) src(%dma_wait3A_847 : memref<1000000x32xf32, #tpu.memory_space<hbm>>) dst(%dma_wait3A_841 : memref<100x32xf32, #tpu.memory_space<vmem>>)
      %dma_wait3A_848 = arith.constant 5 : i32
      %dma_wait3A_849 = arith.constant 5 : i32
      %dma_wait3A_850 = arith.constant 0 : i32
      %dma_wait3A_851 = arith.constant 0 : i32
      %dma_wait3A_852 = tpu.memref_slice %arg7[%dma_wait3A_849, %dma_wait3A_850, %dma_wait3A_851] : memref<16x100x32xf32, #tpu.memory_space<vmem>> -> memref<1x100x32xf32, #tpu.memory_space<vmem>>
      %dma_wait3A_853 = tpu.memref_squeeze %dma_wait3A_852 : memref<1x100x32xf32, #tpu.memory_space<vmem>> -> memref<100x32xf32, #tpu.memory_space<vmem>>
      %dma_wait3A_854 = arith.constant 0 : i32
      %dma_wait3A_855 = tpu.memref_slice %arg5[%dma_wait3A_848, %dma_wait3A_854] : memref<16x100xi32, #tpu.memory_space<vmem>> -> memref<1x100xi32, #tpu.memory_space<vmem>>
      %dma_wait3A_856 = tpu.memref_squeeze %dma_wait3A_855 : memref<1x100xi32, #tpu.memory_space<vmem>> -> memref<100xi32, #tpu.memory_space<vmem>>
      %dma_wait3A_857 = arith.constant 0 : i32
      %dma_wait3A_858 = arith.constant 0 : i32
      %dma_wait3A_859 = tpu.memref_slice %arg2[%dma_wait3A_857, %dma_wait3A_858] : memref<1000000x32xf32, #tpu.memory_space<hbm>> -> memref<1000000x32xf32, #tpu.memory_space<hbm>>
      tpu.wait_indirect_dma semaphore(%arg9 : memref<!tpu.dma_semaphore, #tpu.memory_space<semaphore_mem>>) src(%dma_wait3A_859 : memref<1000000x32xf32, #tpu.memory_space<hbm>>) dst(%dma_wait3A_853 : memref<100x32xf32, #tpu.memory_space<vmem>>)
      %dma_wait3A_860 = arith.constant 6 : i32
      %dma_wait3A_861 = arith.constant 6 : i32
      %dma_wait3A_862 = arith.constant 0 : i32
      %dma_wait3A_863 = arith.constant 0 : i32
      %dma_wait3A_864 = tpu.memref_slice %arg7[%dma_wait3A_861, %dma_wait3A_862, %dma_wait3A_863] : memref<16x100x32xf32, #tpu.memory_space<vmem>> -> memref<1x100x32xf32, #tpu.memory_space<vmem>>
      %dma_wait3A_865 = tpu.memref_squeeze %dma_wait3A_864 : memref<1x100x32xf32, #tpu.memory_space<vmem>> -> memref<100x32xf32, #tpu.memory_space<vmem>>
      %dma_wait3A_866 = arith.constant 0 : i32
      %dma_wait3A_867 = tpu.memref_slice %arg5[%dma_wait3A_860, %dma_wait3A_866] : memref<16x100xi32, #tpu.memory_space<vmem>> -> memref<1x100xi32, #tpu.memory_space<vmem>>
      %dma_wait3A_868 = tpu.memref_squeeze %dma_wait3A_867 : memref<1x100xi32, #tpu.memory_space<vmem>> -> memref<100xi32, #tpu.memory_space<vmem>>
      %dma_wait3A_869 = arith.constant 0 : i32
      %dma_wait3A_870 = arith.constant 0 : i32
      %dma_wait3A_871 = tpu.memref_slice %arg2[%dma_wait3A_869, %dma_wait3A_870] : memref<1000000x32xf32, #tpu.memory_space<hbm>> -> memref<1000000x32xf32, #tpu.memory_space<hbm>>
      tpu.wait_indirect_dma semaphore(%arg9 : memref<!tpu.dma_semaphore, #tpu.memory_space<semaphore_mem>>) src(%dma_wait3A_871 : memref<1000000x32xf32, #tpu.memory_space<hbm>>) dst(%dma_wait3A_865 : memref<100x32xf32, #tpu.memory_space<vmem>>)
      %dma_wait3A_872 = arith.constant 7 : i32
      %dma_wait3A_873 = arith.constant 7 : i32
      %dma_wait3A_874 = arith.constant 0 : i32
      %dma_wait3A_875 = arith.constant 0 : i32
      %dma_wait3A_876 = tpu.memref_slice %arg7[%dma_wait3A_873, %dma_wait3A_874, %dma_wait3A_875] : memref<16x100x32xf32, #tpu.memory_space<vmem>> -> memref<1x100x32xf32, #tpu.memory_space<vmem>>
      %dma_wait3A_877 = tpu.memref_squeeze %dma_wait3A_876 : memref<1x100x32xf32, #tpu.memory_space<vmem>> -> memref<100x32xf32, #tpu.memory_space<vmem>>
      %dma_wait3A_878 = arith.constant 0 : i32
      %dma_wait3A_879 = tpu.memref_slice %arg5[%dma_wait3A_872, %dma_wait3A_878] : memref<16x100xi32, #tpu.memory_space<vmem>> -> memref<1x100xi32, #tpu.memory_space<vmem>>
      %dma_wait3A_880 = tpu.memref_squeeze %dma_wait3A_879 : memref<1x100xi32, #tpu.memory_space<vmem>> -> memref<100xi32, #tpu.memory_space<vmem>>
      %dma_wait3A_881 = arith.constant 0 : i32
      %dma_wait3A_882 = arith.constant 0 : i32
      %dma_wait3A_883 = tpu.memref_slice %arg2[%dma_wait3A_881, %dma_wait3A_882] : memref<1000000x32xf32, #tpu.memory_space<hbm>> -> memref<1000000x32xf32, #tpu.memory_space<hbm>>
      tpu.wait_indirect_dma semaphore(%arg9 : memref<!tpu.dma_semaphore, #tpu.memory_space<semaphore_mem>>) src(%dma_wait3A_883 : memref<1000000x32xf32, #tpu.memory_space<hbm>>) dst(%dma_wait3A_877 : memref<100x32xf32, #tpu.memory_space<vmem>>)
      %dma_wait3A_884 = arith.constant 8 : i32
      %dma_wait3A_885 = arith.constant 8 : i32
      %dma_wait3A_886 = arith.constant 0 : i32
      %dma_wait3A_887 = arith.constant 0 : i32
      %dma_wait3A_888 = tpu.memref_slice %arg7[%dma_wait3A_885, %dma_wait3A_886, %dma_wait3A_887] : memref<16x100x32xf32, #tpu.memory_space<vmem>> -> memref<1x100x32xf32, #tpu.memory_space<vmem>>
      %dma_wait3A_889 = tpu.memref_squeeze %dma_wait3A_888 : memref<1x100x32xf32, #tpu.memory_space<vmem>> -> memref<100x32xf32, #tpu.memory_space<vmem>>
      %dma_wait3A_890 = arith.constant 0 : i32
      %dma_wait3A_891 = tpu.memref_slice %arg5[%dma_wait3A_884, %dma_wait3A_890] : memref<16x100xi32, #tpu.memory_space<vmem>> -> memref<1x100xi32, #tpu.memory_space<vmem>>
      %dma_wait3A_892 = tpu.memref_squeeze %dma_wait3A_891 : memref<1x100xi32, #tpu.memory_space<vmem>> -> memref<100xi32, #tpu.memory_space<vmem>>
      %dma_wait3A_893 = arith.constant 0 : i32
      %dma_wait3A_894 = arith.constant 0 : i32
      %dma_wait3A_895 = tpu.memref_slice %arg2[%dma_wait3A_893, %dma_wait3A_894] : memref<1000000x32xf32, #tpu.memory_space<hbm>> -> memref<1000000x32xf32, #tpu.memory_space<hbm>>
      tpu.wait_indirect_dma semaphore(%arg9 : memref<!tpu.dma_semaphore, #tpu.memory_space<semaphore_mem>>) src(%dma_wait3A_895 : memref<1000000x32xf32, #tpu.memory_space<hbm>>) dst(%dma_wait3A_889 : memref<100x32xf32, #tpu.memory_space<vmem>>)
      %dma_wait3A_896 = arith.constant 9 : i32
      %dma_wait3A_897 = arith.constant 9 : i32
      %dma_wait3A_898 = arith.constant 0 : i32
      %dma_wait3A_899 = arith.constant 0 : i32
      %dma_wait3A_900 = tpu.memref_slice %arg7[%dma_wait3A_897, %dma_wait3A_898, %dma_wait3A_899] : memref<16x100x32xf32, #tpu.memory_space<vmem>> -> memref<1x100x32xf32, #tpu.memory_space<vmem>>
      %dma_wait3A_901 = tpu.memref_squeeze %dma_wait3A_900 : memref<1x100x32xf32, #tpu.memory_space<vmem>> -> memref<100x32xf32, #tpu.memory_space<vmem>>
      %dma_wait3A_902 = arith.constant 0 : i32
      %dma_wait3A_903 = tpu.memref_slice %arg5[%dma_wait3A_896, %dma_wait3A_902] : memref<16x100xi32, #tpu.memory_space<vmem>> -> memref<1x100xi32, #tpu.memory_space<vmem>>
      %dma_wait3A_904 = tpu.memref_squeeze %dma_wait3A_903 : memref<1x100xi32, #tpu.memory_space<vmem>> -> memref<100xi32, #tpu.memory_space<vmem>>
      %dma_wait3A_905 = arith.constant 0 : i32
      %dma_wait3A_906 = arith.constant 0 : i32
      %dma_wait3A_907 = tpu.memref_slice %arg2[%dma_wait3A_905, %dma_wait3A_906] : memref<1000000x32xf32, #tpu.memory_space<hbm>> -> memref<1000000x32xf32, #tpu.memory_space<hbm>>
      tpu.wait_indirect_dma semaphore(%arg9 : memref<!tpu.dma_semaphore, #tpu.memory_space<semaphore_mem>>) src(%dma_wait3A_907 : memref<1000000x32xf32, #tpu.memory_space<hbm>>) dst(%dma_wait3A_901 : memref<100x32xf32, #tpu.memory_space<vmem>>)
      %dma_wait3A_908 = arith.constant 10 : i32
      %dma_wait3A_909 = arith.constant 10 : i32
      %dma_wait3A_910 = arith.constant 0 : i32
      %dma_wait3A_911 = arith.constant 0 : i32
      %dma_wait3A_912 = tpu.memref_slice %arg7[%dma_wait3A_909, %dma_wait3A_910, %dma_wait3A_911] : memref<16x100x32xf32, #tpu.memory_space<vmem>> -> memref<1x100x32xf32, #tpu.memory_space<vmem>>
      %dma_wait3A_913 = tpu.memref_squeeze %dma_wait3A_912 : memref<1x100x32xf32, #tpu.memory_space<vmem>> -> memref<100x32xf32, #tpu.memory_space<vmem>>
      %dma_wait3A_914 = arith.constant 0 : i32
      %dma_wait3A_915 = tpu.memref_slice %arg5[%dma_wait3A_908, %dma_wait3A_914] : memref<16x100xi32, #tpu.memory_space<vmem>> -> memref<1x100xi32, #tpu.memory_space<vmem>>
      %dma_wait3A_916 = tpu.memref_squeeze %dma_wait3A_915 : memref<1x100xi32, #tpu.memory_space<vmem>> -> memref<100xi32, #tpu.memory_space<vmem>>
      %dma_wait3A_917 = arith.constant 0 : i32
      %dma_wait3A_918 = arith.constant 0 : i32
      %dma_wait3A_919 = tpu.memref_slice %arg2[%dma_wait3A_917, %dma_wait3A_918] : memref<1000000x32xf32, #tpu.memory_space<hbm>> -> memref<1000000x32xf32, #tpu.memory_space<hbm>>
      tpu.wait_indirect_dma semaphore(%arg9 : memref<!tpu.dma_semaphore, #tpu.memory_space<semaphore_mem>>) src(%dma_wait3A_919 : memref<1000000x32xf32, #tpu.memory_space<hbm>>) dst(%dma_wait3A_913 : memref<100x32xf32, #tpu.memory_space<vmem>>)
      %dma_wait3A_920 = arith.constant 11 : i32
      %dma_wait3A_921 = arith.constant 11 : i32
      %dma_wait3A_922 = arith.constant 0 : i32
      %dma_wait3A_923 = arith.constant 0 : i32
      %dma_wait3A_924 = tpu.memref_slice %arg7[%dma_wait3A_921, %dma_wait3A_922, %dma_wait3A_923] : memref<16x100x32xf32, #tpu.memory_space<vmem>> -> memref<1x100x32xf32, #tpu.memory_space<vmem>>
      %dma_wait3A_925 = tpu.memref_squeeze %dma_wait3A_924 : memref<1x100x32xf32, #tpu.memory_space<vmem>> -> memref<100x32xf32, #tpu.memory_space<vmem>>
      %dma_wait3A_926 = arith.constant 0 : i32
      %dma_wait3A_927 = tpu.memref_slice %arg5[%dma_wait3A_920, %dma_wait3A_926] : memref<16x100xi32, #tpu.memory_space<vmem>> -> memref<1x100xi32, #tpu.memory_space<vmem>>
      %dma_wait3A_928 = tpu.memref_squeeze %dma_wait3A_927 : memref<1x100xi32, #tpu.memory_space<vmem>> -> memref<100xi32, #tpu.memory_space<vmem>>
      %dma_wait3A_929 = arith.constant 0 : i32
      %dma_wait3A_930 = arith.constant 0 : i32
      %dma_wait3A_931 = tpu.memref_slice %arg2[%dma_wait3A_929, %dma_wait3A_930] : memref<1000000x32xf32, #tpu.memory_space<hbm>> -> memref<1000000x32xf32, #tpu.memory_space<hbm>>
      tpu.wait_indirect_dma semaphore(%arg9 : memref<!tpu.dma_semaphore, #tpu.memory_space<semaphore_mem>>) src(%dma_wait3A_931 : memref<1000000x32xf32, #tpu.memory_space<hbm>>) dst(%dma_wait3A_925 : memref<100x32xf32, #tpu.memory_space<vmem>>)
      %dma_wait3A_932 = arith.constant 12 : i32
      %dma_wait3A_933 = arith.constant 12 : i32
      %dma_wait3A_934 = arith.constant 0 : i32
      %dma_wait3A_935 = arith.constant 0 : i32
      %dma_wait3A_936 = tpu.memref_slice %arg7[%dma_wait3A_933, %dma_wait3A_934, %dma_wait3A_935] : memref<16x100x32xf32, #tpu.memory_space<vmem>> -> memref<1x100x32xf32, #tpu.memory_space<vmem>>
      %dma_wait3A_937 = tpu.memref_squeeze %dma_wait3A_936 : memref<1x100x32xf32, #tpu.memory_space<vmem>> -> memref<100x32xf32, #tpu.memory_space<vmem>>
      %dma_wait3A_938 = arith.constant 0 : i32
      %dma_wait3A_939 = tpu.memref_slice %arg5[%dma_wait3A_932, %dma_wait3A_938] : memref<16x100xi32, #tpu.memory_space<vmem>> -> memref<1x100xi32, #tpu.memory_space<vmem>>
      %dma_wait3A_940 = tpu.memref_squeeze %dma_wait3A_939 : memref<1x100xi32, #tpu.memory_space<vmem>> -> memref<100xi32, #tpu.memory_space<vmem>>
      %dma_wait3A_941 = arith.constant 0 : i32
      %dma_wait3A_942 = arith.constant 0 : i32
      %dma_wait3A_943 = tpu.memref_slice %arg2[%dma_wait3A_941, %dma_wait3A_942] : memref<1000000x32xf32, #tpu.memory_space<hbm>> -> memref<1000000x32xf32, #tpu.memory_space<hbm>>
      tpu.wait_indirect_dma semaphore(%arg9 : memref<!tpu.dma_semaphore, #tpu.memory_space<semaphore_mem>>) src(%dma_wait3A_943 : memref<1000000x32xf32, #tpu.memory_space<hbm>>) dst(%dma_wait3A_937 : memref<100x32xf32, #tpu.memory_space<vmem>>)
      %dma_wait3A_944 = arith.constant 13 : i32
      %dma_wait3A_945 = arith.constant 13 : i32
      %dma_wait3A_946 = arith.constant 0 : i32
      %dma_wait3A_947 = arith.constant 0 : i32
      %dma_wait3A_948 = tpu.memref_slice %arg7[%dma_wait3A_945, %dma_wait3A_946, %dma_wait3A_947] : memref<16x100x32xf32, #tpu.memory_space<vmem>> -> memref<1x100x32xf32, #tpu.memory_space<vmem>>
      %dma_wait3A_949 = tpu.memref_squeeze %dma_wait3A_948 : memref<1x100x32xf32, #tpu.memory_space<vmem>> -> memref<100x32xf32, #tpu.memory_space<vmem>>
      %dma_wait3A_950 = arith.constant 0 : i32
      %dma_wait3A_951 = tpu.memref_slice %arg5[%dma_wait3A_944, %dma_wait3A_950] : memref<16x100xi32, #tpu.memory_space<vmem>> -> memref<1x100xi32, #tpu.memory_space<vmem>>
      %dma_wait3A_952 = tpu.memref_squeeze %dma_wait3A_951 : memref<1x100xi32, #tpu.memory_space<vmem>> -> memref<100xi32, #tpu.memory_space<vmem>>
      %dma_wait3A_953 = arith.constant 0 : i32
      %dma_wait3A_954 = arith.constant 0 : i32
      %dma_wait3A_955 = tpu.memref_slice %arg2[%dma_wait3A_953, %dma_wait3A_954] : memref<1000000x32xf32, #tpu.memory_space<hbm>> -> memref<1000000x32xf32, #tpu.memory_space<hbm>>
      tpu.wait_indirect_dma semaphore(%arg9 : memref<!tpu.dma_semaphore, #tpu.memory_space<semaphore_mem>>) src(%dma_wait3A_955 : memref<1000000x32xf32, #tpu.memory_space<hbm>>) dst(%dma_wait3A_949 : memref<100x32xf32, #tpu.memory_space<vmem>>)
      %dma_wait3A_956 = arith.constant 14 : i32
      %dma_wait3A_957 = arith.constant 14 : i32
      %dma_wait3A_958 = arith.constant 0 : i32
      %dma_wait3A_959 = arith.constant 0 : i32
      %dma_wait3A_960 = tpu.memref_slice %arg7[%dma_wait3A_957, %dma_wait3A_958, %dma_wait3A_959] : memref<16x100x32xf32, #tpu.memory_space<vmem>> -> memref<1x100x32xf32, #tpu.memory_space<vmem>>
      %dma_wait3A_961 = tpu.memref_squeeze %dma_wait3A_960 : memref<1x100x32xf32, #tpu.memory_space<vmem>> -> memref<100x32xf32, #tpu.memory_space<vmem>>
      %dma_wait3A_962 = arith.constant 0 : i32
      %dma_wait3A_963 = tpu.memref_slice %arg5[%dma_wait3A_956, %dma_wait3A_962] : memref<16x100xi32, #tpu.memory_space<vmem>> -> memref<1x100xi32, #tpu.memory_space<vmem>>
      %dma_wait3A_964 = tpu.memref_squeeze %dma_wait3A_963 : memref<1x100xi32, #tpu.memory_space<vmem>> -> memref<100xi32, #tpu.memory_space<vmem>>
      %dma_wait3A_965 = arith.constant 0 : i32
      %dma_wait3A_966 = arith.constant 0 : i32
      %dma_wait3A_967 = tpu.memref_slice %arg2[%dma_wait3A_965, %dma_wait3A_966] : memref<1000000x32xf32, #tpu.memory_space<hbm>> -> memref<1000000x32xf32, #tpu.memory_space<hbm>>
      tpu.wait_indirect_dma semaphore(%arg9 : memref<!tpu.dma_semaphore, #tpu.memory_space<semaphore_mem>>) src(%dma_wait3A_967 : memref<1000000x32xf32, #tpu.memory_space<hbm>>) dst(%dma_wait3A_961 : memref<100x32xf32, #tpu.memory_space<vmem>>)
      %dma_wait3A_968 = arith.constant 15 : i32
      %dma_wait3A_969 = arith.constant 15 : i32
      %dma_wait3A_970 = arith.constant 0 : i32
      %dma_wait3A_971 = arith.constant 0 : i32
      %dma_wait3A_972 = tpu.memref_slice %arg7[%dma_wait3A_969, %dma_wait3A_970, %dma_wait3A_971] : memref<16x100x32xf32, #tpu.memory_space<vmem>> -> memref<1x100x32xf32, #tpu.memory_space<vmem>>
      %dma_wait3A_973 = tpu.memref_squeeze %dma_wait3A_972 : memref<1x100x32xf32, #tpu.memory_space<vmem>> -> memref<100x32xf32, #tpu.memory_space<vmem>>
      %dma_wait3A_974 = arith.constant 0 : i32
      %dma_wait3A_975 = tpu.memref_slice %arg5[%dma_wait3A_968, %dma_wait3A_974] : memref<16x100xi32, #tpu.memory_space<vmem>> -> memref<1x100xi32, #tpu.memory_space<vmem>>
      %dma_wait3A_976 = tpu.memref_squeeze %dma_wait3A_975 : memref<1x100xi32, #tpu.memory_space<vmem>> -> memref<100xi32, #tpu.memory_space<vmem>>
      %dma_wait3A_977 = arith.constant 0 : i32
      %dma_wait3A_978 = arith.constant 0 : i32
      %dma_wait3A_979 = tpu.memref_slice %arg2[%dma_wait3A_977, %dma_wait3A_978] : memref<1000000x32xf32, #tpu.memory_space<hbm>> -> memref<1000000x32xf32, #tpu.memory_space<hbm>>
      tpu.wait_indirect_dma semaphore(%arg9 : memref<!tpu.dma_semaphore, #tpu.memory_space<semaphore_mem>>) src(%dma_wait3A_979 : memref<1000000x32xf32, #tpu.memory_space<hbm>>) dst(%dma_wait3A_973 : memref<100x32xf32, #tpu.memory_space<vmem>>)
      %mul3A_980 = arith.constant 16 : i32
      %mul3A_981 = arith.muli %add3A_787, %mul3A_980 : i32
      %add3A_982 = arith.addi %mul3A_2, %mul3A_981 : i32
      %dma_start3A_983 = arith.constant 0 : i32
      %dma_start3A_984 = arith.constant 0 : i32
      %dma_start3A_985 = tpu.memref_slice %arg4[%add3A_982, %dma_start3A_983, %dma_start3A_984] : memref<16384x100x32xf32, #tpu.memory_space<hbm>> -> memref<16x100x32xf32, #tpu.memory_space<hbm>>
      %dma_start3A_986 = arith.constant 0 : i32
      %dma_start3A_987 = arith.constant 0 : i32
      %dma_start3A_988 = tpu.memref_slice %arg4[%add3A_982, %dma_start3A_986, %dma_start3A_987] : memref<16384x100x32xf32, #tpu.memory_space<hbm>> -> memref<16x100x32xf32, #tpu.memory_space<hbm>>
      tpu.enqueue_dma source(%arg7 : memref<16x100x32xf32, #tpu.memory_space<vmem>>) target(%dma_start3A_988 : memref<16x100x32xf32, #tpu.memory_space<hbm>>) target_semaphore(%arg11 : memref<!tpu.dma_semaphore, #tpu.memory_space<semaphore_mem>>)
      %add3A_989 = arith.constant 2 : i32
      %add3A_990 = arith.addi %add3A_787, %add3A_989 : i32
      %mul3A_991 = arith.constant 16 : i32
      %mul3A_992 = arith.muli %add3A_990, %mul3A_991 : i32
      %add3A_993 = arith.addi %mul3A_2, %mul3A_992 : i32
      "tpu.region"() ({
        %run_scoped3A = tpu.sem_alloc : memref<!tpu.dma_semaphore, #tpu.memory_space<semaphore_mem>>
        %dma_start3A_1604 = arith.constant 0 : i32
        %dma_start3A_1605 = tpu.memref_slice %arg3[%add3A_993, %dma_start3A_1604] : memref<16384x100xi32, #tpu.memory_space<hbm>> -> memref<16x100xi32, #tpu.memory_space<hbm>>
        %dma_start3A_1606 = arith.constant 0 : i32
        %dma_start3A_1607 = tpu.memref_slice %arg3[%add3A_993, %dma_start3A_1606] : memref<16384x100xi32, #tpu.memory_space<hbm>> -> memref<16x100xi32, #tpu.memory_space<hbm>>
        tpu.enqueue_dma source(%dma_start3A_1607 : memref<16x100xi32, #tpu.memory_space<hbm>>) target(%arg5 : memref<16x100xi32, #tpu.memory_space<vmem>>) target_semaphore(%run_scoped3A : memref<!tpu.dma_semaphore, #tpu.memory_space<semaphore_mem>>)
        %dma_wait3A_1608 = arith.constant 0 : i32
        %dma_wait3A_1609 = tpu.memref_slice %arg3[%add3A_993, %dma_wait3A_1608] : memref<16384x100xi32, #tpu.memory_space<hbm>> -> memref<16x100xi32, #tpu.memory_space<hbm>>
        %dma_wait3A_1610 = arith.constant 0 : i32
        %dma_wait3A_1611 = tpu.memref_slice %arg3[%add3A_993, %dma_wait3A_1610] : memref<16384x100xi32, #tpu.memory_space<hbm>> -> memref<16x100xi32, #tpu.memory_space<hbm>>
        tpu.wait_dma2 semaphore(%run_scoped3A : memref<!tpu.dma_semaphore, #tpu.memory_space<semaphore_mem>>) src(%dma_wait3A_1611 : memref<16x100xi32, #tpu.memory_space<hbm>>) dst(%arg5 : memref<16x100xi32, #tpu.memory_space<vmem>>)
        tpu.yield
      }) : () -> ()
      %mul3A_994 = arith.constant 16 : i32
      %mul3A_995 = arith.muli %add3A_787, %mul3A_994 : i32
      %add3A_996 = arith.addi %mul3A_2, %mul3A_995 : i32
      %dma_wait3A_997 = arith.constant 0 : i32
      %dma_wait3A_998 = arith.constant 0 : i32
      %dma_wait3A_999 = tpu.memref_slice %arg4[%add3A_996, %dma_wait3A_997, %dma_wait3A_998] : memref<16384x100x32xf32, #tpu.memory_space<hbm>> -> memref<16x100x32xf32, #tpu.memory_space<hbm>>
      %dma_wait3A_1000 = arith.constant 0 : i32
      %dma_wait3A_1001 = arith.constant 0 : i32
      %dma_wait3A_1002 = tpu.memref_slice %arg4[%add3A_996, %dma_wait3A_1000, %dma_wait3A_1001] : memref<16384x100x32xf32, #tpu.memory_space<hbm>> -> memref<16x100x32xf32, #tpu.memory_space<hbm>>
      tpu.wait_dma2 semaphore(%arg11 : memref<!tpu.dma_semaphore, #tpu.memory_space<semaphore_mem>>) src(%arg7 : memref<16x100x32xf32, #tpu.memory_space<vmem>>) dst(%dma_wait3A_1002 : memref<16x100x32xf32, #tpu.memory_space<hbm>>)
      %dma_start3A_1003 = arith.constant 0 : i32
      %dma_start3A_1004 = arith.constant 0 : i32
      %dma_start3A_1005 = arith.constant 0 : i32
      %dma_start3A_1006 = arith.constant 0 : i32
      %dma_start3A_1007 = tpu.memref_slice %arg7[%dma_start3A_1004, %dma_start3A_1005, %dma_start3A_1006] : memref<16x100x32xf32, #tpu.memory_space<vmem>> -> memref<1x100x32xf32, #tpu.memory_space<vmem>>
      %dma_start3A_1008 = tpu.memref_squeeze %dma_start3A_1007 : memref<1x100x32xf32, #tpu.memory_space<vmem>> -> memref<100x32xf32, #tpu.memory_space<vmem>>
      %dma_start3A_1009 = arith.constant 0 : i32
      %dma_start3A_1010 = tpu.memref_slice %arg5[%dma_start3A_1003, %dma_start3A_1009] : memref<16x100xi32, #tpu.memory_space<vmem>> -> memref<1x100xi32, #tpu.memory_space<vmem>>
      %dma_start3A_1011 = tpu.memref_squeeze %dma_start3A_1010 : memref<1x100xi32, #tpu.memory_space<vmem>> -> memref<100xi32, #tpu.memory_space<vmem>>
      %dma_start3A_1012 = arith.constant 0 : i32
      %dma_start3A_1013 = arith.constant 0 : i32
      %dma_start3A_1014 = tpu.memref_slice %arg2[%dma_start3A_1012, %dma_start3A_1013] : memref<1000000x32xf32, #tpu.memory_space<hbm>> -> memref<1000000x32xf32, #tpu.memory_space<hbm>>
      tpu.enqueue_indirect_dma source(%dma_start3A_1014 : memref<1000000x32xf32, #tpu.memory_space<hbm>>) target(%dma_start3A_1008 : memref<100x32xf32, #tpu.memory_space<vmem>>) offsets(%dma_start3A_1011 : memref<100xi32, #tpu.memory_space<vmem>>) semaphore(%arg9 : memref<!tpu.dma_semaphore, #tpu.memory_space<semaphore_mem>>)
      %dma_start3A_1015 = arith.constant 1 : i32
      %dma_start3A_1016 = arith.constant 1 : i32
      %dma_start3A_1017 = arith.constant 0 : i32
      %dma_start3A_1018 = arith.constant 0 : i32
      %dma_start3A_1019 = tpu.memref_slice %arg7[%dma_start3A_1016, %dma_start3A_1017, %dma_start3A_1018] : memref<16x100x32xf32, #tpu.memory_space<vmem>> -> memref<1x100x32xf32, #tpu.memory_space<vmem>>
      %dma_start3A_1020 = tpu.memref_squeeze %dma_start3A_1019 : memref<1x100x32xf32, #tpu.memory_space<vmem>> -> memref<100x32xf32, #tpu.memory_space<vmem>>
      %dma_start3A_1021 = arith.constant 0 : i32
      %dma_start3A_1022 = tpu.memref_slice %arg5[%dma_start3A_1015, %dma_start3A_1021] : memref<16x100xi32, #tpu.memory_space<vmem>> -> memref<1x100xi32, #tpu.memory_space<vmem>>
      %dma_start3A_1023 = tpu.memref_squeeze %dma_start3A_1022 : memref<1x100xi32, #tpu.memory_space<vmem>> -> memref<100xi32, #tpu.memory_space<vmem>>
      %dma_start3A_1024 = arith.constant 0 : i32
      %dma_start3A_1025 = arith.constant 0 : i32
      %dma_start3A_1026 = tpu.memref_slice %arg2[%dma_start3A_1024, %dma_start3A_1025] : memref<1000000x32xf32, #tpu.memory_space<hbm>> -> memref<1000000x32xf32, #tpu.memory_space<hbm>>
      tpu.enqueue_indirect_dma source(%dma_start3A_1026 : memref<1000000x32xf32, #tpu.memory_space<hbm>>) target(%dma_start3A_1020 : memref<100x32xf32, #tpu.memory_space<vmem>>) offsets(%dma_start3A_1023 : memref<100xi32, #tpu.memory_space<vmem>>) semaphore(%arg9 : memref<!tpu.dma_semaphore, #tpu.memory_space<semaphore_mem>>)
      %dma_start3A_1027 = arith.constant 2 : i32
      %dma_start3A_1028 = arith.constant 2 : i32
      %dma_start3A_1029 = arith.constant 0 : i32
      %dma_start3A_1030 = arith.constant 0 : i32
      %dma_start3A_1031 = tpu.memref_slice %arg7[%dma_start3A_1028, %dma_start3A_1029, %dma_start3A_1030] : memref<16x100x32xf32, #tpu.memory_space<vmem>> -> memref<1x100x32xf32, #tpu.memory_space<vmem>>
      %dma_start3A_1032 = tpu.memref_squeeze %dma_start3A_1031 : memref<1x100x32xf32, #tpu.memory_space<vmem>> -> memref<100x32xf32, #tpu.memory_space<vmem>>
      %dma_start3A_1033 = arith.constant 0 : i32
      %dma_start3A_1034 = tpu.memref_slice %arg5[%dma_start3A_1027, %dma_start3A_1033] : memref<16x100xi32, #tpu.memory_space<vmem>> -> memref<1x100xi32, #tpu.memory_space<vmem>>
      %dma_start3A_1035 = tpu.memref_squeeze %dma_start3A_1034 : memref<1x100xi32, #tpu.memory_space<vmem>> -> memref<100xi32, #tpu.memory_space<vmem>>
      %dma_start3A_1036 = arith.constant 0 : i32
      %dma_start3A_1037 = arith.constant 0 : i32
      %dma_start3A_1038 = tpu.memref_slice %arg2[%dma_start3A_1036, %dma_start3A_1037] : memref<1000000x32xf32, #tpu.memory_space<hbm>> -> memref<1000000x32xf32, #tpu.memory_space<hbm>>
      tpu.enqueue_indirect_dma source(%dma_start3A_1038 : memref<1000000x32xf32, #tpu.memory_space<hbm>>) target(%dma_start3A_1032 : memref<100x32xf32, #tpu.memory_space<vmem>>) offsets(%dma_start3A_1035 : memref<100xi32, #tpu.memory_space<vmem>>) semaphore(%arg9 : memref<!tpu.dma_semaphore, #tpu.memory_space<semaphore_mem>>)
      %dma_start3A_1039 = arith.constant 3 : i32
      %dma_start3A_1040 = arith.constant 3 : i32
      %dma_start3A_1041 = arith.constant 0 : i32
      %dma_start3A_1042 = arith.constant 0 : i32
      %dma_start3A_1043 = tpu.memref_slice %arg7[%dma_start3A_1040, %dma_start3A_1041, %dma_start3A_1042] : memref<16x100x32xf32, #tpu.memory_space<vmem>> -> memref<1x100x32xf32, #tpu.memory_space<vmem>>
      %dma_start3A_1044 = tpu.memref_squeeze %dma_start3A_1043 : memref<1x100x32xf32, #tpu.memory_space<vmem>> -> memref<100x32xf32, #tpu.memory_space<vmem>>
      %dma_start3A_1045 = arith.constant 0 : i32
      %dma_start3A_1046 = tpu.memref_slice %arg5[%dma_start3A_1039, %dma_start3A_1045] : memref<16x100xi32, #tpu.memory_space<vmem>> -> memref<1x100xi32, #tpu.memory_space<vmem>>
      %dma_start3A_1047 = tpu.memref_squeeze %dma_start3A_1046 : memref<1x100xi32, #tpu.memory_space<vmem>> -> memref<100xi32, #tpu.memory_space<vmem>>
      %dma_start3A_1048 = arith.constant 0 : i32
      %dma_start3A_1049 = arith.constant 0 : i32
      %dma_start3A_1050 = tpu.memref_slice %arg2[%dma_start3A_1048, %dma_start3A_1049] : memref<1000000x32xf32, #tpu.memory_space<hbm>> -> memref<1000000x32xf32, #tpu.memory_space<hbm>>
      tpu.enqueue_indirect_dma source(%dma_start3A_1050 : memref<1000000x32xf32, #tpu.memory_space<hbm>>) target(%dma_start3A_1044 : memref<100x32xf32, #tpu.memory_space<vmem>>) offsets(%dma_start3A_1047 : memref<100xi32, #tpu.memory_space<vmem>>) semaphore(%arg9 : memref<!tpu.dma_semaphore, #tpu.memory_space<semaphore_mem>>)
      %dma_start3A_1051 = arith.constant 4 : i32
      %dma_start3A_1052 = arith.constant 4 : i32
      %dma_start3A_1053 = arith.constant 0 : i32
      %dma_start3A_1054 = arith.constant 0 : i32
      %dma_start3A_1055 = tpu.memref_slice %arg7[%dma_start3A_1052, %dma_start3A_1053, %dma_start3A_1054] : memref<16x100x32xf32, #tpu.memory_space<vmem>> -> memref<1x100x32xf32, #tpu.memory_space<vmem>>
      %dma_start3A_1056 = tpu.memref_squeeze %dma_start3A_1055 : memref<1x100x32xf32, #tpu.memory_space<vmem>> -> memref<100x32xf32, #tpu.memory_space<vmem>>
      %dma_start3A_1057 = arith.constant 0 : i32
      %dma_start3A_1058 = tpu.memref_slice %arg5[%dma_start3A_1051, %dma_start3A_1057] : memref<16x100xi32, #tpu.memory_space<vmem>> -> memref<1x100xi32, #tpu.memory_space<vmem>>
      %dma_start3A_1059 = tpu.memref_squeeze %dma_start3A_1058 : memref<1x100xi32, #tpu.memory_space<vmem>> -> memref<100xi32, #tpu.memory_space<vmem>>
      %dma_start3A_1060 = arith.constant 0 : i32
      %dma_start3A_1061 = arith.constant 0 : i32
      %dma_start3A_1062 = tpu.memref_slice %arg2[%dma_start3A_1060, %dma_start3A_1061] : memref<1000000x32xf32, #tpu.memory_space<hbm>> -> memref<1000000x32xf32, #tpu.memory_space<hbm>>
      tpu.enqueue_indirect_dma source(%dma_start3A_1062 : memref<1000000x32xf32, #tpu.memory_space<hbm>>) target(%dma_start3A_1056 : memref<100x32xf32, #tpu.memory_space<vmem>>) offsets(%dma_start3A_1059 : memref<100xi32, #tpu.memory_space<vmem>>) semaphore(%arg9 : memref<!tpu.dma_semaphore, #tpu.memory_space<semaphore_mem>>)
      %dma_start3A_1063 = arith.constant 5 : i32
      %dma_start3A_1064 = arith.constant 5 : i32
      %dma_start3A_1065 = arith.constant 0 : i32
      %dma_start3A_1066 = arith.constant 0 : i32
      %dma_start3A_1067 = tpu.memref_slice %arg7[%dma_start3A_1064, %dma_start3A_1065, %dma_start3A_1066] : memref<16x100x32xf32, #tpu.memory_space<vmem>> -> memref<1x100x32xf32, #tpu.memory_space<vmem>>
      %dma_start3A_1068 = tpu.memref_squeeze %dma_start3A_1067 : memref<1x100x32xf32, #tpu.memory_space<vmem>> -> memref<100x32xf32, #tpu.memory_space<vmem>>
      %dma_start3A_1069 = arith.constant 0 : i32
      %dma_start3A_1070 = tpu.memref_slice %arg5[%dma_start3A_1063, %dma_start3A_1069] : memref<16x100xi32, #tpu.memory_space<vmem>> -> memref<1x100xi32, #tpu.memory_space<vmem>>
      %dma_start3A_1071 = tpu.memref_squeeze %dma_start3A_1070 : memref<1x100xi32, #tpu.memory_space<vmem>> -> memref<100xi32, #tpu.memory_space<vmem>>
      %dma_start3A_1072 = arith.constant 0 : i32
      %dma_start3A_1073 = arith.constant 0 : i32
      %dma_start3A_1074 = tpu.memref_slice %arg2[%dma_start3A_1072, %dma_start3A_1073] : memref<1000000x32xf32, #tpu.memory_space<hbm>> -> memref<1000000x32xf32, #tpu.memory_space<hbm>>
      tpu.enqueue_indirect_dma source(%dma_start3A_1074 : memref<1000000x32xf32, #tpu.memory_space<hbm>>) target(%dma_start3A_1068 : memref<100x32xf32, #tpu.memory_space<vmem>>) offsets(%dma_start3A_1071 : memref<100xi32, #tpu.memory_space<vmem>>) semaphore(%arg9 : memref<!tpu.dma_semaphore, #tpu.memory_space<semaphore_mem>>)
      %dma_start3A_1075 = arith.constant 6 : i32
      %dma_start3A_1076 = arith.constant 6 : i32
      %dma_start3A_1077 = arith.constant 0 : i32
      %dma_start3A_1078 = arith.constant 0 : i32
      %dma_start3A_1079 = tpu.memref_slice %arg7[%dma_start3A_1076, %dma_start3A_1077, %dma_start3A_1078] : memref<16x100x32xf32, #tpu.memory_space<vmem>> -> memref<1x100x32xf32, #tpu.memory_space<vmem>>
      %dma_start3A_1080 = tpu.memref_squeeze %dma_start3A_1079 : memref<1x100x32xf32, #tpu.memory_space<vmem>> -> memref<100x32xf32, #tpu.memory_space<vmem>>
      %dma_start3A_1081 = arith.constant 0 : i32
      %dma_start3A_1082 = tpu.memref_slice %arg5[%dma_start3A_1075, %dma_start3A_1081] : memref<16x100xi32, #tpu.memory_space<vmem>> -> memref<1x100xi32, #tpu.memory_space<vmem>>
      %dma_start3A_1083 = tpu.memref_squeeze %dma_start3A_1082 : memref<1x100xi32, #tpu.memory_space<vmem>> -> memref<100xi32, #tpu.memory_space<vmem>>
      %dma_start3A_1084 = arith.constant 0 : i32
      %dma_start3A_1085 = arith.constant 0 : i32
      %dma_start3A_1086 = tpu.memref_slice %arg2[%dma_start3A_1084, %dma_start3A_1085] : memref<1000000x32xf32, #tpu.memory_space<hbm>> -> memref<1000000x32xf32, #tpu.memory_space<hbm>>
      tpu.enqueue_indirect_dma source(%dma_start3A_1086 : memref<1000000x32xf32, #tpu.memory_space<hbm>>) target(%dma_start3A_1080 : memref<100x32xf32, #tpu.memory_space<vmem>>) offsets(%dma_start3A_1083 : memref<100xi32, #tpu.memory_space<vmem>>) semaphore(%arg9 : memref<!tpu.dma_semaphore, #tpu.memory_space<semaphore_mem>>)
      %dma_start3A_1087 = arith.constant 7 : i32
      %dma_start3A_1088 = arith.constant 7 : i32
      %dma_start3A_1089 = arith.constant 0 : i32
      %dma_start3A_1090 = arith.constant 0 : i32
      %dma_start3A_1091 = tpu.memref_slice %arg7[%dma_start3A_1088, %dma_start3A_1089, %dma_start3A_1090] : memref<16x100x32xf32, #tpu.memory_space<vmem>> -> memref<1x100x32xf32, #tpu.memory_space<vmem>>
      %dma_start3A_1092 = tpu.memref_squeeze %dma_start3A_1091 : memref<1x100x32xf32, #tpu.memory_space<vmem>> -> memref<100x32xf32, #tpu.memory_space<vmem>>
      %dma_start3A_1093 = arith.constant 0 : i32
      %dma_start3A_1094 = tpu.memref_slice %arg5[%dma_start3A_1087, %dma_start3A_1093] : memref<16x100xi32, #tpu.memory_space<vmem>> -> memref<1x100xi32, #tpu.memory_space<vmem>>
      %dma_start3A_1095 = tpu.memref_squeeze %dma_start3A_1094 : memref<1x100xi32, #tpu.memory_space<vmem>> -> memref<100xi32, #tpu.memory_space<vmem>>
      %dma_start3A_1096 = arith.constant 0 : i32
      %dma_start3A_1097 = arith.constant 0 : i32
      %dma_start3A_1098 = tpu.memref_slice %arg2[%dma_start3A_1096, %dma_start3A_1097] : memref<1000000x32xf32, #tpu.memory_space<hbm>> -> memref<1000000x32xf32, #tpu.memory_space<hbm>>
      tpu.enqueue_indirect_dma source(%dma_start3A_1098 : memref<1000000x32xf32, #tpu.memory_space<hbm>>) target(%dma_start3A_1092 : memref<100x32xf32, #tpu.memory_space<vmem>>) offsets(%dma_start3A_1095 : memref<100xi32, #tpu.memory_space<vmem>>) semaphore(%arg9 : memref<!tpu.dma_semaphore, #tpu.memory_space<semaphore_mem>>)
      %dma_start3A_1099 = arith.constant 8 : i32
      %dma_start3A_1100 = arith.constant 8 : i32
      %dma_start3A_1101 = arith.constant 0 : i32
      %dma_start3A_1102 = arith.constant 0 : i32
      %dma_start3A_1103 = tpu.memref_slice %arg7[%dma_start3A_1100, %dma_start3A_1101, %dma_start3A_1102] : memref<16x100x32xf32, #tpu.memory_space<vmem>> -> memref<1x100x32xf32, #tpu.memory_space<vmem>>
      %dma_start3A_1104 = tpu.memref_squeeze %dma_start3A_1103 : memref<1x100x32xf32, #tpu.memory_space<vmem>> -> memref<100x32xf32, #tpu.memory_space<vmem>>
      %dma_start3A_1105 = arith.constant 0 : i32
      %dma_start3A_1106 = tpu.memref_slice %arg5[%dma_start3A_1099, %dma_start3A_1105] : memref<16x100xi32, #tpu.memory_space<vmem>> -> memref<1x100xi32, #tpu.memory_space<vmem>>
      %dma_start3A_1107 = tpu.memref_squeeze %dma_start3A_1106 : memref<1x100xi32, #tpu.memory_space<vmem>> -> memref<100xi32, #tpu.memory_space<vmem>>
      %dma_start3A_1108 = arith.constant 0 : i32
      %dma_start3A_1109 = arith.constant 0 : i32
      %dma_start3A_1110 = tpu.memref_slice %arg2[%dma_start3A_1108, %dma_start3A_1109] : memref<1000000x32xf32, #tpu.memory_space<hbm>> -> memref<1000000x32xf32, #tpu.memory_space<hbm>>
      tpu.enqueue_indirect_dma source(%dma_start3A_1110 : memref<1000000x32xf32, #tpu.memory_space<hbm>>) target(%dma_start3A_1104 : memref<100x32xf32, #tpu.memory_space<vmem>>) offsets(%dma_start3A_1107 : memref<100xi32, #tpu.memory_space<vmem>>) semaphore(%arg9 : memref<!tpu.dma_semaphore, #tpu.memory_space<semaphore_mem>>)
      %dma_start3A_1111 = arith.constant 9 : i32
      %dma_start3A_1112 = arith.constant 9 : i32
      %dma_start3A_1113 = arith.constant 0 : i32
      %dma_start3A_1114 = arith.constant 0 : i32
      %dma_start3A_1115 = tpu.memref_slice %arg7[%dma_start3A_1112, %dma_start3A_1113, %dma_start3A_1114] : memref<16x100x32xf32, #tpu.memory_space<vmem>> -> memref<1x100x32xf32, #tpu.memory_space<vmem>>
      %dma_start3A_1116 = tpu.memref_squeeze %dma_start3A_1115 : memref<1x100x32xf32, #tpu.memory_space<vmem>> -> memref<100x32xf32, #tpu.memory_space<vmem>>
      %dma_start3A_1117 = arith.constant 0 : i32
      %dma_start3A_1118 = tpu.memref_slice %arg5[%dma_start3A_1111, %dma_start3A_1117] : memref<16x100xi32, #tpu.memory_space<vmem>> -> memref<1x100xi32, #tpu.memory_space<vmem>>
      %dma_start3A_1119 = tpu.memref_squeeze %dma_start3A_1118 : memref<1x100xi32, #tpu.memory_space<vmem>> -> memref<100xi32, #tpu.memory_space<vmem>>
      %dma_start3A_1120 = arith.constant 0 : i32
      %dma_start3A_1121 = arith.constant 0 : i32
      %dma_start3A_1122 = tpu.memref_slice %arg2[%dma_start3A_1120, %dma_start3A_1121] : memref<1000000x32xf32, #tpu.memory_space<hbm>> -> memref<1000000x32xf32, #tpu.memory_space<hbm>>
      tpu.enqueue_indirect_dma source(%dma_start3A_1122 : memref<1000000x32xf32, #tpu.memory_space<hbm>>) target(%dma_start3A_1116 : memref<100x32xf32, #tpu.memory_space<vmem>>) offsets(%dma_start3A_1119 : memref<100xi32, #tpu.memory_space<vmem>>) semaphore(%arg9 : memref<!tpu.dma_semaphore, #tpu.memory_space<semaphore_mem>>)
      %dma_start3A_1123 = arith.constant 10 : i32
      %dma_start3A_1124 = arith.constant 10 : i32
      %dma_start3A_1125 = arith.constant 0 : i32
      %dma_start3A_1126 = arith.constant 0 : i32
      %dma_start3A_1127 = tpu.memref_slice %arg7[%dma_start3A_1124, %dma_start3A_1125, %dma_start3A_1126] : memref<16x100x32xf32, #tpu.memory_space<vmem>> -> memref<1x100x32xf32, #tpu.memory_space<vmem>>
      %dma_start3A_1128 = tpu.memref_squeeze %dma_start3A_1127 : memref<1x100x32xf32, #tpu.memory_space<vmem>> -> memref<100x32xf32, #tpu.memory_space<vmem>>
      %dma_start3A_1129 = arith.constant 0 : i32
      %dma_start3A_1130 = tpu.memref_slice %arg5[%dma_start3A_1123, %dma_start3A_1129] : memref<16x100xi32, #tpu.memory_space<vmem>> -> memref<1x100xi32, #tpu.memory_space<vmem>>
      %dma_start3A_1131 = tpu.memref_squeeze %dma_start3A_1130 : memref<1x100xi32, #tpu.memory_space<vmem>> -> memref<100xi32, #tpu.memory_space<vmem>>
      %dma_start3A_1132 = arith.constant 0 : i32
      %dma_start3A_1133 = arith.constant 0 : i32
      %dma_start3A_1134 = tpu.memref_slice %arg2[%dma_start3A_1132, %dma_start3A_1133] : memref<1000000x32xf32, #tpu.memory_space<hbm>> -> memref<1000000x32xf32, #tpu.memory_space<hbm>>
      tpu.enqueue_indirect_dma source(%dma_start3A_1134 : memref<1000000x32xf32, #tpu.memory_space<hbm>>) target(%dma_start3A_1128 : memref<100x32xf32, #tpu.memory_space<vmem>>) offsets(%dma_start3A_1131 : memref<100xi32, #tpu.memory_space<vmem>>) semaphore(%arg9 : memref<!tpu.dma_semaphore, #tpu.memory_space<semaphore_mem>>)
      %dma_start3A_1135 = arith.constant 11 : i32
      %dma_start3A_1136 = arith.constant 11 : i32
      %dma_start3A_1137 = arith.constant 0 : i32
      %dma_start3A_1138 = arith.constant 0 : i32
      %dma_start3A_1139 = tpu.memref_slice %arg7[%dma_start3A_1136, %dma_start3A_1137, %dma_start3A_1138] : memref<16x100x32xf32, #tpu.memory_space<vmem>> -> memref<1x100x32xf32, #tpu.memory_space<vmem>>
      %dma_start3A_1140 = tpu.memref_squeeze %dma_start3A_1139 : memref<1x100x32xf32, #tpu.memory_space<vmem>> -> memref<100x32xf32, #tpu.memory_space<vmem>>
      %dma_start3A_1141 = arith.constant 0 : i32
      %dma_start3A_1142 = tpu.memref_slice %arg5[%dma_start3A_1135, %dma_start3A_1141] : memref<16x100xi32, #tpu.memory_space<vmem>> -> memref<1x100xi32, #tpu.memory_space<vmem>>
      %dma_start3A_1143 = tpu.memref_squeeze %dma_start3A_1142 : memref<1x100xi32, #tpu.memory_space<vmem>> -> memref<100xi32, #tpu.memory_space<vmem>>
      %dma_start3A_1144 = arith.constant 0 : i32
      %dma_start3A_1145 = arith.constant 0 : i32
      %dma_start3A_1146 = tpu.memref_slice %arg2[%dma_start3A_1144, %dma_start3A_1145] : memref<1000000x32xf32, #tpu.memory_space<hbm>> -> memref<1000000x32xf32, #tpu.memory_space<hbm>>
      tpu.enqueue_indirect_dma source(%dma_start3A_1146 : memref<1000000x32xf32, #tpu.memory_space<hbm>>) target(%dma_start3A_1140 : memref<100x32xf32, #tpu.memory_space<vmem>>) offsets(%dma_start3A_1143 : memref<100xi32, #tpu.memory_space<vmem>>) semaphore(%arg9 : memref<!tpu.dma_semaphore, #tpu.memory_space<semaphore_mem>>)
      %dma_start3A_1147 = arith.constant 12 : i32
      %dma_start3A_1148 = arith.constant 12 : i32
      %dma_start3A_1149 = arith.constant 0 : i32
      %dma_start3A_1150 = arith.constant 0 : i32
      %dma_start3A_1151 = tpu.memref_slice %arg7[%dma_start3A_1148, %dma_start3A_1149, %dma_start3A_1150] : memref<16x100x32xf32, #tpu.memory_space<vmem>> -> memref<1x100x32xf32, #tpu.memory_space<vmem>>
      %dma_start3A_1152 = tpu.memref_squeeze %dma_start3A_1151 : memref<1x100x32xf32, #tpu.memory_space<vmem>> -> memref<100x32xf32, #tpu.memory_space<vmem>>
      %dma_start3A_1153 = arith.constant 0 : i32
      %dma_start3A_1154 = tpu.memref_slice %arg5[%dma_start3A_1147, %dma_start3A_1153] : memref<16x100xi32, #tpu.memory_space<vmem>> -> memref<1x100xi32, #tpu.memory_space<vmem>>
      %dma_start3A_1155 = tpu.memref_squeeze %dma_start3A_1154 : memref<1x100xi32, #tpu.memory_space<vmem>> -> memref<100xi32, #tpu.memory_space<vmem>>
      %dma_start3A_1156 = arith.constant 0 : i32
      %dma_start3A_1157 = arith.constant 0 : i32
      %dma_start3A_1158 = tpu.memref_slice %arg2[%dma_start3A_1156, %dma_start3A_1157] : memref<1000000x32xf32, #tpu.memory_space<hbm>> -> memref<1000000x32xf32, #tpu.memory_space<hbm>>
      tpu.enqueue_indirect_dma source(%dma_start3A_1158 : memref<1000000x32xf32, #tpu.memory_space<hbm>>) target(%dma_start3A_1152 : memref<100x32xf32, #tpu.memory_space<vmem>>) offsets(%dma_start3A_1155 : memref<100xi32, #tpu.memory_space<vmem>>) semaphore(%arg9 : memref<!tpu.dma_semaphore, #tpu.memory_space<semaphore_mem>>)
      %dma_start3A_1159 = arith.constant 13 : i32
      %dma_start3A_1160 = arith.constant 13 : i32
      %dma_start3A_1161 = arith.constant 0 : i32
      %dma_start3A_1162 = arith.constant 0 : i32
      %dma_start3A_1163 = tpu.memref_slice %arg7[%dma_start3A_1160, %dma_start3A_1161, %dma_start3A_1162] : memref<16x100x32xf32, #tpu.memory_space<vmem>> -> memref<1x100x32xf32, #tpu.memory_space<vmem>>
      %dma_start3A_1164 = tpu.memref_squeeze %dma_start3A_1163 : memref<1x100x32xf32, #tpu.memory_space<vmem>> -> memref<100x32xf32, #tpu.memory_space<vmem>>
      %dma_start3A_1165 = arith.constant 0 : i32
      %dma_start3A_1166 = tpu.memref_slice %arg5[%dma_start3A_1159, %dma_start3A_1165] : memref<16x100xi32, #tpu.memory_space<vmem>> -> memref<1x100xi32, #tpu.memory_space<vmem>>
      %dma_start3A_1167 = tpu.memref_squeeze %dma_start3A_1166 : memref<1x100xi32, #tpu.memory_space<vmem>> -> memref<100xi32, #tpu.memory_space<vmem>>
      %dma_start3A_1168 = arith.constant 0 : i32
      %dma_start3A_1169 = arith.constant 0 : i32
      %dma_start3A_1170 = tpu.memref_slice %arg2[%dma_start3A_1168, %dma_start3A_1169] : memref<1000000x32xf32, #tpu.memory_space<hbm>> -> memref<1000000x32xf32, #tpu.memory_space<hbm>>
      tpu.enqueue_indirect_dma source(%dma_start3A_1170 : memref<1000000x32xf32, #tpu.memory_space<hbm>>) target(%dma_start3A_1164 : memref<100x32xf32, #tpu.memory_space<vmem>>) offsets(%dma_start3A_1167 : memref<100xi32, #tpu.memory_space<vmem>>) semaphore(%arg9 : memref<!tpu.dma_semaphore, #tpu.memory_space<semaphore_mem>>)
      %dma_start3A_1171 = arith.constant 14 : i32
      %dma_start3A_1172 = arith.constant 14 : i32
      %dma_start3A_1173 = arith.constant 0 : i32
      %dma_start3A_1174 = arith.constant 0 : i32
      %dma_start3A_1175 = tpu.memref_slice %arg7[%dma_start3A_1172, %dma_start3A_1173, %dma_start3A_1174] : memref<16x100x32xf32, #tpu.memory_space<vmem>> -> memref<1x100x32xf32, #tpu.memory_space<vmem>>
      %dma_start3A_1176 = tpu.memref_squeeze %dma_start3A_1175 : memref<1x100x32xf32, #tpu.memory_space<vmem>> -> memref<100x32xf32, #tpu.memory_space<vmem>>
      %dma_start3A_1177 = arith.constant 0 : i32
      %dma_start3A_1178 = tpu.memref_slice %arg5[%dma_start3A_1171, %dma_start3A_1177] : memref<16x100xi32, #tpu.memory_space<vmem>> -> memref<1x100xi32, #tpu.memory_space<vmem>>
      %dma_start3A_1179 = tpu.memref_squeeze %dma_start3A_1178 : memref<1x100xi32, #tpu.memory_space<vmem>> -> memref<100xi32, #tpu.memory_space<vmem>>
      %dma_start3A_1180 = arith.constant 0 : i32
      %dma_start3A_1181 = arith.constant 0 : i32
      %dma_start3A_1182 = tpu.memref_slice %arg2[%dma_start3A_1180, %dma_start3A_1181] : memref<1000000x32xf32, #tpu.memory_space<hbm>> -> memref<1000000x32xf32, #tpu.memory_space<hbm>>
      tpu.enqueue_indirect_dma source(%dma_start3A_1182 : memref<1000000x32xf32, #tpu.memory_space<hbm>>) target(%dma_start3A_1176 : memref<100x32xf32, #tpu.memory_space<vmem>>) offsets(%dma_start3A_1179 : memref<100xi32, #tpu.memory_space<vmem>>) semaphore(%arg9 : memref<!tpu.dma_semaphore, #tpu.memory_space<semaphore_mem>>)
      %dma_start3A_1183 = arith.constant 15 : i32
      %dma_start3A_1184 = arith.constant 15 : i32
      %dma_start3A_1185 = arith.constant 0 : i32
      %dma_start3A_1186 = arith.constant 0 : i32
      %dma_start3A_1187 = tpu.memref_slice %arg7[%dma_start3A_1184, %dma_start3A_1185, %dma_start3A_1186] : memref<16x100x32xf32, #tpu.memory_space<vmem>> -> memref<1x100x32xf32, #tpu.memory_space<vmem>>
      %dma_start3A_1188 = tpu.memref_squeeze %dma_start3A_1187 : memref<1x100x32xf32, #tpu.memory_space<vmem>> -> memref<100x32xf32, #tpu.memory_space<vmem>>
      %dma_start3A_1189 = arith.constant 0 : i32
      %dma_start3A_1190 = tpu.memref_slice %arg5[%dma_start3A_1183, %dma_start3A_1189] : memref<16x100xi32, #tpu.memory_space<vmem>> -> memref<1x100xi32, #tpu.memory_space<vmem>>
      %dma_start3A_1191 = tpu.memref_squeeze %dma_start3A_1190 : memref<1x100xi32, #tpu.memory_space<vmem>> -> memref<100xi32, #tpu.memory_space<vmem>>
      %dma_start3A_1192 = arith.constant 0 : i32
      %dma_start3A_1193 = arith.constant 0 : i32
      %dma_start3A_1194 = tpu.memref_slice %arg2[%dma_start3A_1192, %dma_start3A_1193] : memref<1000000x32xf32, #tpu.memory_space<hbm>> -> memref<1000000x32xf32, #tpu.memory_space<hbm>>
      tpu.enqueue_indirect_dma source(%dma_start3A_1194 : memref<1000000x32xf32, #tpu.memory_space<hbm>>) target(%dma_start3A_1188 : memref<100x32xf32, #tpu.memory_space<vmem>>) offsets(%dma_start3A_1191 : memref<100xi32, #tpu.memory_space<vmem>>) semaphore(%arg9 : memref<!tpu.dma_semaphore, #tpu.memory_space<semaphore_mem>>)
      %add3A_1195 = arith.constant 1 : i32
      %add3A_1196 = arith.addi %add3A_785, %add3A_1195 : i32
      %dma_wait3A_1197 = arith.constant 0 : i32
      %dma_wait3A_1198 = arith.constant 0 : i32
      %dma_wait3A_1199 = arith.constant 0 : i32
      %dma_wait3A_1200 = arith.constant 0 : i32
      %dma_wait3A_1201 = tpu.memref_slice %arg8[%dma_wait3A_1198, %dma_wait3A_1199, %dma_wait3A_1200] : memref<16x100x32xf32, #tpu.memory_space<vmem>> -> memref<1x100x32xf32, #tpu.memory_space<vmem>>
      %dma_wait3A_1202 = tpu.memref_squeeze %dma_wait3A_1201 : memref<1x100x32xf32, #tpu.memory_space<vmem>> -> memref<100x32xf32, #tpu.memory_space<vmem>>
      %dma_wait3A_1203 = arith.constant 0 : i32
      %dma_wait3A_1204 = tpu.memref_slice %arg6[%dma_wait3A_1197, %dma_wait3A_1203] : memref<16x100xi32, #tpu.memory_space<vmem>> -> memref<1x100xi32, #tpu.memory_space<vmem>>
      %dma_wait3A_1205 = tpu.memref_squeeze %dma_wait3A_1204 : memref<1x100xi32, #tpu.memory_space<vmem>> -> memref<100xi32, #tpu.memory_space<vmem>>
      %dma_wait3A_1206 = arith.constant 0 : i32
      %dma_wait3A_1207 = arith.constant 0 : i32
      %dma_wait3A_1208 = tpu.memref_slice %arg2[%dma_wait3A_1206, %dma_wait3A_1207] : memref<1000000x32xf32, #tpu.memory_space<hbm>> -> memref<1000000x32xf32, #tpu.memory_space<hbm>>
      tpu.wait_indirect_dma semaphore(%arg10 : memref<!tpu.dma_semaphore, #tpu.memory_space<semaphore_mem>>) src(%dma_wait3A_1208 : memref<1000000x32xf32, #tpu.memory_space<hbm>>) dst(%dma_wait3A_1202 : memref<100x32xf32, #tpu.memory_space<vmem>>)
      %dma_wait3A_1209 = arith.constant 1 : i32
      %dma_wait3A_1210 = arith.constant 1 : i32
      %dma_wait3A_1211 = arith.constant 0 : i32
      %dma_wait3A_1212 = arith.constant 0 : i32
      %dma_wait3A_1213 = tpu.memref_slice %arg8[%dma_wait3A_1210, %dma_wait3A_1211, %dma_wait3A_1212] : memref<16x100x32xf32, #tpu.memory_space<vmem>> -> memref<1x100x32xf32, #tpu.memory_space<vmem>>
      %dma_wait3A_1214 = tpu.memref_squeeze %dma_wait3A_1213 : memref<1x100x32xf32, #tpu.memory_space<vmem>> -> memref<100x32xf32, #tpu.memory_space<vmem>>
      %dma_wait3A_1215 = arith.constant 0 : i32
      %dma_wait3A_1216 = tpu.memref_slice %arg6[%dma_wait3A_1209, %dma_wait3A_1215] : memref<16x100xi32, #tpu.memory_space<vmem>> -> memref<1x100xi32, #tpu.memory_space<vmem>>
      %dma_wait3A_1217 = tpu.memref_squeeze %dma_wait3A_1216 : memref<1x100xi32, #tpu.memory_space<vmem>> -> memref<100xi32, #tpu.memory_space<vmem>>
      %dma_wait3A_1218 = arith.constant 0 : i32
      %dma_wait3A_1219 = arith.constant 0 : i32
      %dma_wait3A_1220 = tpu.memref_slice %arg2[%dma_wait3A_1218, %dma_wait3A_1219] : memref<1000000x32xf32, #tpu.memory_space<hbm>> -> memref<1000000x32xf32, #tpu.memory_space<hbm>>
      tpu.wait_indirect_dma semaphore(%arg10 : memref<!tpu.dma_semaphore, #tpu.memory_space<semaphore_mem>>) src(%dma_wait3A_1220 : memref<1000000x32xf32, #tpu.memory_space<hbm>>) dst(%dma_wait3A_1214 : memref<100x32xf32, #tpu.memory_space<vmem>>)
      %dma_wait3A_1221 = arith.constant 2 : i32
      %dma_wait3A_1222 = arith.constant 2 : i32
      %dma_wait3A_1223 = arith.constant 0 : i32
      %dma_wait3A_1224 = arith.constant 0 : i32
      %dma_wait3A_1225 = tpu.memref_slice %arg8[%dma_wait3A_1222, %dma_wait3A_1223, %dma_wait3A_1224] : memref<16x100x32xf32, #tpu.memory_space<vmem>> -> memref<1x100x32xf32, #tpu.memory_space<vmem>>
      %dma_wait3A_1226 = tpu.memref_squeeze %dma_wait3A_1225 : memref<1x100x32xf32, #tpu.memory_space<vmem>> -> memref<100x32xf32, #tpu.memory_space<vmem>>
      %dma_wait3A_1227 = arith.constant 0 : i32
      %dma_wait3A_1228 = tpu.memref_slice %arg6[%dma_wait3A_1221, %dma_wait3A_1227] : memref<16x100xi32, #tpu.memory_space<vmem>> -> memref<1x100xi32, #tpu.memory_space<vmem>>
      %dma_wait3A_1229 = tpu.memref_squeeze %dma_wait3A_1228 : memref<1x100xi32, #tpu.memory_space<vmem>> -> memref<100xi32, #tpu.memory_space<vmem>>
      %dma_wait3A_1230 = arith.constant 0 : i32
      %dma_wait3A_1231 = arith.constant 0 : i32
      %dma_wait3A_1232 = tpu.memref_slice %arg2[%dma_wait3A_1230, %dma_wait3A_1231] : memref<1000000x32xf32, #tpu.memory_space<hbm>> -> memref<1000000x32xf32, #tpu.memory_space<hbm>>
      tpu.wait_indirect_dma semaphore(%arg10 : memref<!tpu.dma_semaphore, #tpu.memory_space<semaphore_mem>>) src(%dma_wait3A_1232 : memref<1000000x32xf32, #tpu.memory_space<hbm>>) dst(%dma_wait3A_1226 : memref<100x32xf32, #tpu.memory_space<vmem>>)
      %dma_wait3A_1233 = arith.constant 3 : i32
      %dma_wait3A_1234 = arith.constant 3 : i32
      %dma_wait3A_1235 = arith.constant 0 : i32
      %dma_wait3A_1236 = arith.constant 0 : i32
      %dma_wait3A_1237 = tpu.memref_slice %arg8[%dma_wait3A_1234, %dma_wait3A_1235, %dma_wait3A_1236] : memref<16x100x32xf32, #tpu.memory_space<vmem>> -> memref<1x100x32xf32, #tpu.memory_space<vmem>>
      %dma_wait3A_1238 = tpu.memref_squeeze %dma_wait3A_1237 : memref<1x100x32xf32, #tpu.memory_space<vmem>> -> memref<100x32xf32, #tpu.memory_space<vmem>>
      %dma_wait3A_1239 = arith.constant 0 : i32
      %dma_wait3A_1240 = tpu.memref_slice %arg6[%dma_wait3A_1233, %dma_wait3A_1239] : memref<16x100xi32, #tpu.memory_space<vmem>> -> memref<1x100xi32, #tpu.memory_space<vmem>>
      %dma_wait3A_1241 = tpu.memref_squeeze %dma_wait3A_1240 : memref<1x100xi32, #tpu.memory_space<vmem>> -> memref<100xi32, #tpu.memory_space<vmem>>
      %dma_wait3A_1242 = arith.constant 0 : i32
      %dma_wait3A_1243 = arith.constant 0 : i32
      %dma_wait3A_1244 = tpu.memref_slice %arg2[%dma_wait3A_1242, %dma_wait3A_1243] : memref<1000000x32xf32, #tpu.memory_space<hbm>> -> memref<1000000x32xf32, #tpu.memory_space<hbm>>
      tpu.wait_indirect_dma semaphore(%arg10 : memref<!tpu.dma_semaphore, #tpu.memory_space<semaphore_mem>>) src(%dma_wait3A_1244 : memref<1000000x32xf32, #tpu.memory_space<hbm>>) dst(%dma_wait3A_1238 : memref<100x32xf32, #tpu.memory_space<vmem>>)
      %dma_wait3A_1245 = arith.constant 4 : i32
      %dma_wait3A_1246 = arith.constant 4 : i32
      %dma_wait3A_1247 = arith.constant 0 : i32
      %dma_wait3A_1248 = arith.constant 0 : i32
      %dma_wait3A_1249 = tpu.memref_slice %arg8[%dma_wait3A_1246, %dma_wait3A_1247, %dma_wait3A_1248] : memref<16x100x32xf32, #tpu.memory_space<vmem>> -> memref<1x100x32xf32, #tpu.memory_space<vmem>>
      %dma_wait3A_1250 = tpu.memref_squeeze %dma_wait3A_1249 : memref<1x100x32xf32, #tpu.memory_space<vmem>> -> memref<100x32xf32, #tpu.memory_space<vmem>>
      %dma_wait3A_1251 = arith.constant 0 : i32
      %dma_wait3A_1252 = tpu.memref_slice %arg6[%dma_wait3A_1245, %dma_wait3A_1251] : memref<16x100xi32, #tpu.memory_space<vmem>> -> memref<1x100xi32, #tpu.memory_space<vmem>>
      %dma_wait3A_1253 = tpu.memref_squeeze %dma_wait3A_1252 : memref<1x100xi32, #tpu.memory_space<vmem>> -> memref<100xi32, #tpu.memory_space<vmem>>
      %dma_wait3A_1254 = arith.constant 0 : i32
      %dma_wait3A_1255 = arith.constant 0 : i32
      %dma_wait3A_1256 = tpu.memref_slice %arg2[%dma_wait3A_1254, %dma_wait3A_1255] : memref<1000000x32xf32, #tpu.memory_space<hbm>> -> memref<1000000x32xf32, #tpu.memory_space<hbm>>
      tpu.wait_indirect_dma semaphore(%arg10 : memref<!tpu.dma_semaphore, #tpu.memory_space<semaphore_mem>>) src(%dma_wait3A_1256 : memref<1000000x32xf32, #tpu.memory_space<hbm>>) dst(%dma_wait3A_1250 : memref<100x32xf32, #tpu.memory_space<vmem>>)
      %dma_wait3A_1257 = arith.constant 5 : i32
      %dma_wait3A_1258 = arith.constant 5 : i32
      %dma_wait3A_1259 = arith.constant 0 : i32
      %dma_wait3A_1260 = arith.constant 0 : i32
      %dma_wait3A_1261 = tpu.memref_slice %arg8[%dma_wait3A_1258, %dma_wait3A_1259, %dma_wait3A_1260] : memref<16x100x32xf32, #tpu.memory_space<vmem>> -> memref<1x100x32xf32, #tpu.memory_space<vmem>>
      %dma_wait3A_1262 = tpu.memref_squeeze %dma_wait3A_1261 : memref<1x100x32xf32, #tpu.memory_space<vmem>> -> memref<100x32xf32, #tpu.memory_space<vmem>>
      %dma_wait3A_1263 = arith.constant 0 : i32
      %dma_wait3A_1264 = tpu.memref_slice %arg6[%dma_wait3A_1257, %dma_wait3A_1263] : memref<16x100xi32, #tpu.memory_space<vmem>> -> memref<1x100xi32, #tpu.memory_space<vmem>>
      %dma_wait3A_1265 = tpu.memref_squeeze %dma_wait3A_1264 : memref<1x100xi32, #tpu.memory_space<vmem>> -> memref<100xi32, #tpu.memory_space<vmem>>
      %dma_wait3A_1266 = arith.constant 0 : i32
      %dma_wait3A_1267 = arith.constant 0 : i32
      %dma_wait3A_1268 = tpu.memref_slice %arg2[%dma_wait3A_1266, %dma_wait3A_1267] : memref<1000000x32xf32, #tpu.memory_space<hbm>> -> memref<1000000x32xf32, #tpu.memory_space<hbm>>
      tpu.wait_indirect_dma semaphore(%arg10 : memref<!tpu.dma_semaphore, #tpu.memory_space<semaphore_mem>>) src(%dma_wait3A_1268 : memref<1000000x32xf32, #tpu.memory_space<hbm>>) dst(%dma_wait3A_1262 : memref<100x32xf32, #tpu.memory_space<vmem>>)
      %dma_wait3A_1269 = arith.constant 6 : i32
      %dma_wait3A_1270 = arith.constant 6 : i32
      %dma_wait3A_1271 = arith.constant 0 : i32
      %dma_wait3A_1272 = arith.constant 0 : i32
      %dma_wait3A_1273 = tpu.memref_slice %arg8[%dma_wait3A_1270, %dma_wait3A_1271, %dma_wait3A_1272] : memref<16x100x32xf32, #tpu.memory_space<vmem>> -> memref<1x100x32xf32, #tpu.memory_space<vmem>>
      %dma_wait3A_1274 = tpu.memref_squeeze %dma_wait3A_1273 : memref<1x100x32xf32, #tpu.memory_space<vmem>> -> memref<100x32xf32, #tpu.memory_space<vmem>>
      %dma_wait3A_1275 = arith.constant 0 : i32
      %dma_wait3A_1276 = tpu.memref_slice %arg6[%dma_wait3A_1269, %dma_wait3A_1275] : memref<16x100xi32, #tpu.memory_space<vmem>> -> memref<1x100xi32, #tpu.memory_space<vmem>>
      %dma_wait3A_1277 = tpu.memref_squeeze %dma_wait3A_1276 : memref<1x100xi32, #tpu.memory_space<vmem>> -> memref<100xi32, #tpu.memory_space<vmem>>
      %dma_wait3A_1278 = arith.constant 0 : i32
      %dma_wait3A_1279 = arith.constant 0 : i32
      %dma_wait3A_1280 = tpu.memref_slice %arg2[%dma_wait3A_1278, %dma_wait3A_1279] : memref<1000000x32xf32, #tpu.memory_space<hbm>> -> memref<1000000x32xf32, #tpu.memory_space<hbm>>
      tpu.wait_indirect_dma semaphore(%arg10 : memref<!tpu.dma_semaphore, #tpu.memory_space<semaphore_mem>>) src(%dma_wait3A_1280 : memref<1000000x32xf32, #tpu.memory_space<hbm>>) dst(%dma_wait3A_1274 : memref<100x32xf32, #tpu.memory_space<vmem>>)
      %dma_wait3A_1281 = arith.constant 7 : i32
      %dma_wait3A_1282 = arith.constant 7 : i32
      %dma_wait3A_1283 = arith.constant 0 : i32
      %dma_wait3A_1284 = arith.constant 0 : i32
      %dma_wait3A_1285 = tpu.memref_slice %arg8[%dma_wait3A_1282, %dma_wait3A_1283, %dma_wait3A_1284] : memref<16x100x32xf32, #tpu.memory_space<vmem>> -> memref<1x100x32xf32, #tpu.memory_space<vmem>>
      %dma_wait3A_1286 = tpu.memref_squeeze %dma_wait3A_1285 : memref<1x100x32xf32, #tpu.memory_space<vmem>> -> memref<100x32xf32, #tpu.memory_space<vmem>>
      %dma_wait3A_1287 = arith.constant 0 : i32
      %dma_wait3A_1288 = tpu.memref_slice %arg6[%dma_wait3A_1281, %dma_wait3A_1287] : memref<16x100xi32, #tpu.memory_space<vmem>> -> memref<1x100xi32, #tpu.memory_space<vmem>>
      %dma_wait3A_1289 = tpu.memref_squeeze %dma_wait3A_1288 : memref<1x100xi32, #tpu.memory_space<vmem>> -> memref<100xi32, #tpu.memory_space<vmem>>
      %dma_wait3A_1290 = arith.constant 0 : i32
      %dma_wait3A_1291 = arith.constant 0 : i32
      %dma_wait3A_1292 = tpu.memref_slice %arg2[%dma_wait3A_1290, %dma_wait3A_1291] : memref<1000000x32xf32, #tpu.memory_space<hbm>> -> memref<1000000x32xf32, #tpu.memory_space<hbm>>
      tpu.wait_indirect_dma semaphore(%arg10 : memref<!tpu.dma_semaphore, #tpu.memory_space<semaphore_mem>>) src(%dma_wait3A_1292 : memref<1000000x32xf32, #tpu.memory_space<hbm>>) dst(%dma_wait3A_1286 : memref<100x32xf32, #tpu.memory_space<vmem>>)
      %dma_wait3A_1293 = arith.constant 8 : i32
      %dma_wait3A_1294 = arith.constant 8 : i32
      %dma_wait3A_1295 = arith.constant 0 : i32
      %dma_wait3A_1296 = arith.constant 0 : i32
      %dma_wait3A_1297 = tpu.memref_slice %arg8[%dma_wait3A_1294, %dma_wait3A_1295, %dma_wait3A_1296] : memref<16x100x32xf32, #tpu.memory_space<vmem>> -> memref<1x100x32xf32, #tpu.memory_space<vmem>>
      %dma_wait3A_1298 = tpu.memref_squeeze %dma_wait3A_1297 : memref<1x100x32xf32, #tpu.memory_space<vmem>> -> memref<100x32xf32, #tpu.memory_space<vmem>>
      %dma_wait3A_1299 = arith.constant 0 : i32
      %dma_wait3A_1300 = tpu.memref_slice %arg6[%dma_wait3A_1293, %dma_wait3A_1299] : memref<16x100xi32, #tpu.memory_space<vmem>> -> memref<1x100xi32, #tpu.memory_space<vmem>>
      %dma_wait3A_1301 = tpu.memref_squeeze %dma_wait3A_1300 : memref<1x100xi32, #tpu.memory_space<vmem>> -> memref<100xi32, #tpu.memory_space<vmem>>
      %dma_wait3A_1302 = arith.constant 0 : i32
      %dma_wait3A_1303 = arith.constant 0 : i32
      %dma_wait3A_1304 = tpu.memref_slice %arg2[%dma_wait3A_1302, %dma_wait3A_1303] : memref<1000000x32xf32, #tpu.memory_space<hbm>> -> memref<1000000x32xf32, #tpu.memory_space<hbm>>
      tpu.wait_indirect_dma semaphore(%arg10 : memref<!tpu.dma_semaphore, #tpu.memory_space<semaphore_mem>>) src(%dma_wait3A_1304 : memref<1000000x32xf32, #tpu.memory_space<hbm>>) dst(%dma_wait3A_1298 : memref<100x32xf32, #tpu.memory_space<vmem>>)
      %dma_wait3A_1305 = arith.constant 9 : i32
      %dma_wait3A_1306 = arith.constant 9 : i32
      %dma_wait3A_1307 = arith.constant 0 : i32
      %dma_wait3A_1308 = arith.constant 0 : i32
      %dma_wait3A_1309 = tpu.memref_slice %arg8[%dma_wait3A_1306, %dma_wait3A_1307, %dma_wait3A_1308] : memref<16x100x32xf32, #tpu.memory_space<vmem>> -> memref<1x100x32xf32, #tpu.memory_space<vmem>>
      %dma_wait3A_1310 = tpu.memref_squeeze %dma_wait3A_1309 : memref<1x100x32xf32, #tpu.memory_space<vmem>> -> memref<100x32xf32, #tpu.memory_space<vmem>>
      %dma_wait3A_1311 = arith.constant 0 : i32
      %dma_wait3A_1312 = tpu.memref_slice %arg6[%dma_wait3A_1305, %dma_wait3A_1311] : memref<16x100xi32, #tpu.memory_space<vmem>> -> memref<1x100xi32, #tpu.memory_space<vmem>>
      %dma_wait3A_1313 = tpu.memref_squeeze %dma_wait3A_1312 : memref<1x100xi32, #tpu.memory_space<vmem>> -> memref<100xi32, #tpu.memory_space<vmem>>
      %dma_wait3A_1314 = arith.constant 0 : i32
      %dma_wait3A_1315 = arith.constant 0 : i32
      %dma_wait3A_1316 = tpu.memref_slice %arg2[%dma_wait3A_1314, %dma_wait3A_1315] : memref<1000000x32xf32, #tpu.memory_space<hbm>> -> memref<1000000x32xf32, #tpu.memory_space<hbm>>
      tpu.wait_indirect_dma semaphore(%arg10 : memref<!tpu.dma_semaphore, #tpu.memory_space<semaphore_mem>>) src(%dma_wait3A_1316 : memref<1000000x32xf32, #tpu.memory_space<hbm>>) dst(%dma_wait3A_1310 : memref<100x32xf32, #tpu.memory_space<vmem>>)
      %dma_wait3A_1317 = arith.constant 10 : i32
      %dma_wait3A_1318 = arith.constant 10 : i32
      %dma_wait3A_1319 = arith.constant 0 : i32
      %dma_wait3A_1320 = arith.constant 0 : i32
      %dma_wait3A_1321 = tpu.memref_slice %arg8[%dma_wait3A_1318, %dma_wait3A_1319, %dma_wait3A_1320] : memref<16x100x32xf32, #tpu.memory_space<vmem>> -> memref<1x100x32xf32, #tpu.memory_space<vmem>>
      %dma_wait3A_1322 = tpu.memref_squeeze %dma_wait3A_1321 : memref<1x100x32xf32, #tpu.memory_space<vmem>> -> memref<100x32xf32, #tpu.memory_space<vmem>>
      %dma_wait3A_1323 = arith.constant 0 : i32
      %dma_wait3A_1324 = tpu.memref_slice %arg6[%dma_wait3A_1317, %dma_wait3A_1323] : memref<16x100xi32, #tpu.memory_space<vmem>> -> memref<1x100xi32, #tpu.memory_space<vmem>>
      %dma_wait3A_1325 = tpu.memref_squeeze %dma_wait3A_1324 : memref<1x100xi32, #tpu.memory_space<vmem>> -> memref<100xi32, #tpu.memory_space<vmem>>
      %dma_wait3A_1326 = arith.constant 0 : i32
      %dma_wait3A_1327 = arith.constant 0 : i32
      %dma_wait3A_1328 = tpu.memref_slice %arg2[%dma_wait3A_1326, %dma_wait3A_1327] : memref<1000000x32xf32, #tpu.memory_space<hbm>> -> memref<1000000x32xf32, #tpu.memory_space<hbm>>
      tpu.wait_indirect_dma semaphore(%arg10 : memref<!tpu.dma_semaphore, #tpu.memory_space<semaphore_mem>>) src(%dma_wait3A_1328 : memref<1000000x32xf32, #tpu.memory_space<hbm>>) dst(%dma_wait3A_1322 : memref<100x32xf32, #tpu.memory_space<vmem>>)
      %dma_wait3A_1329 = arith.constant 11 : i32
      %dma_wait3A_1330 = arith.constant 11 : i32
      %dma_wait3A_1331 = arith.constant 0 : i32
      %dma_wait3A_1332 = arith.constant 0 : i32
      %dma_wait3A_1333 = tpu.memref_slice %arg8[%dma_wait3A_1330, %dma_wait3A_1331, %dma_wait3A_1332] : memref<16x100x32xf32, #tpu.memory_space<vmem>> -> memref<1x100x32xf32, #tpu.memory_space<vmem>>
      %dma_wait3A_1334 = tpu.memref_squeeze %dma_wait3A_1333 : memref<1x100x32xf32, #tpu.memory_space<vmem>> -> memref<100x32xf32, #tpu.memory_space<vmem>>
      %dma_wait3A_1335 = arith.constant 0 : i32
      %dma_wait3A_1336 = tpu.memref_slice %arg6[%dma_wait3A_1329, %dma_wait3A_1335] : memref<16x100xi32, #tpu.memory_space<vmem>> -> memref<1x100xi32, #tpu.memory_space<vmem>>
      %dma_wait3A_1337 = tpu.memref_squeeze %dma_wait3A_1336 : memref<1x100xi32, #tpu.memory_space<vmem>> -> memref<100xi32, #tpu.memory_space<vmem>>
      %dma_wait3A_1338 = arith.constant 0 : i32
      %dma_wait3A_1339 = arith.constant 0 : i32
      %dma_wait3A_1340 = tpu.memref_slice %arg2[%dma_wait3A_1338, %dma_wait3A_1339] : memref<1000000x32xf32, #tpu.memory_space<hbm>> -> memref<1000000x32xf32, #tpu.memory_space<hbm>>
      tpu.wait_indirect_dma semaphore(%arg10 : memref<!tpu.dma_semaphore, #tpu.memory_space<semaphore_mem>>) src(%dma_wait3A_1340 : memref<1000000x32xf32, #tpu.memory_space<hbm>>) dst(%dma_wait3A_1334 : memref<100x32xf32, #tpu.memory_space<vmem>>)
      %dma_wait3A_1341 = arith.constant 12 : i32
      %dma_wait3A_1342 = arith.constant 12 : i32
      %dma_wait3A_1343 = arith.constant 0 : i32
      %dma_wait3A_1344 = arith.constant 0 : i32
      %dma_wait3A_1345 = tpu.memref_slice %arg8[%dma_wait3A_1342, %dma_wait3A_1343, %dma_wait3A_1344] : memref<16x100x32xf32, #tpu.memory_space<vmem>> -> memref<1x100x32xf32, #tpu.memory_space<vmem>>
      %dma_wait3A_1346 = tpu.memref_squeeze %dma_wait3A_1345 : memref<1x100x32xf32, #tpu.memory_space<vmem>> -> memref<100x32xf32, #tpu.memory_space<vmem>>
      %dma_wait3A_1347 = arith.constant 0 : i32
      %dma_wait3A_1348 = tpu.memref_slice %arg6[%dma_wait3A_1341, %dma_wait3A_1347] : memref<16x100xi32, #tpu.memory_space<vmem>> -> memref<1x100xi32, #tpu.memory_space<vmem>>
      %dma_wait3A_1349 = tpu.memref_squeeze %dma_wait3A_1348 : memref<1x100xi32, #tpu.memory_space<vmem>> -> memref<100xi32, #tpu.memory_space<vmem>>
      %dma_wait3A_1350 = arith.constant 0 : i32
      %dma_wait3A_1351 = arith.constant 0 : i32
      %dma_wait3A_1352 = tpu.memref_slice %arg2[%dma_wait3A_1350, %dma_wait3A_1351] : memref<1000000x32xf32, #tpu.memory_space<hbm>> -> memref<1000000x32xf32, #tpu.memory_space<hbm>>
      tpu.wait_indirect_dma semaphore(%arg10 : memref<!tpu.dma_semaphore, #tpu.memory_space<semaphore_mem>>) src(%dma_wait3A_1352 : memref<1000000x32xf32, #tpu.memory_space<hbm>>) dst(%dma_wait3A_1346 : memref<100x32xf32, #tpu.memory_space<vmem>>)
      %dma_wait3A_1353 = arith.constant 13 : i32
      %dma_wait3A_1354 = arith.constant 13 : i32
      %dma_wait3A_1355 = arith.constant 0 : i32
      %dma_wait3A_1356 = arith.constant 0 : i32
      %dma_wait3A_1357 = tpu.memref_slice %arg8[%dma_wait3A_1354, %dma_wait3A_1355, %dma_wait3A_1356] : memref<16x100x32xf32, #tpu.memory_space<vmem>> -> memref<1x100x32xf32, #tpu.memory_space<vmem>>
      %dma_wait3A_1358 = tpu.memref_squeeze %dma_wait3A_1357 : memref<1x100x32xf32, #tpu.memory_space<vmem>> -> memref<100x32xf32, #tpu.memory_space<vmem>>
      %dma_wait3A_1359 = arith.constant 0 : i32
      %dma_wait3A_1360 = tpu.memref_slice %arg6[%dma_wait3A_1353, %dma_wait3A_1359] : memref<16x100xi32, #tpu.memory_space<vmem>> -> memref<1x100xi32, #tpu.memory_space<vmem>>
      %dma_wait3A_1361 = tpu.memref_squeeze %dma_wait3A_1360 : memref<1x100xi32, #tpu.memory_space<vmem>> -> memref<100xi32, #tpu.memory_space<vmem>>
      %dma_wait3A_1362 = arith.constant 0 : i32
      %dma_wait3A_1363 = arith.constant 0 : i32
      %dma_wait3A_1364 = tpu.memref_slice %arg2[%dma_wait3A_1362, %dma_wait3A_1363] : memref<1000000x32xf32, #tpu.memory_space<hbm>> -> memref<1000000x32xf32, #tpu.memory_space<hbm>>
      tpu.wait_indirect_dma semaphore(%arg10 : memref<!tpu.dma_semaphore, #tpu.memory_space<semaphore_mem>>) src(%dma_wait3A_1364 : memref<1000000x32xf32, #tpu.memory_space<hbm>>) dst(%dma_wait3A_1358 : memref<100x32xf32, #tpu.memory_space<vmem>>)
      %dma_wait3A_1365 = arith.constant 14 : i32
      %dma_wait3A_1366 = arith.constant 14 : i32
      %dma_wait3A_1367 = arith.constant 0 : i32
      %dma_wait3A_1368 = arith.constant 0 : i32
      %dma_wait3A_1369 = tpu.memref_slice %arg8[%dma_wait3A_1366, %dma_wait3A_1367, %dma_wait3A_1368] : memref<16x100x32xf32, #tpu.memory_space<vmem>> -> memref<1x100x32xf32, #tpu.memory_space<vmem>>
      %dma_wait3A_1370 = tpu.memref_squeeze %dma_wait3A_1369 : memref<1x100x32xf32, #tpu.memory_space<vmem>> -> memref<100x32xf32, #tpu.memory_space<vmem>>
      %dma_wait3A_1371 = arith.constant 0 : i32
      %dma_wait3A_1372 = tpu.memref_slice %arg6[%dma_wait3A_1365, %dma_wait3A_1371] : memref<16x100xi32, #tpu.memory_space<vmem>> -> memref<1x100xi32, #tpu.memory_space<vmem>>
      %dma_wait3A_1373 = tpu.memref_squeeze %dma_wait3A_1372 : memref<1x100xi32, #tpu.memory_space<vmem>> -> memref<100xi32, #tpu.memory_space<vmem>>
      %dma_wait3A_1374 = arith.constant 0 : i32
      %dma_wait3A_1375 = arith.constant 0 : i32
      %dma_wait3A_1376 = tpu.memref_slice %arg2[%dma_wait3A_1374, %dma_wait3A_1375] : memref<1000000x32xf32, #tpu.memory_space<hbm>> -> memref<1000000x32xf32, #tpu.memory_space<hbm>>
      tpu.wait_indirect_dma semaphore(%arg10 : memref<!tpu.dma_semaphore, #tpu.memory_space<semaphore_mem>>) src(%dma_wait3A_1376 : memref<1000000x32xf32, #tpu.memory_space<hbm>>) dst(%dma_wait3A_1370 : memref<100x32xf32, #tpu.memory_space<vmem>>)
      %dma_wait3A_1377 = arith.constant 15 : i32
      %dma_wait3A_1378 = arith.constant 15 : i32
      %dma_wait3A_1379 = arith.constant 0 : i32
      %dma_wait3A_1380 = arith.constant 0 : i32
      %dma_wait3A_1381 = tpu.memref_slice %arg8[%dma_wait3A_1378, %dma_wait3A_1379, %dma_wait3A_1380] : memref<16x100x32xf32, #tpu.memory_space<vmem>> -> memref<1x100x32xf32, #tpu.memory_space<vmem>>
      %dma_wait3A_1382 = tpu.memref_squeeze %dma_wait3A_1381 : memref<1x100x32xf32, #tpu.memory_space<vmem>> -> memref<100x32xf32, #tpu.memory_space<vmem>>
      %dma_wait3A_1383 = arith.constant 0 : i32
      %dma_wait3A_1384 = tpu.memref_slice %arg6[%dma_wait3A_1377, %dma_wait3A_1383] : memref<16x100xi32, #tpu.memory_space<vmem>> -> memref<1x100xi32, #tpu.memory_space<vmem>>
      %dma_wait3A_1385 = tpu.memref_squeeze %dma_wait3A_1384 : memref<1x100xi32, #tpu.memory_space<vmem>> -> memref<100xi32, #tpu.memory_space<vmem>>
      %dma_wait3A_1386 = arith.constant 0 : i32
      %dma_wait3A_1387 = arith.constant 0 : i32
      %dma_wait3A_1388 = tpu.memref_slice %arg2[%dma_wait3A_1386, %dma_wait3A_1387] : memref<1000000x32xf32, #tpu.memory_space<hbm>> -> memref<1000000x32xf32, #tpu.memory_space<hbm>>
      tpu.wait_indirect_dma semaphore(%arg10 : memref<!tpu.dma_semaphore, #tpu.memory_space<semaphore_mem>>) src(%dma_wait3A_1388 : memref<1000000x32xf32, #tpu.memory_space<hbm>>) dst(%dma_wait3A_1382 : memref<100x32xf32, #tpu.memory_space<vmem>>)
      %mul3A_1389 = arith.constant 16 : i32
      %mul3A_1390 = arith.muli %add3A_1196, %mul3A_1389 : i32
      %add3A_1391 = arith.addi %mul3A_2, %mul3A_1390 : i32
      %dma_start3A_1392 = arith.constant 0 : i32
      %dma_start3A_1393 = arith.constant 0 : i32
      %dma_start3A_1394 = tpu.memref_slice %arg4[%add3A_1391, %dma_start3A_1392, %dma_start3A_1393] : memref<16384x100x32xf32, #tpu.memory_space<hbm>> -> memref<16x100x32xf32, #tpu.memory_space<hbm>>
      %dma_start3A_1395 = arith.constant 0 : i32
      %dma_start3A_1396 = arith.constant 0 : i32
      %dma_start3A_1397 = tpu.memref_slice %arg4[%add3A_1391, %dma_start3A_1395, %dma_start3A_1396] : memref<16384x100x32xf32, #tpu.memory_space<hbm>> -> memref<16x100x32xf32, #tpu.memory_space<hbm>>
      tpu.enqueue_dma source(%arg8 : memref<16x100x32xf32, #tpu.memory_space<vmem>>) target(%dma_start3A_1397 : memref<16x100x32xf32, #tpu.memory_space<hbm>>) target_semaphore(%arg12 : memref<!tpu.dma_semaphore, #tpu.memory_space<semaphore_mem>>)
      %add3A_1398 = arith.constant 2 : i32
      %add3A_1399 = arith.addi %add3A_1196, %add3A_1398 : i32
      %mul3A_1400 = arith.constant 16 : i32
      %mul3A_1401 = arith.muli %add3A_1399, %mul3A_1400 : i32
      %add3A_1402 = arith.addi %mul3A_2, %mul3A_1401 : i32
      "tpu.region"() ({
        %run_scoped3A = tpu.sem_alloc : memref<!tpu.dma_semaphore, #tpu.memory_space<semaphore_mem>>
        %dma_start3A_1604 = arith.constant 0 : i32
        %dma_start3A_1605 = tpu.memref_slice %arg3[%add3A_1402, %dma_start3A_1604] : memref<16384x100xi32, #tpu.memory_space<hbm>> -> memref<16x100xi32, #tpu.memory_space<hbm>>
        %dma_start3A_1606 = arith.constant 0 : i32
        %dma_start3A_1607 = tpu.memref_slice %arg3[%add3A_1402, %dma_start3A_1606] : memref<16384x100xi32, #tpu.memory_space<hbm>> -> memref<16x100xi32, #tpu.memory_space<hbm>>
        tpu.enqueue_dma source(%dma_start3A_1607 : memref<16x100xi32, #tpu.memory_space<hbm>>) target(%arg6 : memref<16x100xi32, #tpu.memory_space<vmem>>) target_semaphore(%run_scoped3A : memref<!tpu.dma_semaphore, #tpu.memory_space<semaphore_mem>>)
        %dma_wait3A_1608 = arith.constant 0 : i32
        %dma_wait3A_1609 = tpu.memref_slice %arg3[%add3A_1402, %dma_wait3A_1608] : memref<16384x100xi32, #tpu.memory_space<hbm>> -> memref<16x100xi32, #tpu.memory_space<hbm>>
        %dma_wait3A_1610 = arith.constant 0 : i32
        %dma_wait3A_1611 = tpu.memref_slice %arg3[%add3A_1402, %dma_wait3A_1610] : memref<16384x100xi32, #tpu.memory_space<hbm>> -> memref<16x100xi32, #tpu.memory_space<hbm>>
        tpu.wait_dma2 semaphore(%run_scoped3A : memref<!tpu.dma_semaphore, #tpu.memory_space<semaphore_mem>>) src(%dma_wait3A_1611 : memref<16x100xi32, #tpu.memory_space<hbm>>) dst(%arg6 : memref<16x100xi32, #tpu.memory_space<vmem>>)
        tpu.yield
      }) : () -> ()
      %mul3A_1403 = arith.constant 16 : i32
      %mul3A_1404 = arith.muli %add3A_1196, %mul3A_1403 : i32
      %add3A_1405 = arith.addi %mul3A_2, %mul3A_1404 : i32
      %dma_wait3A_1406 = arith.constant 0 : i32
      %dma_wait3A_1407 = arith.constant 0 : i32
      %dma_wait3A_1408 = tpu.memref_slice %arg4[%add3A_1405, %dma_wait3A_1406, %dma_wait3A_1407] : memref<16384x100x32xf32, #tpu.memory_space<hbm>> -> memref<16x100x32xf32, #tpu.memory_space<hbm>>
      %dma_wait3A_1409 = arith.constant 0 : i32
      %dma_wait3A_1410 = arith.constant 0 : i32
      %dma_wait3A_1411 = tpu.memref_slice %arg4[%add3A_1405, %dma_wait3A_1409, %dma_wait3A_1410] : memref<16384x100x32xf32, #tpu.memory_space<hbm>> -> memref<16x100x32xf32, #tpu.memory_space<hbm>>
      tpu.wait_dma2 semaphore(%arg12 : memref<!tpu.dma_semaphore, #tpu.memory_space<semaphore_mem>>) src(%arg8 : memref<16x100x32xf32, #tpu.memory_space<vmem>>) dst(%dma_wait3A_1411 : memref<16x100x32xf32, #tpu.memory_space<hbm>>)
      %dma_start3A_1412 = arith.constant 0 : i32
      %dma_start3A_1413 = arith.constant 0 : i32
      %dma_start3A_1414 = arith.constant 0 : i32
      %dma_start3A_1415 = arith.constant 0 : i32
      %dma_start3A_1416 = tpu.memref_slice %arg8[%dma_start3A_1413, %dma_start3A_1414, %dma_start3A_1415] : memref<16x100x32xf32, #tpu.memory_space<vmem>> -> memref<1x100x32xf32, #tpu.memory_space<vmem>>
      %dma_start3A_1417 = tpu.memref_squeeze %dma_start3A_1416 : memref<1x100x32xf32, #tpu.memory_space<vmem>> -> memref<100x32xf32, #tpu.memory_space<vmem>>
      %dma_start3A_1418 = arith.constant 0 : i32
      %dma_start3A_1419 = tpu.memref_slice %arg6[%dma_start3A_1412, %dma_start3A_1418] : memref<16x100xi32, #tpu.memory_space<vmem>> -> memref<1x100xi32, #tpu.memory_space<vmem>>
      %dma_start3A_1420 = tpu.memref_squeeze %dma_start3A_1419 : memref<1x100xi32, #tpu.memory_space<vmem>> -> memref<100xi32, #tpu.memory_space<vmem>>
      %dma_start3A_1421 = arith.constant 0 : i32
      %dma_start3A_1422 = arith.constant 0 : i32
      %dma_start3A_1423 = tpu.memref_slice %arg2[%dma_start3A_1421, %dma_start3A_1422] : memref<1000000x32xf32, #tpu.memory_space<hbm>> -> memref<1000000x32xf32, #tpu.memory_space<hbm>>
      tpu.enqueue_indirect_dma source(%dma_start3A_1423 : memref<1000000x32xf32, #tpu.memory_space<hbm>>) target(%dma_start3A_1417 : memref<100x32xf32, #tpu.memory_space<vmem>>) offsets(%dma_start3A_1420 : memref<100xi32, #tpu.memory_space<vmem>>) semaphore(%arg10 : memref<!tpu.dma_semaphore, #tpu.memory_space<semaphore_mem>>)
      %dma_start3A_1424 = arith.constant 1 : i32
      %dma_start3A_1425 = arith.constant 1 : i32
      %dma_start3A_1426 = arith.constant 0 : i32
      %dma_start3A_1427 = arith.constant 0 : i32
      %dma_start3A_1428 = tpu.memref_slice %arg8[%dma_start3A_1425, %dma_start3A_1426, %dma_start3A_1427] : memref<16x100x32xf32, #tpu.memory_space<vmem>> -> memref<1x100x32xf32, #tpu.memory_space<vmem>>
      %dma_start3A_1429 = tpu.memref_squeeze %dma_start3A_1428 : memref<1x100x32xf32, #tpu.memory_space<vmem>> -> memref<100x32xf32, #tpu.memory_space<vmem>>
      %dma_start3A_1430 = arith.constant 0 : i32
      %dma_start3A_1431 = tpu.memref_slice %arg6[%dma_start3A_1424, %dma_start3A_1430] : memref<16x100xi32, #tpu.memory_space<vmem>> -> memref<1x100xi32, #tpu.memory_space<vmem>>
      %dma_start3A_1432 = tpu.memref_squeeze %dma_start3A_1431 : memref<1x100xi32, #tpu.memory_space<vmem>> -> memref<100xi32, #tpu.memory_space<vmem>>
      %dma_start3A_1433 = arith.constant 0 : i32
      %dma_start3A_1434 = arith.constant 0 : i32
      %dma_start3A_1435 = tpu.memref_slice %arg2[%dma_start3A_1433, %dma_start3A_1434] : memref<1000000x32xf32, #tpu.memory_space<hbm>> -> memref<1000000x32xf32, #tpu.memory_space<hbm>>
      tpu.enqueue_indirect_dma source(%dma_start3A_1435 : memref<1000000x32xf32, #tpu.memory_space<hbm>>) target(%dma_start3A_1429 : memref<100x32xf32, #tpu.memory_space<vmem>>) offsets(%dma_start3A_1432 : memref<100xi32, #tpu.memory_space<vmem>>) semaphore(%arg10 : memref<!tpu.dma_semaphore, #tpu.memory_space<semaphore_mem>>)
      %dma_start3A_1436 = arith.constant 2 : i32
      %dma_start3A_1437 = arith.constant 2 : i32
      %dma_start3A_1438 = arith.constant 0 : i32
      %dma_start3A_1439 = arith.constant 0 : i32
      %dma_start3A_1440 = tpu.memref_slice %arg8[%dma_start3A_1437, %dma_start3A_1438, %dma_start3A_1439] : memref<16x100x32xf32, #tpu.memory_space<vmem>> -> memref<1x100x32xf32, #tpu.memory_space<vmem>>
      %dma_start3A_1441 = tpu.memref_squeeze %dma_start3A_1440 : memref<1x100x32xf32, #tpu.memory_space<vmem>> -> memref<100x32xf32, #tpu.memory_space<vmem>>
      %dma_start3A_1442 = arith.constant 0 : i32
      %dma_start3A_1443 = tpu.memref_slice %arg6[%dma_start3A_1436, %dma_start3A_1442] : memref<16x100xi32, #tpu.memory_space<vmem>> -> memref<1x100xi32, #tpu.memory_space<vmem>>
      %dma_start3A_1444 = tpu.memref_squeeze %dma_start3A_1443 : memref<1x100xi32, #tpu.memory_space<vmem>> -> memref<100xi32, #tpu.memory_space<vmem>>
      %dma_start3A_1445 = arith.constant 0 : i32
      %dma_start3A_1446 = arith.constant 0 : i32
      %dma_start3A_1447 = tpu.memref_slice %arg2[%dma_start3A_1445, %dma_start3A_1446] : memref<1000000x32xf32, #tpu.memory_space<hbm>> -> memref<1000000x32xf32, #tpu.memory_space<hbm>>
      tpu.enqueue_indirect_dma source(%dma_start3A_1447 : memref<1000000x32xf32, #tpu.memory_space<hbm>>) target(%dma_start3A_1441 : memref<100x32xf32, #tpu.memory_space<vmem>>) offsets(%dma_start3A_1444 : memref<100xi32, #tpu.memory_space<vmem>>) semaphore(%arg10 : memref<!tpu.dma_semaphore, #tpu.memory_space<semaphore_mem>>)
      %dma_start3A_1448 = arith.constant 3 : i32
      %dma_start3A_1449 = arith.constant 3 : i32
      %dma_start3A_1450 = arith.constant 0 : i32
      %dma_start3A_1451 = arith.constant 0 : i32
      %dma_start3A_1452 = tpu.memref_slice %arg8[%dma_start3A_1449, %dma_start3A_1450, %dma_start3A_1451] : memref<16x100x32xf32, #tpu.memory_space<vmem>> -> memref<1x100x32xf32, #tpu.memory_space<vmem>>
      %dma_start3A_1453 = tpu.memref_squeeze %dma_start3A_1452 : memref<1x100x32xf32, #tpu.memory_space<vmem>> -> memref<100x32xf32, #tpu.memory_space<vmem>>
      %dma_start3A_1454 = arith.constant 0 : i32
      %dma_start3A_1455 = tpu.memref_slice %arg6[%dma_start3A_1448, %dma_start3A_1454] : memref<16x100xi32, #tpu.memory_space<vmem>> -> memref<1x100xi32, #tpu.memory_space<vmem>>
      %dma_start3A_1456 = tpu.memref_squeeze %dma_start3A_1455 : memref<1x100xi32, #tpu.memory_space<vmem>> -> memref<100xi32, #tpu.memory_space<vmem>>
      %dma_start3A_1457 = arith.constant 0 : i32
      %dma_start3A_1458 = arith.constant 0 : i32
      %dma_start3A_1459 = tpu.memref_slice %arg2[%dma_start3A_1457, %dma_start3A_1458] : memref<1000000x32xf32, #tpu.memory_space<hbm>> -> memref<1000000x32xf32, #tpu.memory_space<hbm>>
      tpu.enqueue_indirect_dma source(%dma_start3A_1459 : memref<1000000x32xf32, #tpu.memory_space<hbm>>) target(%dma_start3A_1453 : memref<100x32xf32, #tpu.memory_space<vmem>>) offsets(%dma_start3A_1456 : memref<100xi32, #tpu.memory_space<vmem>>) semaphore(%arg10 : memref<!tpu.dma_semaphore, #tpu.memory_space<semaphore_mem>>)
      %dma_start3A_1460 = arith.constant 4 : i32
      %dma_start3A_1461 = arith.constant 4 : i32
      %dma_start3A_1462 = arith.constant 0 : i32
      %dma_start3A_1463 = arith.constant 0 : i32
      %dma_start3A_1464 = tpu.memref_slice %arg8[%dma_start3A_1461, %dma_start3A_1462, %dma_start3A_1463] : memref<16x100x32xf32, #tpu.memory_space<vmem>> -> memref<1x100x32xf32, #tpu.memory_space<vmem>>
      %dma_start3A_1465 = tpu.memref_squeeze %dma_start3A_1464 : memref<1x100x32xf32, #tpu.memory_space<vmem>> -> memref<100x32xf32, #tpu.memory_space<vmem>>
      %dma_start3A_1466 = arith.constant 0 : i32
      %dma_start3A_1467 = tpu.memref_slice %arg6[%dma_start3A_1460, %dma_start3A_1466] : memref<16x100xi32, #tpu.memory_space<vmem>> -> memref<1x100xi32, #tpu.memory_space<vmem>>
      %dma_start3A_1468 = tpu.memref_squeeze %dma_start3A_1467 : memref<1x100xi32, #tpu.memory_space<vmem>> -> memref<100xi32, #tpu.memory_space<vmem>>
      %dma_start3A_1469 = arith.constant 0 : i32
      %dma_start3A_1470 = arith.constant 0 : i32
      %dma_start3A_1471 = tpu.memref_slice %arg2[%dma_start3A_1469, %dma_start3A_1470] : memref<1000000x32xf32, #tpu.memory_space<hbm>> -> memref<1000000x32xf32, #tpu.memory_space<hbm>>
      tpu.enqueue_indirect_dma source(%dma_start3A_1471 : memref<1000000x32xf32, #tpu.memory_space<hbm>>) target(%dma_start3A_1465 : memref<100x32xf32, #tpu.memory_space<vmem>>) offsets(%dma_start3A_1468 : memref<100xi32, #tpu.memory_space<vmem>>) semaphore(%arg10 : memref<!tpu.dma_semaphore, #tpu.memory_space<semaphore_mem>>)
      %dma_start3A_1472 = arith.constant 5 : i32
      %dma_start3A_1473 = arith.constant 5 : i32
      %dma_start3A_1474 = arith.constant 0 : i32
      %dma_start3A_1475 = arith.constant 0 : i32
      %dma_start3A_1476 = tpu.memref_slice %arg8[%dma_start3A_1473, %dma_start3A_1474, %dma_start3A_1475] : memref<16x100x32xf32, #tpu.memory_space<vmem>> -> memref<1x100x32xf32, #tpu.memory_space<vmem>>
      %dma_start3A_1477 = tpu.memref_squeeze %dma_start3A_1476 : memref<1x100x32xf32, #tpu.memory_space<vmem>> -> memref<100x32xf32, #tpu.memory_space<vmem>>
      %dma_start3A_1478 = arith.constant 0 : i32
      %dma_start3A_1479 = tpu.memref_slice %arg6[%dma_start3A_1472, %dma_start3A_1478] : memref<16x100xi32, #tpu.memory_space<vmem>> -> memref<1x100xi32, #tpu.memory_space<vmem>>
      %dma_start3A_1480 = tpu.memref_squeeze %dma_start3A_1479 : memref<1x100xi32, #tpu.memory_space<vmem>> -> memref<100xi32, #tpu.memory_space<vmem>>
      %dma_start3A_1481 = arith.constant 0 : i32
      %dma_start3A_1482 = arith.constant 0 : i32
      %dma_start3A_1483 = tpu.memref_slice %arg2[%dma_start3A_1481, %dma_start3A_1482] : memref<1000000x32xf32, #tpu.memory_space<hbm>> -> memref<1000000x32xf32, #tpu.memory_space<hbm>>
      tpu.enqueue_indirect_dma source(%dma_start3A_1483 : memref<1000000x32xf32, #tpu.memory_space<hbm>>) target(%dma_start3A_1477 : memref<100x32xf32, #tpu.memory_space<vmem>>) offsets(%dma_start3A_1480 : memref<100xi32, #tpu.memory_space<vmem>>) semaphore(%arg10 : memref<!tpu.dma_semaphore, #tpu.memory_space<semaphore_mem>>)
      %dma_start3A_1484 = arith.constant 6 : i32
      %dma_start3A_1485 = arith.constant 6 : i32
      %dma_start3A_1486 = arith.constant 0 : i32
      %dma_start3A_1487 = arith.constant 0 : i32
      %dma_start3A_1488 = tpu.memref_slice %arg8[%dma_start3A_1485, %dma_start3A_1486, %dma_start3A_1487] : memref<16x100x32xf32, #tpu.memory_space<vmem>> -> memref<1x100x32xf32, #tpu.memory_space<vmem>>
      %dma_start3A_1489 = tpu.memref_squeeze %dma_start3A_1488 : memref<1x100x32xf32, #tpu.memory_space<vmem>> -> memref<100x32xf32, #tpu.memory_space<vmem>>
      %dma_start3A_1490 = arith.constant 0 : i32
      %dma_start3A_1491 = tpu.memref_slice %arg6[%dma_start3A_1484, %dma_start3A_1490] : memref<16x100xi32, #tpu.memory_space<vmem>> -> memref<1x100xi32, #tpu.memory_space<vmem>>
      %dma_start3A_1492 = tpu.memref_squeeze %dma_start3A_1491 : memref<1x100xi32, #tpu.memory_space<vmem>> -> memref<100xi32, #tpu.memory_space<vmem>>
      %dma_start3A_1493 = arith.constant 0 : i32
      %dma_start3A_1494 = arith.constant 0 : i32
      %dma_start3A_1495 = tpu.memref_slice %arg2[%dma_start3A_1493, %dma_start3A_1494] : memref<1000000x32xf32, #tpu.memory_space<hbm>> -> memref<1000000x32xf32, #tpu.memory_space<hbm>>
      tpu.enqueue_indirect_dma source(%dma_start3A_1495 : memref<1000000x32xf32, #tpu.memory_space<hbm>>) target(%dma_start3A_1489 : memref<100x32xf32, #tpu.memory_space<vmem>>) offsets(%dma_start3A_1492 : memref<100xi32, #tpu.memory_space<vmem>>) semaphore(%arg10 : memref<!tpu.dma_semaphore, #tpu.memory_space<semaphore_mem>>)
      %dma_start3A_1496 = arith.constant 7 : i32
      %dma_start3A_1497 = arith.constant 7 : i32
      %dma_start3A_1498 = arith.constant 0 : i32
      %dma_start3A_1499 = arith.constant 0 : i32
      %dma_start3A_1500 = tpu.memref_slice %arg8[%dma_start3A_1497, %dma_start3A_1498, %dma_start3A_1499] : memref<16x100x32xf32, #tpu.memory_space<vmem>> -> memref<1x100x32xf32, #tpu.memory_space<vmem>>
      %dma_start3A_1501 = tpu.memref_squeeze %dma_start3A_1500 : memref<1x100x32xf32, #tpu.memory_space<vmem>> -> memref<100x32xf32, #tpu.memory_space<vmem>>
      %dma_start3A_1502 = arith.constant 0 : i32
      %dma_start3A_1503 = tpu.memref_slice %arg6[%dma_start3A_1496, %dma_start3A_1502] : memref<16x100xi32, #tpu.memory_space<vmem>> -> memref<1x100xi32, #tpu.memory_space<vmem>>
      %dma_start3A_1504 = tpu.memref_squeeze %dma_start3A_1503 : memref<1x100xi32, #tpu.memory_space<vmem>> -> memref<100xi32, #tpu.memory_space<vmem>>
      %dma_start3A_1505 = arith.constant 0 : i32
      %dma_start3A_1506 = arith.constant 0 : i32
      %dma_start3A_1507 = tpu.memref_slice %arg2[%dma_start3A_1505, %dma_start3A_1506] : memref<1000000x32xf32, #tpu.memory_space<hbm>> -> memref<1000000x32xf32, #tpu.memory_space<hbm>>
      tpu.enqueue_indirect_dma source(%dma_start3A_1507 : memref<1000000x32xf32, #tpu.memory_space<hbm>>) target(%dma_start3A_1501 : memref<100x32xf32, #tpu.memory_space<vmem>>) offsets(%dma_start3A_1504 : memref<100xi32, #tpu.memory_space<vmem>>) semaphore(%arg10 : memref<!tpu.dma_semaphore, #tpu.memory_space<semaphore_mem>>)
      %dma_start3A_1508 = arith.constant 8 : i32
      %dma_start3A_1509 = arith.constant 8 : i32
      %dma_start3A_1510 = arith.constant 0 : i32
      %dma_start3A_1511 = arith.constant 0 : i32
      %dma_start3A_1512 = tpu.memref_slice %arg8[%dma_start3A_1509, %dma_start3A_1510, %dma_start3A_1511] : memref<16x100x32xf32, #tpu.memory_space<vmem>> -> memref<1x100x32xf32, #tpu.memory_space<vmem>>
      %dma_start3A_1513 = tpu.memref_squeeze %dma_start3A_1512 : memref<1x100x32xf32, #tpu.memory_space<vmem>> -> memref<100x32xf32, #tpu.memory_space<vmem>>
      %dma_start3A_1514 = arith.constant 0 : i32
      %dma_start3A_1515 = tpu.memref_slice %arg6[%dma_start3A_1508, %dma_start3A_1514] : memref<16x100xi32, #tpu.memory_space<vmem>> -> memref<1x100xi32, #tpu.memory_space<vmem>>
      %dma_start3A_1516 = tpu.memref_squeeze %dma_start3A_1515 : memref<1x100xi32, #tpu.memory_space<vmem>> -> memref<100xi32, #tpu.memory_space<vmem>>
      %dma_start3A_1517 = arith.constant 0 : i32
      %dma_start3A_1518 = arith.constant 0 : i32
      %dma_start3A_1519 = tpu.memref_slice %arg2[%dma_start3A_1517, %dma_start3A_1518] : memref<1000000x32xf32, #tpu.memory_space<hbm>> -> memref<1000000x32xf32, #tpu.memory_space<hbm>>
      tpu.enqueue_indirect_dma source(%dma_start3A_1519 : memref<1000000x32xf32, #tpu.memory_space<hbm>>) target(%dma_start3A_1513 : memref<100x32xf32, #tpu.memory_space<vmem>>) offsets(%dma_start3A_1516 : memref<100xi32, #tpu.memory_space<vmem>>) semaphore(%arg10 : memref<!tpu.dma_semaphore, #tpu.memory_space<semaphore_mem>>)
      %dma_start3A_1520 = arith.constant 9 : i32
      %dma_start3A_1521 = arith.constant 9 : i32
      %dma_start3A_1522 = arith.constant 0 : i32
      %dma_start3A_1523 = arith.constant 0 : i32
      %dma_start3A_1524 = tpu.memref_slice %arg8[%dma_start3A_1521, %dma_start3A_1522, %dma_start3A_1523] : memref<16x100x32xf32, #tpu.memory_space<vmem>> -> memref<1x100x32xf32, #tpu.memory_space<vmem>>
      %dma_start3A_1525 = tpu.memref_squeeze %dma_start3A_1524 : memref<1x100x32xf32, #tpu.memory_space<vmem>> -> memref<100x32xf32, #tpu.memory_space<vmem>>
      %dma_start3A_1526 = arith.constant 0 : i32
      %dma_start3A_1527 = tpu.memref_slice %arg6[%dma_start3A_1520, %dma_start3A_1526] : memref<16x100xi32, #tpu.memory_space<vmem>> -> memref<1x100xi32, #tpu.memory_space<vmem>>
      %dma_start3A_1528 = tpu.memref_squeeze %dma_start3A_1527 : memref<1x100xi32, #tpu.memory_space<vmem>> -> memref<100xi32, #tpu.memory_space<vmem>>
      %dma_start3A_1529 = arith.constant 0 : i32
      %dma_start3A_1530 = arith.constant 0 : i32
      %dma_start3A_1531 = tpu.memref_slice %arg2[%dma_start3A_1529, %dma_start3A_1530] : memref<1000000x32xf32, #tpu.memory_space<hbm>> -> memref<1000000x32xf32, #tpu.memory_space<hbm>>
      tpu.enqueue_indirect_dma source(%dma_start3A_1531 : memref<1000000x32xf32, #tpu.memory_space<hbm>>) target(%dma_start3A_1525 : memref<100x32xf32, #tpu.memory_space<vmem>>) offsets(%dma_start3A_1528 : memref<100xi32, #tpu.memory_space<vmem>>) semaphore(%arg10 : memref<!tpu.dma_semaphore, #tpu.memory_space<semaphore_mem>>)
      %dma_start3A_1532 = arith.constant 10 : i32
      %dma_start3A_1533 = arith.constant 10 : i32
      %dma_start3A_1534 = arith.constant 0 : i32
      %dma_start3A_1535 = arith.constant 0 : i32
      %dma_start3A_1536 = tpu.memref_slice %arg8[%dma_start3A_1533, %dma_start3A_1534, %dma_start3A_1535] : memref<16x100x32xf32, #tpu.memory_space<vmem>> -> memref<1x100x32xf32, #tpu.memory_space<vmem>>
      %dma_start3A_1537 = tpu.memref_squeeze %dma_start3A_1536 : memref<1x100x32xf32, #tpu.memory_space<vmem>> -> memref<100x32xf32, #tpu.memory_space<vmem>>
      %dma_start3A_1538 = arith.constant 0 : i32
      %dma_start3A_1539 = tpu.memref_slice %arg6[%dma_start3A_1532, %dma_start3A_1538] : memref<16x100xi32, #tpu.memory_space<vmem>> -> memref<1x100xi32, #tpu.memory_space<vmem>>
      %dma_start3A_1540 = tpu.memref_squeeze %dma_start3A_1539 : memref<1x100xi32, #tpu.memory_space<vmem>> -> memref<100xi32, #tpu.memory_space<vmem>>
      %dma_start3A_1541 = arith.constant 0 : i32
      %dma_start3A_1542 = arith.constant 0 : i32
      %dma_start3A_1543 = tpu.memref_slice %arg2[%dma_start3A_1541, %dma_start3A_1542] : memref<1000000x32xf32, #tpu.memory_space<hbm>> -> memref<1000000x32xf32, #tpu.memory_space<hbm>>
      tpu.enqueue_indirect_dma source(%dma_start3A_1543 : memref<1000000x32xf32, #tpu.memory_space<hbm>>) target(%dma_start3A_1537 : memref<100x32xf32, #tpu.memory_space<vmem>>) offsets(%dma_start3A_1540 : memref<100xi32, #tpu.memory_space<vmem>>) semaphore(%arg10 : memref<!tpu.dma_semaphore, #tpu.memory_space<semaphore_mem>>)
      %dma_start3A_1544 = arith.constant 11 : i32
      %dma_start3A_1545 = arith.constant 11 : i32
      %dma_start3A_1546 = arith.constant 0 : i32
      %dma_start3A_1547 = arith.constant 0 : i32
      %dma_start3A_1548 = tpu.memref_slice %arg8[%dma_start3A_1545, %dma_start3A_1546, %dma_start3A_1547] : memref<16x100x32xf32, #tpu.memory_space<vmem>> -> memref<1x100x32xf32, #tpu.memory_space<vmem>>
      %dma_start3A_1549 = tpu.memref_squeeze %dma_start3A_1548 : memref<1x100x32xf32, #tpu.memory_space<vmem>> -> memref<100x32xf32, #tpu.memory_space<vmem>>
      %dma_start3A_1550 = arith.constant 0 : i32
      %dma_start3A_1551 = tpu.memref_slice %arg6[%dma_start3A_1544, %dma_start3A_1550] : memref<16x100xi32, #tpu.memory_space<vmem>> -> memref<1x100xi32, #tpu.memory_space<vmem>>
      %dma_start3A_1552 = tpu.memref_squeeze %dma_start3A_1551 : memref<1x100xi32, #tpu.memory_space<vmem>> -> memref<100xi32, #tpu.memory_space<vmem>>
      %dma_start3A_1553 = arith.constant 0 : i32
      %dma_start3A_1554 = arith.constant 0 : i32
      %dma_start3A_1555 = tpu.memref_slice %arg2[%dma_start3A_1553, %dma_start3A_1554] : memref<1000000x32xf32, #tpu.memory_space<hbm>> -> memref<1000000x32xf32, #tpu.memory_space<hbm>>
      tpu.enqueue_indirect_dma source(%dma_start3A_1555 : memref<1000000x32xf32, #tpu.memory_space<hbm>>) target(%dma_start3A_1549 : memref<100x32xf32, #tpu.memory_space<vmem>>) offsets(%dma_start3A_1552 : memref<100xi32, #tpu.memory_space<vmem>>) semaphore(%arg10 : memref<!tpu.dma_semaphore, #tpu.memory_space<semaphore_mem>>)
      %dma_start3A_1556 = arith.constant 12 : i32
      %dma_start3A_1557 = arith.constant 12 : i32
      %dma_start3A_1558 = arith.constant 0 : i32
      %dma_start3A_1559 = arith.constant 0 : i32
      %dma_start3A_1560 = tpu.memref_slice %arg8[%dma_start3A_1557, %dma_start3A_1558, %dma_start3A_1559] : memref<16x100x32xf32, #tpu.memory_space<vmem>> -> memref<1x100x32xf32, #tpu.memory_space<vmem>>
      %dma_start3A_1561 = tpu.memref_squeeze %dma_start3A_1560 : memref<1x100x32xf32, #tpu.memory_space<vmem>> -> memref<100x32xf32, #tpu.memory_space<vmem>>
      %dma_start3A_1562 = arith.constant 0 : i32
      %dma_start3A_1563 = tpu.memref_slice %arg6[%dma_start3A_1556, %dma_start3A_1562] : memref<16x100xi32, #tpu.memory_space<vmem>> -> memref<1x100xi32, #tpu.memory_space<vmem>>
      %dma_start3A_1564 = tpu.memref_squeeze %dma_start3A_1563 : memref<1x100xi32, #tpu.memory_space<vmem>> -> memref<100xi32, #tpu.memory_space<vmem>>
      %dma_start3A_1565 = arith.constant 0 : i32
      %dma_start3A_1566 = arith.constant 0 : i32
      %dma_start3A_1567 = tpu.memref_slice %arg2[%dma_start3A_1565, %dma_start3A_1566] : memref<1000000x32xf32, #tpu.memory_space<hbm>> -> memref<1000000x32xf32, #tpu.memory_space<hbm>>
      tpu.enqueue_indirect_dma source(%dma_start3A_1567 : memref<1000000x32xf32, #tpu.memory_space<hbm>>) target(%dma_start3A_1561 : memref<100x32xf32, #tpu.memory_space<vmem>>) offsets(%dma_start3A_1564 : memref<100xi32, #tpu.memory_space<vmem>>) semaphore(%arg10 : memref<!tpu.dma_semaphore, #tpu.memory_space<semaphore_mem>>)
      %dma_start3A_1568 = arith.constant 13 : i32
      %dma_start3A_1569 = arith.constant 13 : i32
      %dma_start3A_1570 = arith.constant 0 : i32
      %dma_start3A_1571 = arith.constant 0 : i32
      %dma_start3A_1572 = tpu.memref_slice %arg8[%dma_start3A_1569, %dma_start3A_1570, %dma_start3A_1571] : memref<16x100x32xf32, #tpu.memory_space<vmem>> -> memref<1x100x32xf32, #tpu.memory_space<vmem>>
      %dma_start3A_1573 = tpu.memref_squeeze %dma_start3A_1572 : memref<1x100x32xf32, #tpu.memory_space<vmem>> -> memref<100x32xf32, #tpu.memory_space<vmem>>
      %dma_start3A_1574 = arith.constant 0 : i32
      %dma_start3A_1575 = tpu.memref_slice %arg6[%dma_start3A_1568, %dma_start3A_1574] : memref<16x100xi32, #tpu.memory_space<vmem>> -> memref<1x100xi32, #tpu.memory_space<vmem>>
      %dma_start3A_1576 = tpu.memref_squeeze %dma_start3A_1575 : memref<1x100xi32, #tpu.memory_space<vmem>> -> memref<100xi32, #tpu.memory_space<vmem>>
      %dma_start3A_1577 = arith.constant 0 : i32
      %dma_start3A_1578 = arith.constant 0 : i32
      %dma_start3A_1579 = tpu.memref_slice %arg2[%dma_start3A_1577, %dma_start3A_1578] : memref<1000000x32xf32, #tpu.memory_space<hbm>> -> memref<1000000x32xf32, #tpu.memory_space<hbm>>
      tpu.enqueue_indirect_dma source(%dma_start3A_1579 : memref<1000000x32xf32, #tpu.memory_space<hbm>>) target(%dma_start3A_1573 : memref<100x32xf32, #tpu.memory_space<vmem>>) offsets(%dma_start3A_1576 : memref<100xi32, #tpu.memory_space<vmem>>) semaphore(%arg10 : memref<!tpu.dma_semaphore, #tpu.memory_space<semaphore_mem>>)
      %dma_start3A_1580 = arith.constant 14 : i32
      %dma_start3A_1581 = arith.constant 14 : i32
      %dma_start3A_1582 = arith.constant 0 : i32
      %dma_start3A_1583 = arith.constant 0 : i32
      %dma_start3A_1584 = tpu.memref_slice %arg8[%dma_start3A_1581, %dma_start3A_1582, %dma_start3A_1583] : memref<16x100x32xf32, #tpu.memory_space<vmem>> -> memref<1x100x32xf32, #tpu.memory_space<vmem>>
      %dma_start3A_1585 = tpu.memref_squeeze %dma_start3A_1584 : memref<1x100x32xf32, #tpu.memory_space<vmem>> -> memref<100x32xf32, #tpu.memory_space<vmem>>
      %dma_start3A_1586 = arith.constant 0 : i32
      %dma_start3A_1587 = tpu.memref_slice %arg6[%dma_start3A_1580, %dma_start3A_1586] : memref<16x100xi32, #tpu.memory_space<vmem>> -> memref<1x100xi32, #tpu.memory_space<vmem>>
      %dma_start3A_1588 = tpu.memref_squeeze %dma_start3A_1587 : memref<1x100xi32, #tpu.memory_space<vmem>> -> memref<100xi32, #tpu.memory_space<vmem>>
      %dma_start3A_1589 = arith.constant 0 : i32
      %dma_start3A_1590 = arith.constant 0 : i32
      %dma_start3A_1591 = tpu.memref_slice %arg2[%dma_start3A_1589, %dma_start3A_1590] : memref<1000000x32xf32, #tpu.memory_space<hbm>> -> memref<1000000x32xf32, #tpu.memory_space<hbm>>
      tpu.enqueue_indirect_dma source(%dma_start3A_1591 : memref<1000000x32xf32, #tpu.memory_space<hbm>>) target(%dma_start3A_1585 : memref<100x32xf32, #tpu.memory_space<vmem>>) offsets(%dma_start3A_1588 : memref<100xi32, #tpu.memory_space<vmem>>) semaphore(%arg10 : memref<!tpu.dma_semaphore, #tpu.memory_space<semaphore_mem>>)
      %dma_start3A_1592 = arith.constant 15 : i32
      %dma_start3A_1593 = arith.constant 15 : i32
      %dma_start3A_1594 = arith.constant 0 : i32
      %dma_start3A_1595 = arith.constant 0 : i32
      %dma_start3A_1596 = tpu.memref_slice %arg8[%dma_start3A_1593, %dma_start3A_1594, %dma_start3A_1595] : memref<16x100x32xf32, #tpu.memory_space<vmem>> -> memref<1x100x32xf32, #tpu.memory_space<vmem>>
      %dma_start3A_1597 = tpu.memref_squeeze %dma_start3A_1596 : memref<1x100x32xf32, #tpu.memory_space<vmem>> -> memref<100x32xf32, #tpu.memory_space<vmem>>
      %dma_start3A_1598 = arith.constant 0 : i32
      %dma_start3A_1599 = tpu.memref_slice %arg6[%dma_start3A_1592, %dma_start3A_1598] : memref<16x100xi32, #tpu.memory_space<vmem>> -> memref<1x100xi32, #tpu.memory_space<vmem>>
      %dma_start3A_1600 = tpu.memref_squeeze %dma_start3A_1599 : memref<1x100xi32, #tpu.memory_space<vmem>> -> memref<100xi32, #tpu.memory_space<vmem>>
      %dma_start3A_1601 = arith.constant 0 : i32
      %dma_start3A_1602 = arith.constant 0 : i32
      %dma_start3A_1603 = tpu.memref_slice %arg2[%dma_start3A_1601, %dma_start3A_1602] : memref<1000000x32xf32, #tpu.memory_space<hbm>> -> memref<1000000x32xf32, #tpu.memory_space<hbm>>
      tpu.enqueue_indirect_dma source(%dma_start3A_1603 : memref<1000000x32xf32, #tpu.memory_space<hbm>>) target(%dma_start3A_1597 : memref<100x32xf32, #tpu.memory_space<vmem>>) offsets(%dma_start3A_1600 : memref<100xi32, #tpu.memory_space<vmem>>) semaphore(%arg10 : memref<!tpu.dma_semaphore, #tpu.memory_space<semaphore_mem>>)
    }
    %scan3A_393 = arith.constant 15 : i32
    %dma_wait3A = arith.constant 0 : i32
    %dma_wait3A_394 = arith.constant 0 : i32
    %dma_wait3A_395 = arith.constant 0 : i32
    %dma_wait3A_396 = arith.constant 0 : i32
    %dma_wait3A_397 = tpu.memref_slice %arg7[%dma_wait3A_394, %dma_wait3A_395, %dma_wait3A_396] : memref<16x100x32xf32, #tpu.memory_space<vmem>> -> memref<1x100x32xf32, #tpu.memory_space<vmem>>
    %dma_wait3A_398 = tpu.memref_squeeze %dma_wait3A_397 : memref<1x100x32xf32, #tpu.memory_space<vmem>> -> memref<100x32xf32, #tpu.memory_space<vmem>>
    %dma_wait3A_399 = arith.constant 0 : i32
    %dma_wait3A_400 = tpu.memref_slice %arg5[%dma_wait3A, %dma_wait3A_399] : memref<16x100xi32, #tpu.memory_space<vmem>> -> memref<1x100xi32, #tpu.memory_space<vmem>>
    %dma_wait3A_401 = tpu.memref_squeeze %dma_wait3A_400 : memref<1x100xi32, #tpu.memory_space<vmem>> -> memref<100xi32, #tpu.memory_space<vmem>>
    %dma_wait3A_402 = arith.constant 0 : i32
    %dma_wait3A_403 = arith.constant 0 : i32
    %dma_wait3A_404 = tpu.memref_slice %arg2[%dma_wait3A_402, %dma_wait3A_403] : memref<1000000x32xf32, #tpu.memory_space<hbm>> -> memref<1000000x32xf32, #tpu.memory_space<hbm>>
    tpu.wait_indirect_dma semaphore(%arg9 : memref<!tpu.dma_semaphore, #tpu.memory_space<semaphore_mem>>) src(%dma_wait3A_404 : memref<1000000x32xf32, #tpu.memory_space<hbm>>) dst(%dma_wait3A_398 : memref<100x32xf32, #tpu.memory_space<vmem>>)
    %dma_wait3A_405 = arith.constant 1 : i32
    %dma_wait3A_406 = arith.constant 1 : i32
    %dma_wait3A_407 = arith.constant 0 : i32
    %dma_wait3A_408 = arith.constant 0 : i32
    %dma_wait3A_409 = tpu.memref_slice %arg7[%dma_wait3A_406, %dma_wait3A_407, %dma_wait3A_408] : memref<16x100x32xf32, #tpu.memory_space<vmem>> -> memref<1x100x32xf32, #tpu.memory_space<vmem>>
    %dma_wait3A_410 = tpu.memref_squeeze %dma_wait3A_409 : memref<1x100x32xf32, #tpu.memory_space<vmem>> -> memref<100x32xf32, #tpu.memory_space<vmem>>
    %dma_wait3A_411 = arith.constant 0 : i32
    %dma_wait3A_412 = tpu.memref_slice %arg5[%dma_wait3A_405, %dma_wait3A_411] : memref<16x100xi32, #tpu.memory_space<vmem>> -> memref<1x100xi32, #tpu.memory_space<vmem>>
    %dma_wait3A_413 = tpu.memref_squeeze %dma_wait3A_412 : memref<1x100xi32, #tpu.memory_space<vmem>> -> memref<100xi32, #tpu.memory_space<vmem>>
    %dma_wait3A_414 = arith.constant 0 : i32
    %dma_wait3A_415 = arith.constant 0 : i32
    %dma_wait3A_416 = tpu.memref_slice %arg2[%dma_wait3A_414, %dma_wait3A_415] : memref<1000000x32xf32, #tpu.memory_space<hbm>> -> memref<1000000x32xf32, #tpu.memory_space<hbm>>
    tpu.wait_indirect_dma semaphore(%arg9 : memref<!tpu.dma_semaphore, #tpu.memory_space<semaphore_mem>>) src(%dma_wait3A_416 : memref<1000000x32xf32, #tpu.memory_space<hbm>>) dst(%dma_wait3A_410 : memref<100x32xf32, #tpu.memory_space<vmem>>)
    %dma_wait3A_417 = arith.constant 2 : i32
    %dma_wait3A_418 = arith.constant 2 : i32
    %dma_wait3A_419 = arith.constant 0 : i32
    %dma_wait3A_420 = arith.constant 0 : i32
    %dma_wait3A_421 = tpu.memref_slice %arg7[%dma_wait3A_418, %dma_wait3A_419, %dma_wait3A_420] : memref<16x100x32xf32, #tpu.memory_space<vmem>> -> memref<1x100x32xf32, #tpu.memory_space<vmem>>
    %dma_wait3A_422 = tpu.memref_squeeze %dma_wait3A_421 : memref<1x100x32xf32, #tpu.memory_space<vmem>> -> memref<100x32xf32, #tpu.memory_space<vmem>>
    %dma_wait3A_423 = arith.constant 0 : i32
    %dma_wait3A_424 = tpu.memref_slice %arg5[%dma_wait3A_417, %dma_wait3A_423] : memref<16x100xi32, #tpu.memory_space<vmem>> -> memref<1x100xi32, #tpu.memory_space<vmem>>
    %dma_wait3A_425 = tpu.memref_squeeze %dma_wait3A_424 : memref<1x100xi32, #tpu.memory_space<vmem>> -> memref<100xi32, #tpu.memory_space<vmem>>
    %dma_wait3A_426 = arith.constant 0 : i32
    %dma_wait3A_427 = arith.constant 0 : i32
    %dma_wait3A_428 = tpu.memref_slice %arg2[%dma_wait3A_426, %dma_wait3A_427] : memref<1000000x32xf32, #tpu.memory_space<hbm>> -> memref<1000000x32xf32, #tpu.memory_space<hbm>>
    tpu.wait_indirect_dma semaphore(%arg9 : memref<!tpu.dma_semaphore, #tpu.memory_space<semaphore_mem>>) src(%dma_wait3A_428 : memref<1000000x32xf32, #tpu.memory_space<hbm>>) dst(%dma_wait3A_422 : memref<100x32xf32, #tpu.memory_space<vmem>>)
    %dma_wait3A_429 = arith.constant 3 : i32
    %dma_wait3A_430 = arith.constant 3 : i32
    %dma_wait3A_431 = arith.constant 0 : i32
    %dma_wait3A_432 = arith.constant 0 : i32
    %dma_wait3A_433 = tpu.memref_slice %arg7[%dma_wait3A_430, %dma_wait3A_431, %dma_wait3A_432] : memref<16x100x32xf32, #tpu.memory_space<vmem>> -> memref<1x100x32xf32, #tpu.memory_space<vmem>>
    %dma_wait3A_434 = tpu.memref_squeeze %dma_wait3A_433 : memref<1x100x32xf32, #tpu.memory_space<vmem>> -> memref<100x32xf32, #tpu.memory_space<vmem>>
    %dma_wait3A_435 = arith.constant 0 : i32
    %dma_wait3A_436 = tpu.memref_slice %arg5[%dma_wait3A_429, %dma_wait3A_435] : memref<16x100xi32, #tpu.memory_space<vmem>> -> memref<1x100xi32, #tpu.memory_space<vmem>>
    %dma_wait3A_437 = tpu.memref_squeeze %dma_wait3A_436 : memref<1x100xi32, #tpu.memory_space<vmem>> -> memref<100xi32, #tpu.memory_space<vmem>>
    %dma_wait3A_438 = arith.constant 0 : i32
    %dma_wait3A_439 = arith.constant 0 : i32
    %dma_wait3A_440 = tpu.memref_slice %arg2[%dma_wait3A_438, %dma_wait3A_439] : memref<1000000x32xf32, #tpu.memory_space<hbm>> -> memref<1000000x32xf32, #tpu.memory_space<hbm>>
    tpu.wait_indirect_dma semaphore(%arg9 : memref<!tpu.dma_semaphore, #tpu.memory_space<semaphore_mem>>) src(%dma_wait3A_440 : memref<1000000x32xf32, #tpu.memory_space<hbm>>) dst(%dma_wait3A_434 : memref<100x32xf32, #tpu.memory_space<vmem>>)
    %dma_wait3A_441 = arith.constant 4 : i32
    %dma_wait3A_442 = arith.constant 4 : i32
    %dma_wait3A_443 = arith.constant 0 : i32
    %dma_wait3A_444 = arith.constant 0 : i32
    %dma_wait3A_445 = tpu.memref_slice %arg7[%dma_wait3A_442, %dma_wait3A_443, %dma_wait3A_444] : memref<16x100x32xf32, #tpu.memory_space<vmem>> -> memref<1x100x32xf32, #tpu.memory_space<vmem>>
    %dma_wait3A_446 = tpu.memref_squeeze %dma_wait3A_445 : memref<1x100x32xf32, #tpu.memory_space<vmem>> -> memref<100x32xf32, #tpu.memory_space<vmem>>
    %dma_wait3A_447 = arith.constant 0 : i32
    %dma_wait3A_448 = tpu.memref_slice %arg5[%dma_wait3A_441, %dma_wait3A_447] : memref<16x100xi32, #tpu.memory_space<vmem>> -> memref<1x100xi32, #tpu.memory_space<vmem>>
    %dma_wait3A_449 = tpu.memref_squeeze %dma_wait3A_448 : memref<1x100xi32, #tpu.memory_space<vmem>> -> memref<100xi32, #tpu.memory_space<vmem>>
    %dma_wait3A_450 = arith.constant 0 : i32
    %dma_wait3A_451 = arith.constant 0 : i32
    %dma_wait3A_452 = tpu.memref_slice %arg2[%dma_wait3A_450, %dma_wait3A_451] : memref<1000000x32xf32, #tpu.memory_space<hbm>> -> memref<1000000x32xf32, #tpu.memory_space<hbm>>
    tpu.wait_indirect_dma semaphore(%arg9 : memref<!tpu.dma_semaphore, #tpu.memory_space<semaphore_mem>>) src(%dma_wait3A_452 : memref<1000000x32xf32, #tpu.memory_space<hbm>>) dst(%dma_wait3A_446 : memref<100x32xf32, #tpu.memory_space<vmem>>)
    %dma_wait3A_453 = arith.constant 5 : i32
    %dma_wait3A_454 = arith.constant 5 : i32
    %dma_wait3A_455 = arith.constant 0 : i32
    %dma_wait3A_456 = arith.constant 0 : i32
    %dma_wait3A_457 = tpu.memref_slice %arg7[%dma_wait3A_454, %dma_wait3A_455, %dma_wait3A_456] : memref<16x100x32xf32, #tpu.memory_space<vmem>> -> memref<1x100x32xf32, #tpu.memory_space<vmem>>
    %dma_wait3A_458 = tpu.memref_squeeze %dma_wait3A_457 : memref<1x100x32xf32, #tpu.memory_space<vmem>> -> memref<100x32xf32, #tpu.memory_space<vmem>>
    %dma_wait3A_459 = arith.constant 0 : i32
    %dma_wait3A_460 = tpu.memref_slice %arg5[%dma_wait3A_453, %dma_wait3A_459] : memref<16x100xi32, #tpu.memory_space<vmem>> -> memref<1x100xi32, #tpu.memory_space<vmem>>
    %dma_wait3A_461 = tpu.memref_squeeze %dma_wait3A_460 : memref<1x100xi32, #tpu.memory_space<vmem>> -> memref<100xi32, #tpu.memory_space<vmem>>
    %dma_wait3A_462 = arith.constant 0 : i32
    %dma_wait3A_463 = arith.constant 0 : i32
    %dma_wait3A_464 = tpu.memref_slice %arg2[%dma_wait3A_462, %dma_wait3A_463] : memref<1000000x32xf32, #tpu.memory_space<hbm>> -> memref<1000000x32xf32, #tpu.memory_space<hbm>>
    tpu.wait_indirect_dma semaphore(%arg9 : memref<!tpu.dma_semaphore, #tpu.memory_space<semaphore_mem>>) src(%dma_wait3A_464 : memref<1000000x32xf32, #tpu.memory_space<hbm>>) dst(%dma_wait3A_458 : memref<100x32xf32, #tpu.memory_space<vmem>>)
    %dma_wait3A_465 = arith.constant 6 : i32
    %dma_wait3A_466 = arith.constant 6 : i32
    %dma_wait3A_467 = arith.constant 0 : i32
    %dma_wait3A_468 = arith.constant 0 : i32
    %dma_wait3A_469 = tpu.memref_slice %arg7[%dma_wait3A_466, %dma_wait3A_467, %dma_wait3A_468] : memref<16x100x32xf32, #tpu.memory_space<vmem>> -> memref<1x100x32xf32, #tpu.memory_space<vmem>>
    %dma_wait3A_470 = tpu.memref_squeeze %dma_wait3A_469 : memref<1x100x32xf32, #tpu.memory_space<vmem>> -> memref<100x32xf32, #tpu.memory_space<vmem>>
    %dma_wait3A_471 = arith.constant 0 : i32
    %dma_wait3A_472 = tpu.memref_slice %arg5[%dma_wait3A_465, %dma_wait3A_471] : memref<16x100xi32, #tpu.memory_space<vmem>> -> memref<1x100xi32, #tpu.memory_space<vmem>>
    %dma_wait3A_473 = tpu.memref_squeeze %dma_wait3A_472 : memref<1x100xi32, #tpu.memory_space<vmem>> -> memref<100xi32, #tpu.memory_space<vmem>>
    %dma_wait3A_474 = arith.constant 0 : i32
    %dma_wait3A_475 = arith.constant 0 : i32
    %dma_wait3A_476 = tpu.memref_slice %arg2[%dma_wait3A_474, %dma_wait3A_475] : memref<1000000x32xf32, #tpu.memory_space<hbm>> -> memref<1000000x32xf32, #tpu.memory_space<hbm>>
    tpu.wait_indirect_dma semaphore(%arg9 : memref<!tpu.dma_semaphore, #tpu.memory_space<semaphore_mem>>) src(%dma_wait3A_476 : memref<1000000x32xf32, #tpu.memory_space<hbm>>) dst(%dma_wait3A_470 : memref<100x32xf32, #tpu.memory_space<vmem>>)
    %dma_wait3A_477 = arith.constant 7 : i32
    %dma_wait3A_478 = arith.constant 7 : i32
    %dma_wait3A_479 = arith.constant 0 : i32
    %dma_wait3A_480 = arith.constant 0 : i32
    %dma_wait3A_481 = tpu.memref_slice %arg7[%dma_wait3A_478, %dma_wait3A_479, %dma_wait3A_480] : memref<16x100x32xf32, #tpu.memory_space<vmem>> -> memref<1x100x32xf32, #tpu.memory_space<vmem>>
    %dma_wait3A_482 = tpu.memref_squeeze %dma_wait3A_481 : memref<1x100x32xf32, #tpu.memory_space<vmem>> -> memref<100x32xf32, #tpu.memory_space<vmem>>
    %dma_wait3A_483 = arith.constant 0 : i32
    %dma_wait3A_484 = tpu.memref_slice %arg5[%dma_wait3A_477, %dma_wait3A_483] : memref<16x100xi32, #tpu.memory_space<vmem>> -> memref<1x100xi32, #tpu.memory_space<vmem>>
    %dma_wait3A_485 = tpu.memref_squeeze %dma_wait3A_484 : memref<1x100xi32, #tpu.memory_space<vmem>> -> memref<100xi32, #tpu.memory_space<vmem>>
    %dma_wait3A_486 = arith.constant 0 : i32
    %dma_wait3A_487 = arith.constant 0 : i32
    %dma_wait3A_488 = tpu.memref_slice %arg2[%dma_wait3A_486, %dma_wait3A_487] : memref<1000000x32xf32, #tpu.memory_space<hbm>> -> memref<1000000x32xf32, #tpu.memory_space<hbm>>
    tpu.wait_indirect_dma semaphore(%arg9 : memref<!tpu.dma_semaphore, #tpu.memory_space<semaphore_mem>>) src(%dma_wait3A_488 : memref<1000000x32xf32, #tpu.memory_space<hbm>>) dst(%dma_wait3A_482 : memref<100x32xf32, #tpu.memory_space<vmem>>)
    %dma_wait3A_489 = arith.constant 8 : i32
    %dma_wait3A_490 = arith.constant 8 : i32
    %dma_wait3A_491 = arith.constant 0 : i32
    %dma_wait3A_492 = arith.constant 0 : i32
    %dma_wait3A_493 = tpu.memref_slice %arg7[%dma_wait3A_490, %dma_wait3A_491, %dma_wait3A_492] : memref<16x100x32xf32, #tpu.memory_space<vmem>> -> memref<1x100x32xf32, #tpu.memory_space<vmem>>
    %dma_wait3A_494 = tpu.memref_squeeze %dma_wait3A_493 : memref<1x100x32xf32, #tpu.memory_space<vmem>> -> memref<100x32xf32, #tpu.memory_space<vmem>>
    %dma_wait3A_495 = arith.constant 0 : i32
    %dma_wait3A_496 = tpu.memref_slice %arg5[%dma_wait3A_489, %dma_wait3A_495] : memref<16x100xi32, #tpu.memory_space<vmem>> -> memref<1x100xi32, #tpu.memory_space<vmem>>
    %dma_wait3A_497 = tpu.memref_squeeze %dma_wait3A_496 : memref<1x100xi32, #tpu.memory_space<vmem>> -> memref<100xi32, #tpu.memory_space<vmem>>
    %dma_wait3A_498 = arith.constant 0 : i32
    %dma_wait3A_499 = arith.constant 0 : i32
    %dma_wait3A_500 = tpu.memref_slice %arg2[%dma_wait3A_498, %dma_wait3A_499] : memref<1000000x32xf32, #tpu.memory_space<hbm>> -> memref<1000000x32xf32, #tpu.memory_space<hbm>>
    tpu.wait_indirect_dma semaphore(%arg9 : memref<!tpu.dma_semaphore, #tpu.memory_space<semaphore_mem>>) src(%dma_wait3A_500 : memref<1000000x32xf32, #tpu.memory_space<hbm>>) dst(%dma_wait3A_494 : memref<100x32xf32, #tpu.memory_space<vmem>>)
    %dma_wait3A_501 = arith.constant 9 : i32
    %dma_wait3A_502 = arith.constant 9 : i32
    %dma_wait3A_503 = arith.constant 0 : i32
    %dma_wait3A_504 = arith.constant 0 : i32
    %dma_wait3A_505 = tpu.memref_slice %arg7[%dma_wait3A_502, %dma_wait3A_503, %dma_wait3A_504] : memref<16x100x32xf32, #tpu.memory_space<vmem>> -> memref<1x100x32xf32, #tpu.memory_space<vmem>>
    %dma_wait3A_506 = tpu.memref_squeeze %dma_wait3A_505 : memref<1x100x32xf32, #tpu.memory_space<vmem>> -> memref<100x32xf32, #tpu.memory_space<vmem>>
    %dma_wait3A_507 = arith.constant 0 : i32
    %dma_wait3A_508 = tpu.memref_slice %arg5[%dma_wait3A_501, %dma_wait3A_507] : memref<16x100xi32, #tpu.memory_space<vmem>> -> memref<1x100xi32, #tpu.memory_space<vmem>>
    %dma_wait3A_509 = tpu.memref_squeeze %dma_wait3A_508 : memref<1x100xi32, #tpu.memory_space<vmem>> -> memref<100xi32, #tpu.memory_space<vmem>>
    %dma_wait3A_510 = arith.constant 0 : i32
    %dma_wait3A_511 = arith.constant 0 : i32
    %dma_wait3A_512 = tpu.memref_slice %arg2[%dma_wait3A_510, %dma_wait3A_511] : memref<1000000x32xf32, #tpu.memory_space<hbm>> -> memref<1000000x32xf32, #tpu.memory_space<hbm>>
    tpu.wait_indirect_dma semaphore(%arg9 : memref<!tpu.dma_semaphore, #tpu.memory_space<semaphore_mem>>) src(%dma_wait3A_512 : memref<1000000x32xf32, #tpu.memory_space<hbm>>) dst(%dma_wait3A_506 : memref<100x32xf32, #tpu.memory_space<vmem>>)
    %dma_wait3A_513 = arith.constant 10 : i32
    %dma_wait3A_514 = arith.constant 10 : i32
    %dma_wait3A_515 = arith.constant 0 : i32
    %dma_wait3A_516 = arith.constant 0 : i32
    %dma_wait3A_517 = tpu.memref_slice %arg7[%dma_wait3A_514, %dma_wait3A_515, %dma_wait3A_516] : memref<16x100x32xf32, #tpu.memory_space<vmem>> -> memref<1x100x32xf32, #tpu.memory_space<vmem>>
    %dma_wait3A_518 = tpu.memref_squeeze %dma_wait3A_517 : memref<1x100x32xf32, #tpu.memory_space<vmem>> -> memref<100x32xf32, #tpu.memory_space<vmem>>
    %dma_wait3A_519 = arith.constant 0 : i32
    %dma_wait3A_520 = tpu.memref_slice %arg5[%dma_wait3A_513, %dma_wait3A_519] : memref<16x100xi32, #tpu.memory_space<vmem>> -> memref<1x100xi32, #tpu.memory_space<vmem>>
    %dma_wait3A_521 = tpu.memref_squeeze %dma_wait3A_520 : memref<1x100xi32, #tpu.memory_space<vmem>> -> memref<100xi32, #tpu.memory_space<vmem>>
    %dma_wait3A_522 = arith.constant 0 : i32
    %dma_wait3A_523 = arith.constant 0 : i32
    %dma_wait3A_524 = tpu.memref_slice %arg2[%dma_wait3A_522, %dma_wait3A_523] : memref<1000000x32xf32, #tpu.memory_space<hbm>> -> memref<1000000x32xf32, #tpu.memory_space<hbm>>
    tpu.wait_indirect_dma semaphore(%arg9 : memref<!tpu.dma_semaphore, #tpu.memory_space<semaphore_mem>>) src(%dma_wait3A_524 : memref<1000000x32xf32, #tpu.memory_space<hbm>>) dst(%dma_wait3A_518 : memref<100x32xf32, #tpu.memory_space<vmem>>)
    %dma_wait3A_525 = arith.constant 11 : i32
    %dma_wait3A_526 = arith.constant 11 : i32
    %dma_wait3A_527 = arith.constant 0 : i32
    %dma_wait3A_528 = arith.constant 0 : i32
    %dma_wait3A_529 = tpu.memref_slice %arg7[%dma_wait3A_526, %dma_wait3A_527, %dma_wait3A_528] : memref<16x100x32xf32, #tpu.memory_space<vmem>> -> memref<1x100x32xf32, #tpu.memory_space<vmem>>
    %dma_wait3A_530 = tpu.memref_squeeze %dma_wait3A_529 : memref<1x100x32xf32, #tpu.memory_space<vmem>> -> memref<100x32xf32, #tpu.memory_space<vmem>>
    %dma_wait3A_531 = arith.constant 0 : i32
    %dma_wait3A_532 = tpu.memref_slice %arg5[%dma_wait3A_525, %dma_wait3A_531] : memref<16x100xi32, #tpu.memory_space<vmem>> -> memref<1x100xi32, #tpu.memory_space<vmem>>
    %dma_wait3A_533 = tpu.memref_squeeze %dma_wait3A_532 : memref<1x100xi32, #tpu.memory_space<vmem>> -> memref<100xi32, #tpu.memory_space<vmem>>
    %dma_wait3A_534 = arith.constant 0 : i32
    %dma_wait3A_535 = arith.constant 0 : i32
    %dma_wait3A_536 = tpu.memref_slice %arg2[%dma_wait3A_534, %dma_wait3A_535] : memref<1000000x32xf32, #tpu.memory_space<hbm>> -> memref<1000000x32xf32, #tpu.memory_space<hbm>>
    tpu.wait_indirect_dma semaphore(%arg9 : memref<!tpu.dma_semaphore, #tpu.memory_space<semaphore_mem>>) src(%dma_wait3A_536 : memref<1000000x32xf32, #tpu.memory_space<hbm>>) dst(%dma_wait3A_530 : memref<100x32xf32, #tpu.memory_space<vmem>>)
    %dma_wait3A_537 = arith.constant 12 : i32
    %dma_wait3A_538 = arith.constant 12 : i32
    %dma_wait3A_539 = arith.constant 0 : i32
    %dma_wait3A_540 = arith.constant 0 : i32
    %dma_wait3A_541 = tpu.memref_slice %arg7[%dma_wait3A_538, %dma_wait3A_539, %dma_wait3A_540] : memref<16x100x32xf32, #tpu.memory_space<vmem>> -> memref<1x100x32xf32, #tpu.memory_space<vmem>>
    %dma_wait3A_542 = tpu.memref_squeeze %dma_wait3A_541 : memref<1x100x32xf32, #tpu.memory_space<vmem>> -> memref<100x32xf32, #tpu.memory_space<vmem>>
    %dma_wait3A_543 = arith.constant 0 : i32
    %dma_wait3A_544 = tpu.memref_slice %arg5[%dma_wait3A_537, %dma_wait3A_543] : memref<16x100xi32, #tpu.memory_space<vmem>> -> memref<1x100xi32, #tpu.memory_space<vmem>>
    %dma_wait3A_545 = tpu.memref_squeeze %dma_wait3A_544 : memref<1x100xi32, #tpu.memory_space<vmem>> -> memref<100xi32, #tpu.memory_space<vmem>>
    %dma_wait3A_546 = arith.constant 0 : i32
    %dma_wait3A_547 = arith.constant 0 : i32
    %dma_wait3A_548 = tpu.memref_slice %arg2[%dma_wait3A_546, %dma_wait3A_547] : memref<1000000x32xf32, #tpu.memory_space<hbm>> -> memref<1000000x32xf32, #tpu.memory_space<hbm>>
    tpu.wait_indirect_dma semaphore(%arg9 : memref<!tpu.dma_semaphore, #tpu.memory_space<semaphore_mem>>) src(%dma_wait3A_548 : memref<1000000x32xf32, #tpu.memory_space<hbm>>) dst(%dma_wait3A_542 : memref<100x32xf32, #tpu.memory_space<vmem>>)
    %dma_wait3A_549 = arith.constant 13 : i32
    %dma_wait3A_550 = arith.constant 13 : i32
    %dma_wait3A_551 = arith.constant 0 : i32
    %dma_wait3A_552 = arith.constant 0 : i32
    %dma_wait3A_553 = tpu.memref_slice %arg7[%dma_wait3A_550, %dma_wait3A_551, %dma_wait3A_552] : memref<16x100x32xf32, #tpu.memory_space<vmem>> -> memref<1x100x32xf32, #tpu.memory_space<vmem>>
    %dma_wait3A_554 = tpu.memref_squeeze %dma_wait3A_553 : memref<1x100x32xf32, #tpu.memory_space<vmem>> -> memref<100x32xf32, #tpu.memory_space<vmem>>
    %dma_wait3A_555 = arith.constant 0 : i32
    %dma_wait3A_556 = tpu.memref_slice %arg5[%dma_wait3A_549, %dma_wait3A_555] : memref<16x100xi32, #tpu.memory_space<vmem>> -> memref<1x100xi32, #tpu.memory_space<vmem>>
    %dma_wait3A_557 = tpu.memref_squeeze %dma_wait3A_556 : memref<1x100xi32, #tpu.memory_space<vmem>> -> memref<100xi32, #tpu.memory_space<vmem>>
    %dma_wait3A_558 = arith.constant 0 : i32
    %dma_wait3A_559 = arith.constant 0 : i32
    %dma_wait3A_560 = tpu.memref_slice %arg2[%dma_wait3A_558, %dma_wait3A_559] : memref<1000000x32xf32, #tpu.memory_space<hbm>> -> memref<1000000x32xf32, #tpu.memory_space<hbm>>
    tpu.wait_indirect_dma semaphore(%arg9 : memref<!tpu.dma_semaphore, #tpu.memory_space<semaphore_mem>>) src(%dma_wait3A_560 : memref<1000000x32xf32, #tpu.memory_space<hbm>>) dst(%dma_wait3A_554 : memref<100x32xf32, #tpu.memory_space<vmem>>)
    %dma_wait3A_561 = arith.constant 14 : i32
    %dma_wait3A_562 = arith.constant 14 : i32
    %dma_wait3A_563 = arith.constant 0 : i32
    %dma_wait3A_564 = arith.constant 0 : i32
    %dma_wait3A_565 = tpu.memref_slice %arg7[%dma_wait3A_562, %dma_wait3A_563, %dma_wait3A_564] : memref<16x100x32xf32, #tpu.memory_space<vmem>> -> memref<1x100x32xf32, #tpu.memory_space<vmem>>
    %dma_wait3A_566 = tpu.memref_squeeze %dma_wait3A_565 : memref<1x100x32xf32, #tpu.memory_space<vmem>> -> memref<100x32xf32, #tpu.memory_space<vmem>>
    %dma_wait3A_567 = arith.constant 0 : i32
    %dma_wait3A_568 = tpu.memref_slice %arg5[%dma_wait3A_561, %dma_wait3A_567] : memref<16x100xi32, #tpu.memory_space<vmem>> -> memref<1x100xi32, #tpu.memory_space<vmem>>
    %dma_wait3A_569 = tpu.memref_squeeze %dma_wait3A_568 : memref<1x100xi32, #tpu.memory_space<vmem>> -> memref<100xi32, #tpu.memory_space<vmem>>
    %dma_wait3A_570 = arith.constant 0 : i32
    %dma_wait3A_571 = arith.constant 0 : i32
    %dma_wait3A_572 = tpu.memref_slice %arg2[%dma_wait3A_570, %dma_wait3A_571] : memref<1000000x32xf32, #tpu.memory_space<hbm>> -> memref<1000000x32xf32, #tpu.memory_space<hbm>>
    tpu.wait_indirect_dma semaphore(%arg9 : memref<!tpu.dma_semaphore, #tpu.memory_space<semaphore_mem>>) src(%dma_wait3A_572 : memref<1000000x32xf32, #tpu.memory_space<hbm>>) dst(%dma_wait3A_566 : memref<100x32xf32, #tpu.memory_space<vmem>>)
    %dma_wait3A_573 = arith.constant 15 : i32
    %dma_wait3A_574 = arith.constant 15 : i32
    %dma_wait3A_575 = arith.constant 0 : i32
    %dma_wait3A_576 = arith.constant 0 : i32
    %dma_wait3A_577 = tpu.memref_slice %arg7[%dma_wait3A_574, %dma_wait3A_575, %dma_wait3A_576] : memref<16x100x32xf32, #tpu.memory_space<vmem>> -> memref<1x100x32xf32, #tpu.memory_space<vmem>>
    %dma_wait3A_578 = tpu.memref_squeeze %dma_wait3A_577 : memref<1x100x32xf32, #tpu.memory_space<vmem>> -> memref<100x32xf32, #tpu.memory_space<vmem>>
    %dma_wait3A_579 = arith.constant 0 : i32
    %dma_wait3A_580 = tpu.memref_slice %arg5[%dma_wait3A_573, %dma_wait3A_579] : memref<16x100xi32, #tpu.memory_space<vmem>> -> memref<1x100xi32, #tpu.memory_space<vmem>>
    %dma_wait3A_581 = tpu.memref_squeeze %dma_wait3A_580 : memref<1x100xi32, #tpu.memory_space<vmem>> -> memref<100xi32, #tpu.memory_space<vmem>>
    %dma_wait3A_582 = arith.constant 0 : i32
    %dma_wait3A_583 = arith.constant 0 : i32
    %dma_wait3A_584 = tpu.memref_slice %arg2[%dma_wait3A_582, %dma_wait3A_583] : memref<1000000x32xf32, #tpu.memory_space<hbm>> -> memref<1000000x32xf32, #tpu.memory_space<hbm>>
    tpu.wait_indirect_dma semaphore(%arg9 : memref<!tpu.dma_semaphore, #tpu.memory_space<semaphore_mem>>) src(%dma_wait3A_584 : memref<1000000x32xf32, #tpu.memory_space<hbm>>) dst(%dma_wait3A_578 : memref<100x32xf32, #tpu.memory_space<vmem>>)
    %add3A_585 = arith.constant 480 : i32
    %add3A_586 = arith.addi %mul3A_2, %add3A_585 : i32
    "tpu.region"() ({
      %run_scoped3A = tpu.sem_alloc : memref<!tpu.dma_semaphore, #tpu.memory_space<semaphore_mem>>
      %dma_start3A_781 = arith.constant 0 : i32
      %dma_start3A_782 = arith.constant 0 : i32
      %dma_start3A_783 = tpu.memref_slice %arg4[%add3A_586, %dma_start3A_781, %dma_start3A_782] : memref<16384x100x32xf32, #tpu.memory_space<hbm>> -> memref<16x100x32xf32, #tpu.memory_space<hbm>>
      %dma_start3A_784 = arith.constant 0 : i32
      %dma_start3A_785 = arith.constant 0 : i32
      %dma_start3A_786 = tpu.memref_slice %arg4[%add3A_586, %dma_start3A_784, %dma_start3A_785] : memref<16384x100x32xf32, #tpu.memory_space<hbm>> -> memref<16x100x32xf32, #tpu.memory_space<hbm>>
      tpu.enqueue_dma source(%arg7 : memref<16x100x32xf32, #tpu.memory_space<vmem>>) target(%dma_start3A_786 : memref<16x100x32xf32, #tpu.memory_space<hbm>>) target_semaphore(%run_scoped3A : memref<!tpu.dma_semaphore, #tpu.memory_space<semaphore_mem>>)
      %dma_wait3A_787 = arith.constant 0 : i32
      %dma_wait3A_788 = arith.constant 0 : i32
      %dma_wait3A_789 = tpu.memref_slice %arg4[%add3A_586, %dma_wait3A_787, %dma_wait3A_788] : memref<16384x100x32xf32, #tpu.memory_space<hbm>> -> memref<16x100x32xf32, #tpu.memory_space<hbm>>
      %dma_wait3A_790 = arith.constant 0 : i32
      %dma_wait3A_791 = arith.constant 0 : i32
      %dma_wait3A_792 = tpu.memref_slice %arg4[%add3A_586, %dma_wait3A_790, %dma_wait3A_791] : memref<16384x100x32xf32, #tpu.memory_space<hbm>> -> memref<16x100x32xf32, #tpu.memory_space<hbm>>
      tpu.wait_dma2 semaphore(%run_scoped3A : memref<!tpu.dma_semaphore, #tpu.memory_space<semaphore_mem>>) src(%arg7 : memref<16x100x32xf32, #tpu.memory_space<vmem>>) dst(%dma_wait3A_792 : memref<16x100x32xf32, #tpu.memory_space<hbm>>)
      tpu.yield
    }) : () -> ()
    %dma_wait3A_587 = arith.constant 0 : i32
    %dma_wait3A_588 = arith.constant 0 : i32
    %dma_wait3A_589 = arith.constant 0 : i32
    %dma_wait3A_590 = arith.constant 0 : i32
    %dma_wait3A_591 = tpu.memref_slice %arg8[%dma_wait3A_588, %dma_wait3A_589, %dma_wait3A_590] : memref<16x100x32xf32, #tpu.memory_space<vmem>> -> memref<1x100x32xf32, #tpu.memory_space<vmem>>
    %dma_wait3A_592 = tpu.memref_squeeze %dma_wait3A_591 : memref<1x100x32xf32, #tpu.memory_space<vmem>> -> memref<100x32xf32, #tpu.memory_space<vmem>>
    %dma_wait3A_593 = arith.constant 0 : i32
    %dma_wait3A_594 = tpu.memref_slice %arg6[%dma_wait3A_587, %dma_wait3A_593] : memref<16x100xi32, #tpu.memory_space<vmem>> -> memref<1x100xi32, #tpu.memory_space<vmem>>
    %dma_wait3A_595 = tpu.memref_squeeze %dma_wait3A_594 : memref<1x100xi32, #tpu.memory_space<vmem>> -> memref<100xi32, #tpu.memory_space<vmem>>
    %dma_wait3A_596 = arith.constant 0 : i32
    %dma_wait3A_597 = arith.constant 0 : i32
    %dma_wait3A_598 = tpu.memref_slice %arg2[%dma_wait3A_596, %dma_wait3A_597] : memref<1000000x32xf32, #tpu.memory_space<hbm>> -> memref<1000000x32xf32, #tpu.memory_space<hbm>>
    tpu.wait_indirect_dma semaphore(%arg10 : memref<!tpu.dma_semaphore, #tpu.memory_space<semaphore_mem>>) src(%dma_wait3A_598 : memref<1000000x32xf32, #tpu.memory_space<hbm>>) dst(%dma_wait3A_592 : memref<100x32xf32, #tpu.memory_space<vmem>>)
    %dma_wait3A_599 = arith.constant 1 : i32
    %dma_wait3A_600 = arith.constant 1 : i32
    %dma_wait3A_601 = arith.constant 0 : i32
    %dma_wait3A_602 = arith.constant 0 : i32
    %dma_wait3A_603 = tpu.memref_slice %arg8[%dma_wait3A_600, %dma_wait3A_601, %dma_wait3A_602] : memref<16x100x32xf32, #tpu.memory_space<vmem>> -> memref<1x100x32xf32, #tpu.memory_space<vmem>>
    %dma_wait3A_604 = tpu.memref_squeeze %dma_wait3A_603 : memref<1x100x32xf32, #tpu.memory_space<vmem>> -> memref<100x32xf32, #tpu.memory_space<vmem>>
    %dma_wait3A_605 = arith.constant 0 : i32
    %dma_wait3A_606 = tpu.memref_slice %arg6[%dma_wait3A_599, %dma_wait3A_605] : memref<16x100xi32, #tpu.memory_space<vmem>> -> memref<1x100xi32, #tpu.memory_space<vmem>>
    %dma_wait3A_607 = tpu.memref_squeeze %dma_wait3A_606 : memref<1x100xi32, #tpu.memory_space<vmem>> -> memref<100xi32, #tpu.memory_space<vmem>>
    %dma_wait3A_608 = arith.constant 0 : i32
    %dma_wait3A_609 = arith.constant 0 : i32
    %dma_wait3A_610 = tpu.memref_slice %arg2[%dma_wait3A_608, %dma_wait3A_609] : memref<1000000x32xf32, #tpu.memory_space<hbm>> -> memref<1000000x32xf32, #tpu.memory_space<hbm>>
    tpu.wait_indirect_dma semaphore(%arg10 : memref<!tpu.dma_semaphore, #tpu.memory_space<semaphore_mem>>) src(%dma_wait3A_610 : memref<1000000x32xf32, #tpu.memory_space<hbm>>) dst(%dma_wait3A_604 : memref<100x32xf32, #tpu.memory_space<vmem>>)
    %dma_wait3A_611 = arith.constant 2 : i32
    %dma_wait3A_612 = arith.constant 2 : i32
    %dma_wait3A_613 = arith.constant 0 : i32
    %dma_wait3A_614 = arith.constant 0 : i32
    %dma_wait3A_615 = tpu.memref_slice %arg8[%dma_wait3A_612, %dma_wait3A_613, %dma_wait3A_614] : memref<16x100x32xf32, #tpu.memory_space<vmem>> -> memref<1x100x32xf32, #tpu.memory_space<vmem>>
    %dma_wait3A_616 = tpu.memref_squeeze %dma_wait3A_615 : memref<1x100x32xf32, #tpu.memory_space<vmem>> -> memref<100x32xf32, #tpu.memory_space<vmem>>
    %dma_wait3A_617 = arith.constant 0 : i32
    %dma_wait3A_618 = tpu.memref_slice %arg6[%dma_wait3A_611, %dma_wait3A_617] : memref<16x100xi32, #tpu.memory_space<vmem>> -> memref<1x100xi32, #tpu.memory_space<vmem>>
    %dma_wait3A_619 = tpu.memref_squeeze %dma_wait3A_618 : memref<1x100xi32, #tpu.memory_space<vmem>> -> memref<100xi32, #tpu.memory_space<vmem>>
    %dma_wait3A_620 = arith.constant 0 : i32
    %dma_wait3A_621 = arith.constant 0 : i32
    %dma_wait3A_622 = tpu.memref_slice %arg2[%dma_wait3A_620, %dma_wait3A_621] : memref<1000000x32xf32, #tpu.memory_space<hbm>> -> memref<1000000x32xf32, #tpu.memory_space<hbm>>
    tpu.wait_indirect_dma semaphore(%arg10 : memref<!tpu.dma_semaphore, #tpu.memory_space<semaphore_mem>>) src(%dma_wait3A_622 : memref<1000000x32xf32, #tpu.memory_space<hbm>>) dst(%dma_wait3A_616 : memref<100x32xf32, #tpu.memory_space<vmem>>)
    %dma_wait3A_623 = arith.constant 3 : i32
    %dma_wait3A_624 = arith.constant 3 : i32
    %dma_wait3A_625 = arith.constant 0 : i32
    %dma_wait3A_626 = arith.constant 0 : i32
    %dma_wait3A_627 = tpu.memref_slice %arg8[%dma_wait3A_624, %dma_wait3A_625, %dma_wait3A_626] : memref<16x100x32xf32, #tpu.memory_space<vmem>> -> memref<1x100x32xf32, #tpu.memory_space<vmem>>
    %dma_wait3A_628 = tpu.memref_squeeze %dma_wait3A_627 : memref<1x100x32xf32, #tpu.memory_space<vmem>> -> memref<100x32xf32, #tpu.memory_space<vmem>>
    %dma_wait3A_629 = arith.constant 0 : i32
    %dma_wait3A_630 = tpu.memref_slice %arg6[%dma_wait3A_623, %dma_wait3A_629] : memref<16x100xi32, #tpu.memory_space<vmem>> -> memref<1x100xi32, #tpu.memory_space<vmem>>
    %dma_wait3A_631 = tpu.memref_squeeze %dma_wait3A_630 : memref<1x100xi32, #tpu.memory_space<vmem>> -> memref<100xi32, #tpu.memory_space<vmem>>
    %dma_wait3A_632 = arith.constant 0 : i32
    %dma_wait3A_633 = arith.constant 0 : i32
    %dma_wait3A_634 = tpu.memref_slice %arg2[%dma_wait3A_632, %dma_wait3A_633] : memref<1000000x32xf32, #tpu.memory_space<hbm>> -> memref<1000000x32xf32, #tpu.memory_space<hbm>>
    tpu.wait_indirect_dma semaphore(%arg10 : memref<!tpu.dma_semaphore, #tpu.memory_space<semaphore_mem>>) src(%dma_wait3A_634 : memref<1000000x32xf32, #tpu.memory_space<hbm>>) dst(%dma_wait3A_628 : memref<100x32xf32, #tpu.memory_space<vmem>>)
    %dma_wait3A_635 = arith.constant 4 : i32
    %dma_wait3A_636 = arith.constant 4 : i32
    %dma_wait3A_637 = arith.constant 0 : i32
    %dma_wait3A_638 = arith.constant 0 : i32
    %dma_wait3A_639 = tpu.memref_slice %arg8[%dma_wait3A_636, %dma_wait3A_637, %dma_wait3A_638] : memref<16x100x32xf32, #tpu.memory_space<vmem>> -> memref<1x100x32xf32, #tpu.memory_space<vmem>>
    %dma_wait3A_640 = tpu.memref_squeeze %dma_wait3A_639 : memref<1x100x32xf32, #tpu.memory_space<vmem>> -> memref<100x32xf32, #tpu.memory_space<vmem>>
    %dma_wait3A_641 = arith.constant 0 : i32
    %dma_wait3A_642 = tpu.memref_slice %arg6[%dma_wait3A_635, %dma_wait3A_641] : memref<16x100xi32, #tpu.memory_space<vmem>> -> memref<1x100xi32, #tpu.memory_space<vmem>>
    %dma_wait3A_643 = tpu.memref_squeeze %dma_wait3A_642 : memref<1x100xi32, #tpu.memory_space<vmem>> -> memref<100xi32, #tpu.memory_space<vmem>>
    %dma_wait3A_644 = arith.constant 0 : i32
    %dma_wait3A_645 = arith.constant 0 : i32
    %dma_wait3A_646 = tpu.memref_slice %arg2[%dma_wait3A_644, %dma_wait3A_645] : memref<1000000x32xf32, #tpu.memory_space<hbm>> -> memref<1000000x32xf32, #tpu.memory_space<hbm>>
    tpu.wait_indirect_dma semaphore(%arg10 : memref<!tpu.dma_semaphore, #tpu.memory_space<semaphore_mem>>) src(%dma_wait3A_646 : memref<1000000x32xf32, #tpu.memory_space<hbm>>) dst(%dma_wait3A_640 : memref<100x32xf32, #tpu.memory_space<vmem>>)
    %dma_wait3A_647 = arith.constant 5 : i32
    %dma_wait3A_648 = arith.constant 5 : i32
    %dma_wait3A_649 = arith.constant 0 : i32
    %dma_wait3A_650 = arith.constant 0 : i32
    %dma_wait3A_651 = tpu.memref_slice %arg8[%dma_wait3A_648, %dma_wait3A_649, %dma_wait3A_650] : memref<16x100x32xf32, #tpu.memory_space<vmem>> -> memref<1x100x32xf32, #tpu.memory_space<vmem>>
    %dma_wait3A_652 = tpu.memref_squeeze %dma_wait3A_651 : memref<1x100x32xf32, #tpu.memory_space<vmem>> -> memref<100x32xf32, #tpu.memory_space<vmem>>
    %dma_wait3A_653 = arith.constant 0 : i32
    %dma_wait3A_654 = tpu.memref_slice %arg6[%dma_wait3A_647, %dma_wait3A_653] : memref<16x100xi32, #tpu.memory_space<vmem>> -> memref<1x100xi32, #tpu.memory_space<vmem>>
    %dma_wait3A_655 = tpu.memref_squeeze %dma_wait3A_654 : memref<1x100xi32, #tpu.memory_space<vmem>> -> memref<100xi32, #tpu.memory_space<vmem>>
    %dma_wait3A_656 = arith.constant 0 : i32
    %dma_wait3A_657 = arith.constant 0 : i32
    %dma_wait3A_658 = tpu.memref_slice %arg2[%dma_wait3A_656, %dma_wait3A_657] : memref<1000000x32xf32, #tpu.memory_space<hbm>> -> memref<1000000x32xf32, #tpu.memory_space<hbm>>
    tpu.wait_indirect_dma semaphore(%arg10 : memref<!tpu.dma_semaphore, #tpu.memory_space<semaphore_mem>>) src(%dma_wait3A_658 : memref<1000000x32xf32, #tpu.memory_space<hbm>>) dst(%dma_wait3A_652 : memref<100x32xf32, #tpu.memory_space<vmem>>)
    %dma_wait3A_659 = arith.constant 6 : i32
    %dma_wait3A_660 = arith.constant 6 : i32
    %dma_wait3A_661 = arith.constant 0 : i32
    %dma_wait3A_662 = arith.constant 0 : i32
    %dma_wait3A_663 = tpu.memref_slice %arg8[%dma_wait3A_660, %dma_wait3A_661, %dma_wait3A_662] : memref<16x100x32xf32, #tpu.memory_space<vmem>> -> memref<1x100x32xf32, #tpu.memory_space<vmem>>
    %dma_wait3A_664 = tpu.memref_squeeze %dma_wait3A_663 : memref<1x100x32xf32, #tpu.memory_space<vmem>> -> memref<100x32xf32, #tpu.memory_space<vmem>>
    %dma_wait3A_665 = arith.constant 0 : i32
    %dma_wait3A_666 = tpu.memref_slice %arg6[%dma_wait3A_659, %dma_wait3A_665] : memref<16x100xi32, #tpu.memory_space<vmem>> -> memref<1x100xi32, #tpu.memory_space<vmem>>
    %dma_wait3A_667 = tpu.memref_squeeze %dma_wait3A_666 : memref<1x100xi32, #tpu.memory_space<vmem>> -> memref<100xi32, #tpu.memory_space<vmem>>
    %dma_wait3A_668 = arith.constant 0 : i32
    %dma_wait3A_669 = arith.constant 0 : i32
    %dma_wait3A_670 = tpu.memref_slice %arg2[%dma_wait3A_668, %dma_wait3A_669] : memref<1000000x32xf32, #tpu.memory_space<hbm>> -> memref<1000000x32xf32, #tpu.memory_space<hbm>>
    tpu.wait_indirect_dma semaphore(%arg10 : memref<!tpu.dma_semaphore, #tpu.memory_space<semaphore_mem>>) src(%dma_wait3A_670 : memref<1000000x32xf32, #tpu.memory_space<hbm>>) dst(%dma_wait3A_664 : memref<100x32xf32, #tpu.memory_space<vmem>>)
    %dma_wait3A_671 = arith.constant 7 : i32
    %dma_wait3A_672 = arith.constant 7 : i32
    %dma_wait3A_673 = arith.constant 0 : i32
    %dma_wait3A_674 = arith.constant 0 : i32
    %dma_wait3A_675 = tpu.memref_slice %arg8[%dma_wait3A_672, %dma_wait3A_673, %dma_wait3A_674] : memref<16x100x32xf32, #tpu.memory_space<vmem>> -> memref<1x100x32xf32, #tpu.memory_space<vmem>>
    %dma_wait3A_676 = tpu.memref_squeeze %dma_wait3A_675 : memref<1x100x32xf32, #tpu.memory_space<vmem>> -> memref<100x32xf32, #tpu.memory_space<vmem>>
    %dma_wait3A_677 = arith.constant 0 : i32
    %dma_wait3A_678 = tpu.memref_slice %arg6[%dma_wait3A_671, %dma_wait3A_677] : memref<16x100xi32, #tpu.memory_space<vmem>> -> memref<1x100xi32, #tpu.memory_space<vmem>>
    %dma_wait3A_679 = tpu.memref_squeeze %dma_wait3A_678 : memref<1x100xi32, #tpu.memory_space<vmem>> -> memref<100xi32, #tpu.memory_space<vmem>>
    %dma_wait3A_680 = arith.constant 0 : i32
    %dma_wait3A_681 = arith.constant 0 : i32
    %dma_wait3A_682 = tpu.memref_slice %arg2[%dma_wait3A_680, %dma_wait3A_681] : memref<1000000x32xf32, #tpu.memory_space<hbm>> -> memref<1000000x32xf32, #tpu.memory_space<hbm>>
    tpu.wait_indirect_dma semaphore(%arg10 : memref<!tpu.dma_semaphore, #tpu.memory_space<semaphore_mem>>) src(%dma_wait3A_682 : memref<1000000x32xf32, #tpu.memory_space<hbm>>) dst(%dma_wait3A_676 : memref<100x32xf32, #tpu.memory_space<vmem>>)
    %dma_wait3A_683 = arith.constant 8 : i32
    %dma_wait3A_684 = arith.constant 8 : i32
    %dma_wait3A_685 = arith.constant 0 : i32
    %dma_wait3A_686 = arith.constant 0 : i32
    %dma_wait3A_687 = tpu.memref_slice %arg8[%dma_wait3A_684, %dma_wait3A_685, %dma_wait3A_686] : memref<16x100x32xf32, #tpu.memory_space<vmem>> -> memref<1x100x32xf32, #tpu.memory_space<vmem>>
    %dma_wait3A_688 = tpu.memref_squeeze %dma_wait3A_687 : memref<1x100x32xf32, #tpu.memory_space<vmem>> -> memref<100x32xf32, #tpu.memory_space<vmem>>
    %dma_wait3A_689 = arith.constant 0 : i32
    %dma_wait3A_690 = tpu.memref_slice %arg6[%dma_wait3A_683, %dma_wait3A_689] : memref<16x100xi32, #tpu.memory_space<vmem>> -> memref<1x100xi32, #tpu.memory_space<vmem>>
    %dma_wait3A_691 = tpu.memref_squeeze %dma_wait3A_690 : memref<1x100xi32, #tpu.memory_space<vmem>> -> memref<100xi32, #tpu.memory_space<vmem>>
    %dma_wait3A_692 = arith.constant 0 : i32
    %dma_wait3A_693 = arith.constant 0 : i32
    %dma_wait3A_694 = tpu.memref_slice %arg2[%dma_wait3A_692, %dma_wait3A_693] : memref<1000000x32xf32, #tpu.memory_space<hbm>> -> memref<1000000x32xf32, #tpu.memory_space<hbm>>
    tpu.wait_indirect_dma semaphore(%arg10 : memref<!tpu.dma_semaphore, #tpu.memory_space<semaphore_mem>>) src(%dma_wait3A_694 : memref<1000000x32xf32, #tpu.memory_space<hbm>>) dst(%dma_wait3A_688 : memref<100x32xf32, #tpu.memory_space<vmem>>)
    %dma_wait3A_695 = arith.constant 9 : i32
    %dma_wait3A_696 = arith.constant 9 : i32
    %dma_wait3A_697 = arith.constant 0 : i32
    %dma_wait3A_698 = arith.constant 0 : i32
    %dma_wait3A_699 = tpu.memref_slice %arg8[%dma_wait3A_696, %dma_wait3A_697, %dma_wait3A_698] : memref<16x100x32xf32, #tpu.memory_space<vmem>> -> memref<1x100x32xf32, #tpu.memory_space<vmem>>
    %dma_wait3A_700 = tpu.memref_squeeze %dma_wait3A_699 : memref<1x100x32xf32, #tpu.memory_space<vmem>> -> memref<100x32xf32, #tpu.memory_space<vmem>>
    %dma_wait3A_701 = arith.constant 0 : i32
    %dma_wait3A_702 = tpu.memref_slice %arg6[%dma_wait3A_695, %dma_wait3A_701] : memref<16x100xi32, #tpu.memory_space<vmem>> -> memref<1x100xi32, #tpu.memory_space<vmem>>
    %dma_wait3A_703 = tpu.memref_squeeze %dma_wait3A_702 : memref<1x100xi32, #tpu.memory_space<vmem>> -> memref<100xi32, #tpu.memory_space<vmem>>
    %dma_wait3A_704 = arith.constant 0 : i32
    %dma_wait3A_705 = arith.constant 0 : i32
    %dma_wait3A_706 = tpu.memref_slice %arg2[%dma_wait3A_704, %dma_wait3A_705] : memref<1000000x32xf32, #tpu.memory_space<hbm>> -> memref<1000000x32xf32, #tpu.memory_space<hbm>>
    tpu.wait_indirect_dma semaphore(%arg10 : memref<!tpu.dma_semaphore, #tpu.memory_space<semaphore_mem>>) src(%dma_wait3A_706 : memref<1000000x32xf32, #tpu.memory_space<hbm>>) dst(%dma_wait3A_700 : memref<100x32xf32, #tpu.memory_space<vmem>>)
    %dma_wait3A_707 = arith.constant 10 : i32
    %dma_wait3A_708 = arith.constant 10 : i32
    %dma_wait3A_709 = arith.constant 0 : i32
    %dma_wait3A_710 = arith.constant 0 : i32
    %dma_wait3A_711 = tpu.memref_slice %arg8[%dma_wait3A_708, %dma_wait3A_709, %dma_wait3A_710] : memref<16x100x32xf32, #tpu.memory_space<vmem>> -> memref<1x100x32xf32, #tpu.memory_space<vmem>>
    %dma_wait3A_712 = tpu.memref_squeeze %dma_wait3A_711 : memref<1x100x32xf32, #tpu.memory_space<vmem>> -> memref<100x32xf32, #tpu.memory_space<vmem>>
    %dma_wait3A_713 = arith.constant 0 : i32
    %dma_wait3A_714 = tpu.memref_slice %arg6[%dma_wait3A_707, %dma_wait3A_713] : memref<16x100xi32, #tpu.memory_space<vmem>> -> memref<1x100xi32, #tpu.memory_space<vmem>>
    %dma_wait3A_715 = tpu.memref_squeeze %dma_wait3A_714 : memref<1x100xi32, #tpu.memory_space<vmem>> -> memref<100xi32, #tpu.memory_space<vmem>>
    %dma_wait3A_716 = arith.constant 0 : i32
    %dma_wait3A_717 = arith.constant 0 : i32
    %dma_wait3A_718 = tpu.memref_slice %arg2[%dma_wait3A_716, %dma_wait3A_717] : memref<1000000x32xf32, #tpu.memory_space<hbm>> -> memref<1000000x32xf32, #tpu.memory_space<hbm>>
    tpu.wait_indirect_dma semaphore(%arg10 : memref<!tpu.dma_semaphore, #tpu.memory_space<semaphore_mem>>) src(%dma_wait3A_718 : memref<1000000x32xf32, #tpu.memory_space<hbm>>) dst(%dma_wait3A_712 : memref<100x32xf32, #tpu.memory_space<vmem>>)
    %dma_wait3A_719 = arith.constant 11 : i32
    %dma_wait3A_720 = arith.constant 11 : i32
    %dma_wait3A_721 = arith.constant 0 : i32
    %dma_wait3A_722 = arith.constant 0 : i32
    %dma_wait3A_723 = tpu.memref_slice %arg8[%dma_wait3A_720, %dma_wait3A_721, %dma_wait3A_722] : memref<16x100x32xf32, #tpu.memory_space<vmem>> -> memref<1x100x32xf32, #tpu.memory_space<vmem>>
    %dma_wait3A_724 = tpu.memref_squeeze %dma_wait3A_723 : memref<1x100x32xf32, #tpu.memory_space<vmem>> -> memref<100x32xf32, #tpu.memory_space<vmem>>
    %dma_wait3A_725 = arith.constant 0 : i32
    %dma_wait3A_726 = tpu.memref_slice %arg6[%dma_wait3A_719, %dma_wait3A_725] : memref<16x100xi32, #tpu.memory_space<vmem>> -> memref<1x100xi32, #tpu.memory_space<vmem>>
    %dma_wait3A_727 = tpu.memref_squeeze %dma_wait3A_726 : memref<1x100xi32, #tpu.memory_space<vmem>> -> memref<100xi32, #tpu.memory_space<vmem>>
    %dma_wait3A_728 = arith.constant 0 : i32
    %dma_wait3A_729 = arith.constant 0 : i32
    %dma_wait3A_730 = tpu.memref_slice %arg2[%dma_wait3A_728, %dma_wait3A_729] : memref<1000000x32xf32, #tpu.memory_space<hbm>> -> memref<1000000x32xf32, #tpu.memory_space<hbm>>
    tpu.wait_indirect_dma semaphore(%arg10 : memref<!tpu.dma_semaphore, #tpu.memory_space<semaphore_mem>>) src(%dma_wait3A_730 : memref<1000000x32xf32, #tpu.memory_space<hbm>>) dst(%dma_wait3A_724 : memref<100x32xf32, #tpu.memory_space<vmem>>)
    %dma_wait3A_731 = arith.constant 12 : i32
    %dma_wait3A_732 = arith.constant 12 : i32
    %dma_wait3A_733 = arith.constant 0 : i32
    %dma_wait3A_734 = arith.constant 0 : i32
    %dma_wait3A_735 = tpu.memref_slice %arg8[%dma_wait3A_732, %dma_wait3A_733, %dma_wait3A_734] : memref<16x100x32xf32, #tpu.memory_space<vmem>> -> memref<1x100x32xf32, #tpu.memory_space<vmem>>
    %dma_wait3A_736 = tpu.memref_squeeze %dma_wait3A_735 : memref<1x100x32xf32, #tpu.memory_space<vmem>> -> memref<100x32xf32, #tpu.memory_space<vmem>>
    %dma_wait3A_737 = arith.constant 0 : i32
    %dma_wait3A_738 = tpu.memref_slice %arg6[%dma_wait3A_731, %dma_wait3A_737] : memref<16x100xi32, #tpu.memory_space<vmem>> -> memref<1x100xi32, #tpu.memory_space<vmem>>
    %dma_wait3A_739 = tpu.memref_squeeze %dma_wait3A_738 : memref<1x100xi32, #tpu.memory_space<vmem>> -> memref<100xi32, #tpu.memory_space<vmem>>
    %dma_wait3A_740 = arith.constant 0 : i32
    %dma_wait3A_741 = arith.constant 0 : i32
    %dma_wait3A_742 = tpu.memref_slice %arg2[%dma_wait3A_740, %dma_wait3A_741] : memref<1000000x32xf32, #tpu.memory_space<hbm>> -> memref<1000000x32xf32, #tpu.memory_space<hbm>>
    tpu.wait_indirect_dma semaphore(%arg10 : memref<!tpu.dma_semaphore, #tpu.memory_space<semaphore_mem>>) src(%dma_wait3A_742 : memref<1000000x32xf32, #tpu.memory_space<hbm>>) dst(%dma_wait3A_736 : memref<100x32xf32, #tpu.memory_space<vmem>>)
    %dma_wait3A_743 = arith.constant 13 : i32
    %dma_wait3A_744 = arith.constant 13 : i32
    %dma_wait3A_745 = arith.constant 0 : i32
    %dma_wait3A_746 = arith.constant 0 : i32
    %dma_wait3A_747 = tpu.memref_slice %arg8[%dma_wait3A_744, %dma_wait3A_745, %dma_wait3A_746] : memref<16x100x32xf32, #tpu.memory_space<vmem>> -> memref<1x100x32xf32, #tpu.memory_space<vmem>>
    %dma_wait3A_748 = tpu.memref_squeeze %dma_wait3A_747 : memref<1x100x32xf32, #tpu.memory_space<vmem>> -> memref<100x32xf32, #tpu.memory_space<vmem>>
    %dma_wait3A_749 = arith.constant 0 : i32
    %dma_wait3A_750 = tpu.memref_slice %arg6[%dma_wait3A_743, %dma_wait3A_749] : memref<16x100xi32, #tpu.memory_space<vmem>> -> memref<1x100xi32, #tpu.memory_space<vmem>>
    %dma_wait3A_751 = tpu.memref_squeeze %dma_wait3A_750 : memref<1x100xi32, #tpu.memory_space<vmem>> -> memref<100xi32, #tpu.memory_space<vmem>>
    %dma_wait3A_752 = arith.constant 0 : i32
    %dma_wait3A_753 = arith.constant 0 : i32
    %dma_wait3A_754 = tpu.memref_slice %arg2[%dma_wait3A_752, %dma_wait3A_753] : memref<1000000x32xf32, #tpu.memory_space<hbm>> -> memref<1000000x32xf32, #tpu.memory_space<hbm>>
    tpu.wait_indirect_dma semaphore(%arg10 : memref<!tpu.dma_semaphore, #tpu.memory_space<semaphore_mem>>) src(%dma_wait3A_754 : memref<1000000x32xf32, #tpu.memory_space<hbm>>) dst(%dma_wait3A_748 : memref<100x32xf32, #tpu.memory_space<vmem>>)
    %dma_wait3A_755 = arith.constant 14 : i32
    %dma_wait3A_756 = arith.constant 14 : i32
    %dma_wait3A_757 = arith.constant 0 : i32
    %dma_wait3A_758 = arith.constant 0 : i32
    %dma_wait3A_759 = tpu.memref_slice %arg8[%dma_wait3A_756, %dma_wait3A_757, %dma_wait3A_758] : memref<16x100x32xf32, #tpu.memory_space<vmem>> -> memref<1x100x32xf32, #tpu.memory_space<vmem>>
    %dma_wait3A_760 = tpu.memref_squeeze %dma_wait3A_759 : memref<1x100x32xf32, #tpu.memory_space<vmem>> -> memref<100x32xf32, #tpu.memory_space<vmem>>
    %dma_wait3A_761 = arith.constant 0 : i32
    %dma_wait3A_762 = tpu.memref_slice %arg6[%dma_wait3A_755, %dma_wait3A_761] : memref<16x100xi32, #tpu.memory_space<vmem>> -> memref<1x100xi32, #tpu.memory_space<vmem>>
    %dma_wait3A_763 = tpu.memref_squeeze %dma_wait3A_762 : memref<1x100xi32, #tpu.memory_space<vmem>> -> memref<100xi32, #tpu.memory_space<vmem>>
    %dma_wait3A_764 = arith.constant 0 : i32
    %dma_wait3A_765 = arith.constant 0 : i32
    %dma_wait3A_766 = tpu.memref_slice %arg2[%dma_wait3A_764, %dma_wait3A_765] : memref<1000000x32xf32, #tpu.memory_space<hbm>> -> memref<1000000x32xf32, #tpu.memory_space<hbm>>
    tpu.wait_indirect_dma semaphore(%arg10 : memref<!tpu.dma_semaphore, #tpu.memory_space<semaphore_mem>>) src(%dma_wait3A_766 : memref<1000000x32xf32, #tpu.memory_space<hbm>>) dst(%dma_wait3A_760 : memref<100x32xf32, #tpu.memory_space<vmem>>)
    %dma_wait3A_767 = arith.constant 15 : i32
    %dma_wait3A_768 = arith.constant 15 : i32
    %dma_wait3A_769 = arith.constant 0 : i32
    %dma_wait3A_770 = arith.constant 0 : i32
    %dma_wait3A_771 = tpu.memref_slice %arg8[%dma_wait3A_768, %dma_wait3A_769, %dma_wait3A_770] : memref<16x100x32xf32, #tpu.memory_space<vmem>> -> memref<1x100x32xf32, #tpu.memory_space<vmem>>
    %dma_wait3A_772 = tpu.memref_squeeze %dma_wait3A_771 : memref<1x100x32xf32, #tpu.memory_space<vmem>> -> memref<100x32xf32, #tpu.memory_space<vmem>>
    %dma_wait3A_773 = arith.constant 0 : i32
    %dma_wait3A_774 = tpu.memref_slice %arg6[%dma_wait3A_767, %dma_wait3A_773] : memref<16x100xi32, #tpu.memory_space<vmem>> -> memref<1x100xi32, #tpu.memory_space<vmem>>
    %dma_wait3A_775 = tpu.memref_squeeze %dma_wait3A_774 : memref<1x100xi32, #tpu.memory_space<vmem>> -> memref<100xi32, #tpu.memory_space<vmem>>
    %dma_wait3A_776 = arith.constant 0 : i32
    %dma_wait3A_777 = arith.constant 0 : i32
    %dma_wait3A_778 = tpu.memref_slice %arg2[%dma_wait3A_776, %dma_wait3A_777] : memref<1000000x32xf32, #tpu.memory_space<hbm>> -> memref<1000000x32xf32, #tpu.memory_space<hbm>>
    tpu.wait_indirect_dma semaphore(%arg10 : memref<!tpu.dma_semaphore, #tpu.memory_space<semaphore_mem>>) src(%dma_wait3A_778 : memref<1000000x32xf32, #tpu.memory_space<hbm>>) dst(%dma_wait3A_772 : memref<100x32xf32, #tpu.memory_space<vmem>>)
    %add3A_779 = arith.constant 496 : i32
    %add3A_780 = arith.addi %mul3A_2, %add3A_779 : i32
    "tpu.region"() ({
      %run_scoped3A = tpu.sem_alloc : memref<!tpu.dma_semaphore, #tpu.memory_space<semaphore_mem>>
      %dma_start3A_781 = arith.constant 0 : i32
      %dma_start3A_782 = arith.constant 0 : i32
      %dma_start3A_783 = tpu.memref_slice %arg4[%add3A_780, %dma_start3A_781, %dma_start3A_782] : memref<16384x100x32xf32, #tpu.memory_space<hbm>> -> memref<16x100x32xf32, #tpu.memory_space<hbm>>
      %dma_start3A_784 = arith.constant 0 : i32
      %dma_start3A_785 = arith.constant 0 : i32
      %dma_start3A_786 = tpu.memref_slice %arg4[%add3A_780, %dma_start3A_784, %dma_start3A_785] : memref<16384x100x32xf32, #tpu.memory_space<hbm>> -> memref<16x100x32xf32, #tpu.memory_space<hbm>>
      tpu.enqueue_dma source(%arg8 : memref<16x100x32xf32, #tpu.memory_space<vmem>>) target(%dma_start3A_786 : memref<16x100x32xf32, #tpu.memory_space<hbm>>) target_semaphore(%run_scoped3A : memref<!tpu.dma_semaphore, #tpu.memory_space<semaphore_mem>>)
      %dma_wait3A_787 = arith.constant 0 : i32
      %dma_wait3A_788 = arith.constant 0 : i32
      %dma_wait3A_789 = tpu.memref_slice %arg4[%add3A_780, %dma_wait3A_787, %dma_wait3A_788] : memref<16384x100x32xf32, #tpu.memory_space<hbm>> -> memref<16x100x32xf32, #tpu.memory_space<hbm>>
      %dma_wait3A_790 = arith.constant 0 : i32
      %dma_wait3A_791 = arith.constant 0 : i32
      %dma_wait3A_792 = tpu.memref_slice %arg4[%add3A_780, %dma_wait3A_790, %dma_wait3A_791] : memref<16384x100x32xf32, #tpu.memory_space<hbm>> -> memref<16x100x32xf32, #tpu.memory_space<hbm>>
      tpu.wait_dma2 semaphore(%run_scoped3A : memref<!tpu.dma_semaphore, #tpu.memory_space<semaphore_mem>>) src(%arg8 : memref<16x100x32xf32, #tpu.memory_space<vmem>>) dst(%dma_wait3A_792 : memref<16x100x32xf32, #tpu.memory_space<hbm>>)
      tpu.yield
    }) : () -> ()
    return
  }
}

</mosaic_0001>

<sc_bundles>
// kernel: kernel.3.cloned.1.call-start
scs
__scs_entry_jumppad:
0x0: {  	(pc) =	sbr.rel $0x88, $3  }
0x1: {  	(tag) =	ssettag $0x0;
	lr =	simm.s32 $0x1  }
0x2: {  	[smem:$0x3F9F] =	sst lr;
	_ =	strace $0xD0000000  }
0x3: {  	_ = 	snop  }
0x4: {  	_ = 	snop  }
0x5: {  	_ = 	snop  }
0x6: {  	_ = 	snop  }
0x7: {  	_ = 	snop  }
__scs_overlays_trampoline_lowered:
0x8: {  	[smem:$0x3FAE] =	sst s0  }
0x9: {  	[smem:$0x3FAF] =	sst s1  }
0xa: {  	[smem:$0x3FB0] =	sst s2  }
0xb: {  	[smem:$0x3FB1] =	sst s3  }
0xc: {  	[smem:$0x3FB2] =	sst s4  }
0xd: {  	[smem:$0x3FB3] =	sst s5  }
0xe: {  	[smem:$0x3FB4] =	sst s6  }
0xf: {  	[smem:$0x3FB5] =	sst s7  }
0x10: {  	[smem:$0x3FB6] =	sst s8  }
0x11: {  	[smem:$0x3FB7] =	sst s9;
	s0 =	simm.s32 @!p0 $0x0  }
0x12: {  	s1 =	sld [smem:$0x3F9D];
	s0 =	simm.s32 @p0 $0x1  }
0x13: {  	[smem:$0x3FB8] =	sst s0;
	s0 =	simm.s32 @!p1 $0x0  }
0x14: {  	s2 =	sld [smem:$0x3F9C];
	s0 =	simm.s32 @p1 $0x1  }
0x15: {  	[smem:$0x3FB9] =	sst s0;
	s0 =	simm.s32 @!p2 $0x0  }
0x16: {  	s3 =	sld [smem:$0x3FDB];
	s0 =	simm.s32 @p2 $0x1  }
0x17: {  	s4 =	simm.s32 $0x1BF5;
	[smem:$0x3FBB] =	sst s0  }
0x18: {  	s0 =	sld [smem:$0x3F9E];
	_ =	swait.ge [sflag:s4], $0x0  }
0x19: {  	s7 =	sld [smem:$0x3F9F]  }
0x1a: {  	s8 =	sadd.s32 $0xFFFFE003, lr  }
0x1b: {  	s9 =	sadd.s32 $0xFFFFFEF7, lr;
	s5 =	simm.s32 $0xFFFFFFFF;
	p2 =	slt.u32 s8, $0xFFFFF086  }
0x1c: {  	p1 =	slt.u32 s9, $0xF7A;
	s5 =	simm.s32 @!p2 $0x0  }
0x1d: {  	s5 =	simm.s32 @p1 $0x1;
	p0 =	seq.s32 s7, s2  }
0x1e: {  	s7 =	smul.u32 @!p0 $0xF7A, s2;
	p2 =	seq.s32 @!p0 s5, $0x0  }
0x1f: {  	s9 =	smul.u32 $0xF7A, s1;
	s8 =	simm.s32 @!p0 $0x1BF5;
	p2 =	por !p2, p0  }
0x20: {  	[sflag:s8] =	ssyncset.s32 @!p0 $0xFFFFF086;
	s6 =	sadd.s32 @!p0 s3, s7;
	s7 =	simm.s32 @!p0 $0x108  }
0x21: {  	s3 =	sadd.s32 s3, s9;
	s6 =	sadd.s32 @!p0 $0x88, s6;
	s7 =	simm.s32 @p2 $0x1082  }
0x22: {  	[simem:s7], [sflag:s8] =	dma.local @!p0 [hbm:s6], $0xF7A  }
0x23: {  	s9 =	sor.u32 $0xD0000000, s2;
	s6 =	simm.s32 $0x108;
	_ =	swait.ge @!p0 [sflag:s8], $0x0  }
0x24: {  	s3 =	sadd.s32 $0x88, s3;
	s6 =	simm.s32 @!p1 $0x1082;
	[sflag:s4] =	ssyncset.s32 $0xFFFFF086  }
0x25: {  	[simem:s6], [sflag:s4] =	dma.local [hbm:s3], $0xF7A  }
0x26: {  	[smem:$0x3F9F] =	sst s1;
	(tag) =	ssettag s2;
	_ =	strace s9  }
0x27: {  	s1 =	sld [smem:$0x3FAF]  }
0x28: {  	s2 =	sld [smem:$0x3FB0]  }
0x29: {  	s4 =	sld [smem:$0x3FB2]  }
0x2a: {  	p0 =	seq.s32 s5, $0x0;
	s5 =	sld [smem:$0x3FB3]  }
0x2b: {  	s6 =	sld [smem:$0x3FB4]  }
0x2c: {  	s7 =	sld [smem:$0x3FB5]  }
0x2d: {  	s3 =	simm.s32 $0x108;
	s8 =	sld [smem:$0x3FB6]  }
0x2e: {  	s3 =	simm.s32 @!p0 $0x1082;
	s9 =	sld [smem:$0x3FB7]  }
0x2f: {  	lr =	sadd.s32 s0, s3;
	s0 =	sld [smem:$0x3FAE]  }
0x30: {  	s3 =	sld [smem:$0x3FB1]  }
0x31: {  	[smem:$0x3FBA] =	sst s10  }
0x32: {  	s10 =	sld [smem:$0x3FB8];
	_ =	sdelay $0x3  }
0x33: {  	p0 =	seq.s32 s10, $0x1;
	s10 =	sld [smem:$0x3FBA];
	_ =	sdelay $0x3  }
0x34: {  	[smem:$0x3FBA] =	sst s10  }
0x35: {  	s10 =	sld [smem:$0x3FB9];
	_ =	sdelay $0x3  }
0x36: {  	p1 =	seq.s32 s10, $0x1;
	s10 =	sld [smem:$0x3FBA];
	_ =	sdelay $0x3  }
0x37: {  	[smem:$0x3FBA] =	sst s10  }
0x38: {  	s10 =	sld [smem:$0x3FBB]  }
0x39: {  	_ = 	snop;
	(pc) =	sbr.ind lr, $3  }
0x3a: {  	_ = 	snop  }
0x3b: {  	_ = 	snop  }
0x3c: {  	p2 =	seq.s32 s10, $0x1;
	s10 =	sld [smem:$0x3FBA]  }
0x3d: {  	_ =	shalt  }
0x3e: {  	_ =	shalt  }
0x3f: {  	_ =	shalt  }
0x40: {  	_ =	shalt  }
0x41: {  	_ =	shalt  }
0x42: {  	_ =	shalt  }
0x43: {  	_ =	shalt  }
0x44: {  	_ =	shalt  }
0x45: {  	_ =	shalt  }
0x46: {  	_ =	shalt  }
0x47: {  	_ =	shalt  }
0x48: {  	_ =	shalt  }
0x49: {  	_ =	shalt  }
0x4a: {  	_ =	shalt  }
0x4b: {  	_ =	shalt  }
0x4c: {  	_ =	shalt  }
0x4d: {  	_ =	shalt  }
0x4e: {  	_ =	shalt  }
0x4f: {  	_ =	shalt  }
0x50: {  	_ =	shalt  }
0x51: {  	_ =	shalt  }
0x52: {  	_ =	shalt  }
0x53: {  	_ =	shalt  }
0x54: {  	_ =	shalt  }
0x55: {  	_ =	shalt  }
0x56: {  	_ =	shalt  }
0x57: {  	_ =	shalt  }
0x58: {  	_ =	shalt  }
0x59: {  	_ =	shalt  }
0x5a: {  	_ =	shalt  }
0x5b: {  	_ =	shalt  }
0x5c: {  	_ =	shalt  }
0x5d: {  	_ =	shalt  }
0x5e: {  	_ =	shalt  }
0x5f: {  	_ =	shalt  }
0x60: {  	_ =	shalt  }
0x61: {  	_ =	shalt  }
0x62: {  	_ =	shalt  }
0x63: {  	_ =	shalt  }
0x64: {  	_ =	shalt  }
0x65: {  	_ =	shalt  }
0x66: {  	_ =	shalt  }
0x67: {  	_ =	shalt  }
0x68: {  	_ =	shalt  }
0x69: {  	_ =	shalt  }
0x6a: {  	_ =	shalt  }
0x6b: {  	_ =	shalt  }
0x6c: {  	_ =	shalt  }
0x6d: {  	_ =	shalt  }
0x6e: {  	_ =	shalt  }
0x6f: {  	_ =	shalt  }
0x70: {  	_ =	shalt  }
0x71: {  	_ =	shalt  }
0x72: {  	_ =	shalt  }
0x73: {  	_ =	shalt  }
0x74: {  	_ =	shalt  }
0x75: {  	_ =	shalt  }
0x76: {  	_ =	shalt  }
0x77: {  	_ =	shalt  }
0x78: {  	_ =	shalt  }
0x79: {  	_ =	shalt  }
0x7a: {  	_ =	shalt  }
0x7b: {  	_ =	shalt  }
0x7c: {  	_ =	shalt  }
0x7d: {  	_ =	shalt  }
0x7e: {  	_ =	shalt  }
0x7f: {  	_ =	shalt  }
0x80: {  	_ =	shalt  }
0x81: {  	_ =	shalt  }
0x82: {  	_ =	shalt  }
0x83: {  	_ =	shalt  }
0x84: {  	_ =	shalt  }
0x85: {  	_ =	shalt  }
0x86: {  	_ =	shalt  }
0x87: {  	_ =	shalt  }
.Lfunc_end0:
.L_simem_size_0:
called_computation.1_lowered:
.L_overlay_start_0:
0x88: {  	s2 =	sld [smem:$0x3FD9]  }
0x89: {  	s3 =	sld [smem:$0x3FFE];
	_ =	sdelay $0x1  }
0x8a: {  	s1 =	srdreg.scid  }
0x8b: {  	s0 =	sand.u32 $0x1, s1  }
0x8c: {  	s17 =	sshll.u32 s0, $0xA;
	s2 =	sadd.s32 s3, s2  }
0x8d: {  	s2 =	sadd.s32 s2, s17  }
0x8e: {  	[smem:$0x3FC6] =	sst s2  }
0x8f: {  	_ = 	snop  }
0x90: {  	s2 =	sld [smem:$0x3FD0];
	(tm) =	ssettm $0x1  }
0x91: {  	s18 =	sld [smem:$0x3FFB];
	_ =	sdelay $0x3  }
0x92: {  	_ =	strace s18  }
0x93: {  	s3 =	sld [smem:$0x3FFC];
	_ =	sdelay $0x3  }
0x94: {  	_ =	strace s3  }
0x95: {  	s3 =	sld [smem:$0x3FFD];
	_ =	sdelay $0x3  }
0x96: {  	_ =	strace s3  }
0x97: {  	_ =	strace $0x8FFFFFFF  }
0x98: {  	s19 =	sld [smem:$0x3FDB];
	_ =	sdelay $0x1  }
0x99: {  	s4 =	simm.s32 $_scs_section_size  }
0x9a: {  	s5 =	simm.s32 $_size__tile_overlayer_lowered;
	s6 =	simm.s32 $_tile_overlayer_lowered  }
0x9b: {  	s22 =	simm.s32 $0x1BFF;
	s21 =	sshll.u32 s6, $0x1;
	s3 =	sadd.s32 s4, s19  }
0x9c: {  	s7 =	simm.s32 $0x0;
	s20 =	sshll.u32 s5, $0x1;
	s5 =	sadd.s32 s21, s3  }
0x9d: {  	[timem:s7], [sflag:s22] =	dma.local [hbm:s5], s20  }
0x9e: {  	_ =	swait.ge [sflag:s22], s20  }
0x9f: {  	s4 =	ssub.s32 $0x0, s20;
	[sflag:s22] =	ssyncset.done $0x0  }
0xa0: {  	[sflag:s22] =	ssyncadd.s32 s4;
	_ =	sdelay $0x1  }
0xa1: {  	s23 =	simm.s32 $0x1B8B  }
0xa2: {  	_ =	swait.ge [sflag:s23], $0x1  }
0xa3: {  	[sflag:s23] =	ssyncset.done $0x0  }
0xa4: {  	s25 =	simm.s32 $0x1B8E;
	s24 =	sld [smem:$0x3FFE];
	[sflag:s23] =	ssyncadd.s32 $0xFFFFFFFF  }
0xa5: {  	s26 =	simm.s32 $execute0_lowered;
	[smem:$0x3FD2] =	sst s25  }
0xa6: {  	s5 =	sshll.u32 s26, $0x1;
	_ =	strace $0x80000046;
	[dreg:$0x1] =	wrdreg $0xFFFFFFFF  }
0xa7: {  	s28 =	simm.s32 $_size_execute0_lowered;
	s3 =	sadd.s32 s3, s5;
	[dreg:$0x0] =	wrdreg $0x0  }
0xa8: {  	s5 =	sshll.u32 s28, $0x1;
	[dreg:$0x2] =	wrdreg s3  }
0xa9: {  	[dreg:$0x3] =	wrdreg s5  }
0xaa: {  	[dreg:$0x4] =	wrdreg $0xC0  }
0xab: {  	_ =	task [dreg:s7], $0x5FFFF  }
0xac: {  	[dreg:$0x1] =	wrdreg $0xFFFFFFFF  }
0xad: {  	[dreg:$0x0] =	wrdreg $0x60  }
0xae: {  	[dreg:$0x2] =	wrdreg s24  }
0xaf: {  	[dreg:$0x3] =	wrdreg s2  }
0xb0: {  	[dreg:$0x4] =	wrdreg $0x9  }
0xb1: {  	_ =	task.clear_ibuf [dreg:s7], $0x5FFFF;
	_ =	strace $0x90000046  }
0xb2: {  	s29 =	simm.s32 $0x9;
	_ =	strace $0x80000048  }
0xb3: {  	_ =	swait.ge [sflag:s29], $0x1  }
0xb4: {  	[sflag:s29] =	ssyncadd.s32 $0xFFFFFFFF  }
0xb5: {  	_ =	strace $0x90000048  }
0xb6: {  	_ =	sfence  }
0xb7: {  	s30 =	sld [smem:$0x0];
	_ =	sdelay $0x2  }
0xb8: {  	s31 =	sshll.u32 s1, $0xD;
	s1 =	sshrl.u32 s1, $0x2  }
0xb9: {  	s3 =	sand.u32 $0x4000, s31;
	s1 =	sadd.s32 s1, s30  }
0xba: {  	s0 =	sor.u32 s3, s0;
	s1 =	sshll.u32 s1, $0x11  }
0xbb: {  	s0 =	sor.u32 s1, s0  }
0xbc: {  	s0 =	sadd.s32 $0x8F2B, s0  }
0xbd: {  	[sflag:s0] =	ssyncadd.remote.s32 $0x1  }
0xbe: {  	_ =	sfence.sel $0xFFFF  }
0xbf: {  	[dreg:$0x0] =	wrdreg $0xFFFFFFFF;
	(pc) =	sbr.abs _section_cstart, $3  }
0xc0: {  	[dreg:$0x1] =	wrdreg $0xFFFFFFFF  }
0xc1: {  	_ =	task.clear_ibuf [dreg:s7], $0x2FFFF;
	_ =	strace $0x9FFFFFFF  }
0xc2: {  	(tm) =	ssettm $0x7FFFFFFF  }
0xc3: {  	_ =	shalt  }
tec
execute0_lowered:
.L_overlay_start_1:
0x0: {  	(tag) =	ssettag $0x1  }
0x1: {  	s0 =	rddreg [dreg:$0x0]  }
0x2: {  	s1 =	rddreg [dreg:$0x1]  }
0x3: {  	s3 =	srdreg.scid;
	s2 =	simm.s32 $0x0;
	s9 =	stileid.u32  }
0x4: {  	s11 =	simm.s32 $0x64;
	s13 =	simm.s32 $0x3F00;
	s14 =	simm.s32 $0x208  }
0x5: {  	s15 =	simm.s32 $0x4B80;
	s16 =	simm.s32 $0x270;
	s19 =	simm.s32 $0x5800  }
0x6: {  	s12 =	simm.s32 $0x3A8;
	s30 =	simm.s32 $0x7D80;
	s31 =	simm.s32 $0x410  }
0x7: {  	s17 =	simm.s32 $0x680;
	s18 =	simm.s32 $0xD500;
	s28 =	simm.s32 $0x2  }
0x8: {  	s29 =	simm.s32 $0x4;
	s4 =	sand.u32 $0x1, s3;
	s21 =	smul.u32 $0x3400, s9  }
0x9: {  	[smem:$0x7FF] =	sst s2;
	s20 =	sshll.u32 s9, $0xA;
	s9 =	smul.u32 $0x64000, s9  }
0xa: {  	s3 =	sadd.s32 $0xF76C00, s0;
	s5 =	sshll.u32 s4, $0x9;
	s23 =	smul.u32 $0x1A00, s4  }
0xb: {  	s6 =	ssub.s32 $0x2, s4;
	s4 =	smul.u32 $0x32000, s4;
	s5 =	sor.u32 s5, s20  }
0xc: {  	s0 =	sadd.s32 $0x800, s0;
	s8 =	sshrl.u32 s6, $0x1;
	s7 =	smul.u32 $0xC80, s5  }
0xd: {  	_ =	strace $0x80000047;
	s5 =	smul.u32 $0xD, s5;
	s6 =	ssub.s32 s6, s8  }
0xe: {  	s20 =	simm.s32 $0x2D8;
	s8 =	simm.s32 $0x3280;
	s25 =	smax.u32 s6, $0x1  }
0xf: {  	s6 =	simm.s32 $0xD0;
	s7 =	sshrl.u32 s7, $0x3;
	s10 =	sadd.s32 s0, s5  }
0x10: {  	s0 =	sadd.s32 s21, s0;
	[dreg:$0x8] =	wrdreg s25;
	s21 =	simm.s32 $0x6480  }
0x11: {  	s25 =	simm.s32 $0x1;
	s22 =	sadd.s32 s1, s7;
	[dreg:$0x4] =	wrdreg s10  }
0x12: {  	s10 =	sadd.s32 $0xD0, s10;
	s0 =	sadd.s32 s23, s0;
	s1 =	sadd.s32 s9, s1  }
0x13: {  	s7 =	simm.s32 $0x2600;
	s9 =	simm.s32 $0x1A0;
	[dreg:$0x5] =	wrdreg s10  }
0x14: {  	s23 =	simm.s32 $0x7100;
	s24 =	sadd.s32 $0x2EE00, s22;
	[dreg:$0x3] =	wrdreg s0  }
0x15: {  	s5 =	sadd.s32 $0x30700, s22;
	s26 =	sadd.s32 s4, s1;
	[dreg:$0x6] =	wrdreg s24  }
0x16: {  	s10 =	simm.s32 $0x5;
	s1 =	simm.s32 $0x68;
	[dreg:$0x7] =	wrdreg s5  }
0x17: {  	s4 =	simm.s32 $0x138;
	s22 =	simm.s32 $0x340;
	[dreg:$0x9] =	wrdreg s26  }
0x18: {  	s5 =	simm.s32 $0x1980;
	s26 =	simm.s32 $0x3;
	s24 =	simm.s32 $0x0  }
.LBB2_1:
0x19: {  	[dreg:$0xa] =	wrdreg s24  }
0x1a: {  	s0 =	rddreg [dreg:$0x4]  }
0x1b: {  	[tilespmem:s2], [sflag:$0x5] =	stream.linear.gather [hbm4b:s0+s2], $0x680, $0x38;
	[tilespmem:$0x19D00] =	vst v63  }
0x1c: {  	_ =	swait.ge [sflag:s10], $0x680  }
0x1d: {  	[sflag:s10] =	ssyncset.done $0x0  }
0x1e: {  	s24 =	simm.s32 $0xD00;
	[sflag:s10] =	ssyncadd.s32 $0xFFFFF980  }
0x1f: {  	[tilespmem:s24], [sflag:$0x1] =	stream.indirect.gather [hbm4b:s3+s11], $0x20, s2, s11, $0xb8;
	[tilespmem:$0x19D00] =	vst v63  }
0x20: {  	_ = 	snop  }
0x21: {  	[tilespmem:s5], [sflag:$0x1] =	stream.indirect.gather [hbm4b:s3+s11], $0x20, s1, s11, $0xb8;
	[tilespmem:$0x19D00] =	vst v63  }
0x22: {  	_ = 	snop  }
0x23: {  	[tilespmem:s7], [sflag:$0x1] =	stream.indirect.gather [hbm4b:s3+s11], $0x20, s6, s11, $0xb8;
	[tilespmem:$0x19D00] =	vst v63  }
0x24: {  	_ = 	snop  }
0x25: {  	[tilespmem:s8], [sflag:$0x1] =	stream.indirect.gather [hbm4b:s3+s11], $0x20, s4, s11, $0xb8;
	[tilespmem:$0x19D00] =	vst v63  }
0x26: {  	_ = 	snop  }
0x27: {  	[tilespmem:s13], [sflag:$0x1] =	stream.indirect.gather [hbm4b:s3+s11], $0x20, s9, s11, $0xb8;
	[tilespmem:$0x19D00] =	vst v63  }
0x28: {  	_ = 	snop  }
0x29: {  	[tilespmem:s15], [sflag:$0x1] =	stream.indirect.gather [hbm4b:s3+s11], $0x20, s14, s11, $0xb8;
	[tilespmem:$0x19D00] =	vst v63  }
0x2a: {  	_ = 	snop  }
0x2b: {  	[tilespmem:s19], [sflag:$0x1] =	stream.indirect.gather [hbm4b:s3+s11], $0x20, s16, s11, $0xb8;
	[tilespmem:$0x19D00] =	vst v63  }
0x2c: {  	_ = 	snop  }
0x2d: {  	[tilespmem:s21], [sflag:$0x1] =	stream.indirect.gather [hbm4b:s3+s11], $0x20, s20, s11, $0xb8;
	[tilespmem:$0x19D00] =	vst v63  }
0x2e: {  	_ = 	snop  }
0x2f: {  	[tilespmem:s23], [sflag:$0x1] =	stream.indirect.gather [hbm4b:s3+s11], $0x20, s22, s11, $0xb8;
	[tilespmem:$0x19D00] =	vst v63  }
0x30: {  	_ = 	snop  }
0x31: {  	[tilespmem:s30], [sflag:$0x1] =	stream.indirect.gather [hbm4b:s3+s11], $0x20, s12, s11, $0xb8;
	[tilespmem:$0x19D00] =	vst v63  }
0x32: {  	s4 =	simm.s32 $0x8A00  }
0x33: {  	[tilespmem:s4], [sflag:$0x1] =	stream.indirect.gather [hbm4b:s3+s11], $0x20, s31, s11, $0xb8;
	[tilespmem:$0x19D00] =	vst v63  }
0x34: {  	s5 =	simm.s32 $0x478;
	s6 =	simm.s32 $0x9680  }
0x35: {  	[tilespmem:s6], [sflag:$0x1] =	stream.indirect.gather [hbm4b:s3+s11], $0x20, s5, s11, $0xb8;
	[tilespmem:$0x19D00] =	vst v63  }
0x36: {  	s1 =	simm.s32 $0x4E0;
	s4 =	simm.s32 $0xA300  }
0x37: {  	[tilespmem:s4], [sflag:$0x1] =	stream.indirect.gather [hbm4b:s3+s11], $0x20, s1, s11, $0xb8;
	[tilespmem:$0x19D00] =	vst v63  }
0x38: {  	s5 =	simm.s32 $0x548;
	s6 =	simm.s32 $0xAF80  }
0x39: {  	[tilespmem:s6], [sflag:$0x1] =	stream.indirect.gather [hbm4b:s3+s11], $0x20, s5, s11, $0xb8;
	[tilespmem:$0x19D00] =	vst v63  }
0x3a: {  	s1 =	simm.s32 $0x5B0;
	s4 =	simm.s32 $0xBC00  }
0x3b: {  	[tilespmem:s4], [sflag:$0x1] =	stream.indirect.gather [hbm4b:s3+s11], $0x20, s1, s11, $0xb8;
	[tilespmem:$0x19D00] =	vst v63  }
0x3c: {  	s5 =	simm.s32 $0x618;
	s6 =	simm.s32 $0xC880  }
0x3d: {  	[tilespmem:s6], [sflag:$0x1] =	stream.indirect.gather [hbm4b:s3+s11], $0x20, s5, s11, $0xb8;
	[tilespmem:$0x19D00] =	vst v63  }
0x3e: {  	s24 =	rddreg [dreg:$0x5]  }
0x3f: {  	[tilespmem:s17], [sflag:$0x5] =	stream.linear.gather [hbm4b:s24+s2], $0x680, $0x38;
	[tilespmem:$0x19D00] =	vst v63  }
0x40: {  	_ =	swait.ge [sflag:s10], $0x680  }
0x41: {  	[sflag:s10] =	ssyncset.done $0x0  }
0x42: {  	[sflag:s10] =	ssyncadd.s32 $0xFFFFF980  }
0x43: {  	[tilespmem:s18], [sflag:$0x2] =	stream.indirect.gather [hbm4b:s3+s11], $0x20, s17, s11, $0xb8;
	[tilespmem:$0x19D00] =	vst v63  }
0x44: {  	s1 =	simm.s32 $0x6E8;
	s4 =	simm.s32 $0xE180  }
0x45: {  	[tilespmem:s4], [sflag:$0x2] =	stream.indirect.gather [hbm4b:s3+s11], $0x20, s1, s11, $0xb8;
	[tilespmem:$0x19D00] =	vst v63  }
0x46: {  	s5 =	simm.s32 $0x750;
	s6 =	simm.s32 $0xEE00  }
0x47: {  	[tilespmem:s6], [sflag:$0x2] =	stream.indirect.gather [hbm4b:s3+s11], $0x20, s5, s11, $0xb8;
	[tilespmem:$0x19D00] =	vst v63  }
0x48: {  	s1 =	simm.s32 $0x7B8;
	s4 =	simm.s32 $0xFA80  }
0x49: {  	[tilespmem:s4], [sflag:$0x2] =	stream.indirect.gather [hbm4b:s3+s11], $0x20, s1, s11, $0xb8;
	[tilespmem:$0x19D00] =	vst v63  }
0x4a: {  	s5 =	simm.s32 $0x820;
	s6 =	simm.s32 $0x10700  }
0x4b: {  	[tilespmem:s6], [sflag:$0x2] =	stream.indirect.gather [hbm4b:s3+s11], $0x20, s5, s11, $0xb8;
	[tilespmem:$0x19D00] =	vst v63  }
0x4c: {  	s1 =	simm.s32 $0x888;
	s4 =	simm.s32 $0x11380  }
0x4d: {  	[tilespmem:s4], [sflag:$0x2] =	stream.indirect.gather [hbm4b:s3+s11], $0x20, s1, s11, $0xb8;
	[tilespmem:$0x19D00] =	vst v63  }
0x4e: {  	s5 =	simm.s32 $0x8F0;
	s6 =	simm.s32 $0x12000  }
0x4f: {  	[tilespmem:s6], [sflag:$0x2] =	stream.indirect.gather [hbm4b:s3+s11], $0x20, s5, s11, $0xb8;
	[tilespmem:$0x19D00] =	vst v63  }
0x50: {  	s1 =	simm.s32 $0x958;
	s4 =	simm.s32 $0x12C80  }
0x51: {  	[tilespmem:s4], [sflag:$0x2] =	stream.indirect.gather [hbm4b:s3+s11], $0x20, s1, s11, $0xb8;
	[tilespmem:$0x19D00] =	vst v63  }
0x52: {  	s5 =	simm.s32 $0x9C0;
	s6 =	simm.s32 $0x13900  }
0x53: {  	[tilespmem:s6], [sflag:$0x2] =	stream.indirect.gather [hbm4b:s3+s11], $0x20, s5, s11, $0xb8;
	[tilespmem:$0x19D00] =	vst v63  }
0x54: {  	s1 =	simm.s32 $0xA28;
	s4 =	simm.s32 $0x14580  }
0x55: {  	[tilespmem:s4], [sflag:$0x2] =	stream.indirect.gather [hbm4b:s3+s11], $0x20, s1, s11, $0xb8;
	[tilespmem:$0x19D00] =	vst v63  }
0x56: {  	s5 =	simm.s32 $0xA90;
	s6 =	simm.s32 $0x15200  }
0x57: {  	[tilespmem:s6], [sflag:$0x2] =	stream.indirect.gather [hbm4b:s3+s11], $0x20, s5, s11, $0xb8;
	[tilespmem:$0x19D00] =	vst v63  }
0x58: {  	s1 =	simm.s32 $0xAF8;
	s4 =	simm.s32 $0x15E80  }
0x59: {  	[tilespmem:s4], [sflag:$0x2] =	stream.indirect.gather [hbm4b:s3+s11], $0x20, s1, s11, $0xb8;
	[tilespmem:$0x19D00] =	vst v63  }
0x5a: {  	s5 =	simm.s32 $0xB60;
	s6 =	simm.s32 $0x16B00  }
0x5b: {  	[tilespmem:s6], [sflag:$0x2] =	stream.indirect.gather [hbm4b:s3+s11], $0x20, s5, s11, $0xb8;
	[tilespmem:$0x19D00] =	vst v63  }
0x5c: {  	s24 =	simm.s32 $0xBC8;
	s1 =	simm.s32 $0x17780  }
0x5d: {  	[tilespmem:s1], [sflag:$0x2] =	stream.indirect.gather [hbm4b:s3+s11], $0x20, s24, s11, $0xb8;
	[tilespmem:$0x19D00] =	vst v63  }
0x5e: {  	s4 =	simm.s32 $0xC30;
	s5 =	simm.s32 $0x18400  }
0x5f: {  	[tilespmem:s5], [sflag:$0x2] =	stream.indirect.gather [hbm4b:s3+s11], $0x20, s4, s11, $0xb8;
	[tilespmem:$0x19D00] =	vst v63  }
0x60: {  	s30 =	simm.s32 $0x19080;
	s6 =	simm.s32 $0xC98  }
0x61: {  	[tilespmem:s30], [sflag:$0x2] =	stream.indirect.gather [hbm4b:s3+s11], $0x20, s6, s11, $0xb8;
	[tilespmem:$0x19D00] =	vst v63  }
0x62: {  	_ =	swait.ge [sflag:s25], $0xC80  }
0x63: {  	[sflag:s25] =	ssyncset.done $0x0  }
0x64: {  	[sflag:s25] =	ssyncadd.s32 $0xFFFFF380  }
0x65: {  	_ =	swait.ge [sflag:s25], $0xC80  }
0x66: {  	[sflag:s25] =	ssyncset.done $0x0  }
0x67: {  	[sflag:s25] =	ssyncadd.s32 $0xFFFFF380  }
0x68: {  	_ =	swait.ge [sflag:s25], $0xC80  }
0x69: {  	[sflag:s25] =	ssyncset.done $0x0  }
0x6a: {  	[sflag:s25] =	ssyncadd.s32 $0xFFFFF380  }
0x6b: {  	_ =	swait.ge [sflag:s25], $0xC80  }
0x6c: {  	[sflag:s25] =	ssyncset.done $0x0  }
0x6d: {  	[sflag:s25] =	ssyncadd.s32 $0xFFFFF380  }
0x6e: {  	_ =	swait.ge [sflag:s25], $0xC80  }
0x6f: {  	[sflag:s25] =	ssyncset.done $0x0  }
0x70: {  	[sflag:s25] =	ssyncadd.s32 $0xFFFFF380  }
0x71: {  	_ =	swait.ge [sflag:s25], $0xC80  }
0x72: {  	[sflag:s25] =	ssyncset.done $0x0  }
0x73: {  	[sflag:s25] =	ssyncadd.s32 $0xFFFFF380  }
0x74: {  	_ =	swait.ge [sflag:s25], $0xC80  }
0x75: {  	[sflag:s25] =	ssyncset.done $0x0  }
0x76: {  	[sflag:s25] =	ssyncadd.s32 $0xFFFFF380  }
0x77: {  	_ =	swait.ge [sflag:s25], $0xC80  }
0x78: {  	[sflag:s25] =	ssyncset.done $0x0  }
0x79: {  	[sflag:s25] =	ssyncadd.s32 $0xFFFFF380  }
0x7a: {  	_ =	swait.ge [sflag:s25], $0xC80  }
0x7b: {  	[sflag:s25] =	ssyncset.done $0x0  }
0x7c: {  	[sflag:s25] =	ssyncadd.s32 $0xFFFFF380  }
0x7d: {  	_ =	swait.ge [sflag:s25], $0xC80  }
0x7e: {  	[sflag:s25] =	ssyncset.done $0x0  }
0x7f: {  	[sflag:s25] =	ssyncadd.s32 $0xFFFFF380  }
0x80: {  	_ =	swait.ge [sflag:s25], $0xC80  }
0x81: {  	[sflag:s25] =	ssyncset.done $0x0  }
0x82: {  	[sflag:s25] =	ssyncadd.s32 $0xFFFFF380  }
0x83: {  	_ =	swait.ge [sflag:s25], $0xC80  }
0x84: {  	[sflag:s25] =	ssyncset.done $0x0  }
0x85: {  	[sflag:s25] =	ssyncadd.s32 $0xFFFFF380  }
0x86: {  	_ =	swait.ge [sflag:s25], $0xC80  }
0x87: {  	[sflag:s25] =	ssyncset.done $0x0  }
0x88: {  	[sflag:s25] =	ssyncadd.s32 $0xFFFFF380  }
0x89: {  	_ =	swait.ge [sflag:s25], $0xC80  }
0x8a: {  	[sflag:s25] =	ssyncset.done $0x0  }
0x8b: {  	[sflag:s25] =	ssyncadd.s32 $0xFFFFF380  }
0x8c: {  	_ =	swait.ge [sflag:s25], $0xC80  }
0x8d: {  	[sflag:s25] =	ssyncset.done $0x0  }
0x8e: {  	[sflag:s25] =	ssyncadd.s32 $0xFFFFF380  }
0x8f: {  	_ =	swait.ge [sflag:s25], $0xC80  }
0x90: {  	s1 =	simm.s32 $0xD00;
	[sflag:s25] =	ssyncset.done $0x0;
	s0 =	rddreg [dreg:$0x3]  }
0x91: {  	s31 =	rddreg [dreg:$0x9];
	[sflag:s25] =	ssyncadd.s32 $0xFFFFF380;
	s0 =	sadd.s32 $0x0, s0  }
0x92: {  	[hbm4b:s31+s2] =	stream.linear.scatter [tilespmem:s1], [sflag:$0x3], $0xC800, $0x38;
	[tilespmem:$0x19D00] =	vst v63  }
0x93: {  	s30 =	sadd.s32 $0x1A0, s0  }
0x94: {  	[tilespmem:s2], [sflag:$0x5] =	stream.linear.gather [hbm4b:s30+s2], $0x680, $0x38;
	[tilespmem:$0x19D00] =	vst v63  }
0x95: {  	_ =	swait.ge [sflag:s10], $0x680  }
0x96: {  	[sflag:s10] =	ssyncset.done $0x0  }
0x97: {  	[sflag:s10] =	ssyncadd.s32 $0xFFFFF980  }
0x98: {  	_ =	swait.ge [sflag:s26], $0xC800  }
0x99: {  	[sflag:s26] =	ssyncset.done $0x0  }
0x9a: {  	[sflag:s26] =	ssyncadd.s32 $0xFFFF3800  }
0x9b: {  	[tilespmem:s1], [sflag:$0x1] =	stream.indirect.gather [hbm4b:s3+s11], $0x20, s2, s11, $0xb8;
	[tilespmem:$0x19D00] =	vst v63  }
0x9c: {  	s5 =	simm.s32 $0x68;
	s6 =	simm.s32 $0x1980  }
0x9d: {  	[tilespmem:s6], [sflag:$0x1] =	stream.indirect.gather [hbm4b:s3+s11], $0x20, s5, s11, $0xb8;
	[tilespmem:$0x19D00] =	vst v63  }
0x9e: {  	s4 =	simm.s32 $0xD0  }
0x9f: {  	[tilespmem:s7], [sflag:$0x1] =	stream.indirect.gather [hbm4b:s3+s11], $0x20, s4, s11, $0xb8;
	[tilespmem:$0x19D00] =	vst v63  }
0xa0: {  	s24 =	simm.s32 $0x138  }
0xa1: {  	[tilespmem:s8], [sflag:$0x1] =	stream.indirect.gather [hbm4b:s3+s11], $0x20, s24, s11, $0xb8;
	[tilespmem:$0x19D00] =	vst v63  }
0xa2: {  	_ = 	snop  }
0xa3: {  	[tilespmem:s13], [sflag:$0x1] =	stream.indirect.gather [hbm4b:s3+s11], $0x20, s9, s11, $0xb8;
	[tilespmem:$0x19D00] =	vst v63  }
0xa4: {  	_ = 	snop  }
0xa5: {  	[tilespmem:s15], [sflag:$0x1] =	stream.indirect.gather [hbm4b:s3+s11], $0x20, s14, s11, $0xb8;
	[tilespmem:$0x19D00] =	vst v63  }
0xa6: {  	_ = 	snop  }
0xa7: {  	[tilespmem:s19], [sflag:$0x1] =	stream.indirect.gather [hbm4b:s3+s11], $0x20, s16, s11, $0xb8;
	[tilespmem:$0x19D00] =	vst v63  }
0xa8: {  	_ = 	snop  }
0xa9: {  	[tilespmem:s21], [sflag:$0x1] =	stream.indirect.gather [hbm4b:s3+s11], $0x20, s20, s11, $0xb8;
	[tilespmem:$0x19D00] =	vst v63  }
0xaa: {  	_ = 	snop  }
0xab: {  	[tilespmem:s23], [sflag:$0x1] =	stream.indirect.gather [hbm4b:s3+s11], $0x20, s22, s11, $0xb8;
	[tilespmem:$0x19D00] =	vst v63  }
0xac: {  	s16 =	simm.s32 $0x7D80  }
0xad: {  	[tilespmem:s16], [sflag:$0x1] =	stream.indirect.gather [hbm4b:s3+s11], $0x20, s12, s11, $0xb8;
	[tilespmem:$0x19D00] =	vst v63  }
0xae: {  	s19 =	simm.s32 $0x8A00;
	s20 =	simm.s32 $0x410  }
0xaf: {  	[tilespmem:s19], [sflag:$0x1] =	stream.indirect.gather [hbm4b:s3+s11], $0x20, s20, s11, $0xb8;
	[tilespmem:$0x19D00] =	vst v63  }
0xb0: {  	s21 =	simm.s32 $0x478;
	s22 =	simm.s32 $0x9680  }
0xb1: {  	[tilespmem:s22], [sflag:$0x1] =	stream.indirect.gather [hbm4b:s3+s11], $0x20, s21, s11, $0xb8;
	[tilespmem:$0x19D00] =	vst v63  }
0xb2: {  	s24 =	simm.s32 $0xA300;
	s23 =	simm.s32 $0x4E0  }
0xb3: {  	[tilespmem:s24], [sflag:$0x1] =	stream.indirect.gather [hbm4b:s3+s11], $0x20, s23, s11, $0xb8;
	[tilespmem:$0x19D00] =	vst v63  }
0xb4: {  	s5 =	simm.s32 $0x548;
	s6 =	simm.s32 $0xAF80  }
0xb5: {  	[tilespmem:s6], [sflag:$0x1] =	stream.indirect.gather [hbm4b:s3+s11], $0x20, s5, s11, $0xb8;
	[tilespmem:$0x19D00] =	vst v63  }
0xb6: {  	s7 =	simm.s32 $0x5B0;
	s8 =	simm.s32 $0xBC00  }
0xb7: {  	[tilespmem:s8], [sflag:$0x1] =	stream.indirect.gather [hbm4b:s3+s11], $0x20, s7, s11, $0xb8;
	[tilespmem:$0x19D00] =	vst v63  }
0xb8: {  	s9 =	simm.s32 $0x618;
	s12 =	simm.s32 $0xC880  }
0xb9: {  	[tilespmem:s12], [sflag:$0x1] =	stream.indirect.gather [hbm4b:s3+s11], $0x20, s9, s11, $0xb8;
	[tilespmem:$0x19D00] =	vst v63  }
0xba: {  	_ =	swait.ge [sflag:s28], $0xC80  }
0xbb: {  	[sflag:s28] =	ssyncset.done $0x0  }
0xbc: {  	[sflag:s28] =	ssyncadd.s32 $0xFFFFF380  }
0xbd: {  	_ =	swait.ge [sflag:s28], $0xC80  }
0xbe: {  	[sflag:s28] =	ssyncset.done $0x0  }
0xbf: {  	[sflag:s28] =	ssyncadd.s32 $0xFFFFF380  }
0xc0: {  	_ =	swait.ge [sflag:s28], $0xC80  }
0xc1: {  	[sflag:s28] =	ssyncset.done $0x0  }
0xc2: {  	[sflag:s28] =	ssyncadd.s32 $0xFFFFF380  }
0xc3: {  	_ =	swait.ge [sflag:s28], $0xC80  }
0xc4: {  	[sflag:s28] =	ssyncset.done $0x0  }
0xc5: {  	[sflag:s28] =	ssyncadd.s32 $0xFFFFF380  }
0xc6: {  	_ =	swait.ge [sflag:s28], $0xC80  }
0xc7: {  	[sflag:s28] =	ssyncset.done $0x0  }
0xc8: {  	[sflag:s28] =	ssyncadd.s32 $0xFFFFF380  }
0xc9: {  	_ =	swait.ge [sflag:s28], $0xC80  }
0xca: {  	[sflag:s28] =	ssyncset.done $0x0  }
0xcb: {  	[sflag:s28] =	ssyncadd.s32 $0xFFFFF380  }
0xcc: {  	_ =	swait.ge [sflag:s28], $0xC80  }
0xcd: {  	[sflag:s28] =	ssyncset.done $0x0  }
0xce: {  	[sflag:s28] =	ssyncadd.s32 $0xFFFFF380  }
0xcf: {  	_ =	swait.ge [sflag:s28], $0xC80  }
0xd0: {  	[sflag:s28] =	ssyncset.done $0x0  }
0xd1: {  	[sflag:s28] =	ssyncadd.s32 $0xFFFFF380  }
0xd2: {  	_ =	swait.ge [sflag:s28], $0xC80  }
0xd3: {  	[sflag:s28] =	ssyncset.done $0x0  }
0xd4: {  	[sflag:s28] =	ssyncadd.s32 $0xFFFFF380  }
0xd5: {  	_ =	swait.ge [sflag:s28], $0xC80  }
0xd6: {  	[sflag:s28] =	ssyncset.done $0x0  }
0xd7: {  	[sflag:s28] =	ssyncadd.s32 $0xFFFFF380  }
0xd8: {  	_ =	swait.ge [sflag:s28], $0xC80  }
0xd9: {  	[sflag:s28] =	ssyncset.done $0x0  }
0xda: {  	[sflag:s28] =	ssyncadd.s32 $0xFFFFF380  }
0xdb: {  	_ =	swait.ge [sflag:s28], $0xC80  }
0xdc: {  	[sflag:s28] =	ssyncset.done $0x0  }
0xdd: {  	[sflag:s28] =	ssyncadd.s32 $0xFFFFF380  }
0xde: {  	_ =	swait.ge [sflag:s28], $0xC80  }
0xdf: {  	[sflag:s28] =	ssyncset.done $0x0  }
0xe0: {  	[sflag:s28] =	ssyncadd.s32 $0xFFFFF380  }
0xe1: {  	_ =	swait.ge [sflag:s28], $0xC80  }
0xe2: {  	[sflag:s28] =	ssyncset.done $0x0  }
0xe3: {  	[sflag:s28] =	ssyncadd.s32 $0xFFFFF380  }
0xe4: {  	_ =	swait.ge [sflag:s28], $0xC80  }
0xe5: {  	[sflag:s28] =	ssyncset.done $0x0  }
0xe6: {  	[sflag:s28] =	ssyncadd.s32 $0xFFFFF380  }
0xe7: {  	_ =	swait.ge [sflag:s28], $0xC80  }
0xe8: {  	[sflag:s28] =	ssyncset.done $0x0  }
0xe9: {  	s30 =	sadd.s32 $0x1900, s31;
	[sflag:s28] =	ssyncadd.s32 $0xFFFFF380  }
0xea: {  	[hbm4b:s30+s2] =	stream.linear.scatter [tilespmem:s18], [sflag:$0x4], $0xC800, $0x38;
	[tilespmem:$0x19D00] =	vst v63  }
0xeb: {  	s0 =	sadd.s32 $0x270, s0  }
0xec: {  	[tilespmem:s17], [sflag:$0x5] =	stream.linear.gather [hbm4b:s0+s2], $0x680, $0x38;
	[tilespmem:$0x19D00] =	vst v63  }
0xed: {  	_ =	swait.ge [sflag:s10], $0x680  }
0xee: {  	[sflag:s10] =	ssyncset.done $0x0  }
0xef: {  	[sflag:s10] =	ssyncadd.s32 $0xFFFFF980  }
0xf0: {  	_ =	swait.ge [sflag:s29], $0xC800  }
0xf1: {  	[sflag:s29] =	ssyncset.done $0x0  }
0xf2: {  	[sflag:s29] =	ssyncadd.s32 $0xFFFF3800  }
0xf3: {  	[tilespmem:s18], [sflag:$0x2] =	stream.indirect.gather [hbm4b:s3+s11], $0x20, s17, s11, $0xb8;
	[tilespmem:$0x19D00] =	vst v63  }
0xf4: {  	s13 =	simm.s32 $0x6E8;
	s14 =	simm.s32 $0xE180  }
0xf5: {  	[tilespmem:s14], [sflag:$0x2] =	stream.indirect.gather [hbm4b:s3+s11], $0x20, s13, s11, $0xb8;
	[tilespmem:$0x19D00] =	vst v63  }
0xf6: {  	s1 =	simm.s32 $0x8F0;
	s15 =	simm.s32 $0x750;
	s16 =	simm.s32 $0xEE00  }
0xf7: {  	[tilespmem:s16], [sflag:$0x2] =	stream.indirect.gather [hbm4b:s3+s11], $0x20, s15, s11, $0xb8;
	[tilespmem:$0x19D00] =	vst v63  }
0xf8: {  	s4 =	simm.s32 $0x12000;
	s19 =	simm.s32 $0x7B8;
	s20 =	simm.s32 $0xFA80  }
0xf9: {  	[tilespmem:s20], [sflag:$0x2] =	stream.indirect.gather [hbm4b:s3+s11], $0x20, s19, s11, $0xb8;
	[tilespmem:$0x19D00] =	vst v63  }
0xfa: {  	s21 =	simm.s32 $0x820;
	s22 =	simm.s32 $0x10700;
	s23 =	simm.s32 $0x888  }
0xfb: {  	[tilespmem:s22], [sflag:$0x2] =	stream.indirect.gather [hbm4b:s3+s11], $0x20, s21, s11, $0xb8;
	[tilespmem:$0x19D00] =	vst v63  }
0xfc: {  	s24 =	simm.s32 $0x11380;
	s5 =	simm.s32 $0x958;
	s6 =	simm.s32 $0x12C80  }
0xfd: {  	[tilespmem:s24], [sflag:$0x2] =	stream.indirect.gather [hbm4b:s3+s11], $0x20, s23, s11, $0xb8;
	[tilespmem:$0x19D00] =	vst v63  }
0xfe: {  	s7 =	simm.s32 $0x9C0;
	s8 =	simm.s32 $0x13900;
	s9 =	simm.s32 $0xA28  }
0xff: {  	[tilespmem:s4], [sflag:$0x2] =	stream.indirect.gather [hbm4b:s3+s11], $0x20, s1, s11, $0xb8;
	[tilespmem:$0x19D00] =	vst v63  }
0x100: {  	s12 =	simm.s32 $0x14580;
	s30 =	simm.s32 $0x1A0;
	s13 =	simm.s32 $0xA90  }
0x101: {  	[tilespmem:s6], [sflag:$0x2] =	stream.indirect.gather [hbm4b:s3+s11], $0x20, s5, s11, $0xb8;
	[tilespmem:$0x19D00] =	vst v63  }
0x102: {  	s14 =	simm.s32 $0x15200;
	s15 =	simm.s32 $0xAF8;
	s16 =	simm.s32 $0x15E80  }
0x103: {  	[tilespmem:s8], [sflag:$0x2] =	stream.indirect.gather [hbm4b:s3+s11], $0x20, s7, s11, $0xb8;
	[tilespmem:$0x19D00] =	vst v63  }
0x104: {  	s19 =	simm.s32 $0xB60;
	s20 =	simm.s32 $0x16B00;
	s21 =	simm.s32 $0xBC8  }
0x105: {  	[tilespmem:s12], [sflag:$0x2] =	stream.indirect.gather [hbm4b:s3+s11], $0x20, s9, s11, $0xb8;
	[tilespmem:$0x19D00] =	vst v63  }
0x106: {  	s22 =	simm.s32 $0x17780;
	s23 =	simm.s32 $0xC30;
	s24 =	simm.s32 $0x18400  }
0x107: {  	[tilespmem:s14], [sflag:$0x2] =	stream.indirect.gather [hbm4b:s3+s11], $0x20, s13, s11, $0xb8;
	[tilespmem:$0x19D00] =	vst v63  }
0x108: {  	s4 =	simm.s32 $0x138;
	s5 =	simm.s32 $0x68;
	s7 =	simm.s32 $0xD0  }
0x109: {  	[tilespmem:s16], [sflag:$0x2] =	stream.indirect.gather [hbm4b:s3+s11], $0x20, s15, s11, $0xb8;
	[tilespmem:$0x19D00] =	vst v63  }
0x10a: {  	s12 =	simm.s32 $0x3A8;
	s9 =	simm.s32 $0x3280;
	s14 =	simm.s32 $0x3F00  }
0x10b: {  	[tilespmem:s20], [sflag:$0x2] =	stream.indirect.gather [hbm4b:s3+s11], $0x20, s19, s11, $0xb8;
	[tilespmem:$0x19D00] =	vst v63  }
0x10c: {  	s13 =	simm.s32 $0x1A0;
	s16 =	simm.s32 $0x4B80;
	s15 =	simm.s32 $0x208  }
0x10d: {  	[tilespmem:s22], [sflag:$0x2] =	stream.indirect.gather [hbm4b:s3+s11], $0x20, s21, s11, $0xb8;
	[tilespmem:$0x19D00] =	vst v63  }
0x10e: {  	s20 =	simm.s32 $0x5800;
	s19 =	simm.s32 $0x270;
	s22 =	simm.s32 $0x6480  }
0x10f: {  	[tilespmem:s24], [sflag:$0x2] =	stream.indirect.gather [hbm4b:s3+s11], $0x20, s23, s11, $0xb8;
	[tilespmem:$0x19D00] =	vst v63  }
0x110: {  	s21 =	simm.s32 $0x2D8;
	s24 =	simm.s32 $0x7100;
	s23 =	simm.s32 $0x340  }
.LBB2_2:
0x111: {  	s1 =	simm.s32 $0xC98;
	s6 =	simm.s32 $0x19080  }
0x112: {  	[tilespmem:s6], [sflag:$0x2] =	stream.indirect.gather [hbm4b:s3+s11], $0x20, s1, s11, $0xb8;
	[tilespmem:$0x19D00] =	vst v63  }
0x113: {  	_ =	swait.ge [sflag:s25], $0xC80  }
0x114: {  	[sflag:s25] =	ssyncset.done $0x0  }
0x115: {  	[sflag:s25] =	ssyncadd.s32 $0xFFFFF380  }
0x116: {  	_ =	swait.ge [sflag:s25], $0xC80  }
0x117: {  	[sflag:s25] =	ssyncset.done $0x0  }
0x118: {  	[sflag:s25] =	ssyncadd.s32 $0xFFFFF380  }
0x119: {  	_ =	swait.ge [sflag:s25], $0xC80  }
0x11a: {  	[sflag:s25] =	ssyncset.done $0x0  }
0x11b: {  	[sflag:s25] =	ssyncadd.s32 $0xFFFFF380  }
0x11c: {  	_ =	swait.ge [sflag:s25], $0xC80  }
0x11d: {  	[sflag:s25] =	ssyncset.done $0x0  }
0x11e: {  	[sflag:s25] =	ssyncadd.s32 $0xFFFFF380  }
0x11f: {  	_ =	swait.ge [sflag:s25], $0xC80  }
0x120: {  	[sflag:s25] =	ssyncset.done $0x0  }
0x121: {  	[sflag:s25] =	ssyncadd.s32 $0xFFFFF380  }
0x122: {  	_ =	swait.ge [sflag:s25], $0xC80  }
0x123: {  	[sflag:s25] =	ssyncset.done $0x0  }
0x124: {  	[sflag:s25] =	ssyncadd.s32 $0xFFFFF380  }
0x125: {  	_ =	swait.ge [sflag:s25], $0xC80  }
0x126: {  	[sflag:s25] =	ssyncset.done $0x0  }
0x127: {  	[sflag:s25] =	ssyncadd.s32 $0xFFFFF380  }
0x128: {  	_ =	swait.ge [sflag:s25], $0xC80  }
0x129: {  	[sflag:s25] =	ssyncset.done $0x0  }
0x12a: {  	[sflag:s25] =	ssyncadd.s32 $0xFFFFF380  }
0x12b: {  	_ =	swait.ge [sflag:s25], $0xC80  }
0x12c: {  	[sflag:s25] =	ssyncset.done $0x0  }
0x12d: {  	[sflag:s25] =	ssyncadd.s32 $0xFFFFF380  }
0x12e: {  	_ =	swait.ge [sflag:s25], $0xC80  }
0x12f: {  	[sflag:s25] =	ssyncset.done $0x0  }
0x130: {  	[sflag:s25] =	ssyncadd.s32 $0xFFFFF380  }
0x131: {  	_ =	swait.ge [sflag:s25], $0xC80  }
0x132: {  	[sflag:s25] =	ssyncset.done $0x0  }
0x133: {  	[sflag:s25] =	ssyncadd.s32 $0xFFFFF380  }
0x134: {  	_ =	swait.ge [sflag:s25], $0xC80  }
0x135: {  	[sflag:s25] =	ssyncset.done $0x0  }
0x136: {  	[sflag:s25] =	ssyncadd.s32 $0xFFFFF380  }
0x137: {  	_ =	swait.ge [sflag:s25], $0xC80  }
0x138: {  	[sflag:s25] =	ssyncset.done $0x0  }
0x139: {  	[sflag:s25] =	ssyncadd.s32 $0xFFFFF380  }
0x13a: {  	_ =	swait.ge [sflag:s25], $0xC80  }
0x13b: {  	[sflag:s25] =	ssyncset.done $0x0  }
0x13c: {  	[sflag:s25] =	ssyncadd.s32 $0xFFFFF380  }
0x13d: {  	_ =	swait.ge [sflag:s25], $0xC80  }
0x13e: {  	[sflag:s25] =	ssyncset.done $0x0  }
0x13f: {  	[sflag:s25] =	ssyncadd.s32 $0xFFFFF380  }
0x140: {  	s31 =	sadd.s32 $0x3200, s31;
	_ =	swait.ge [sflag:s25], $0xC80  }
0x141: {  	s0 =	smov.u32 s30;
	[sflag:s25] =	ssyncset.done $0x0;
	s6 =	rddreg [dreg:$0x3]  }
0x142: {  	s8 =	simm.s32 $0xD00;
	[sflag:s25] =	ssyncadd.s32 $0xFFFFF380;
	s0 =	sadd.s32 s0, s6  }
0x143: {  	[hbm4b:s31+s2] =	stream.linear.scatter [tilespmem:s8], [sflag:$0x3], $0xC800, $0x38;
	[tilespmem:$0x19D00] =	vst v63  }
0x144: {  	s1 =	sadd.s32 $0x1A0, s0  }
0x145: {  	[tilespmem:s2], [sflag:$0x5] =	stream.linear.gather [hbm4b:s1+s2], $0x680, $0x38;
	[tilespmem:$0x19D00] =	vst v63  }
0x146: {  	_ =	swait.ge [sflag:s10], $0x680  }
0x147: {  	[sflag:s10] =	ssyncset.done $0x0  }
0x148: {  	[sflag:s10] =	ssyncadd.s32 $0xFFFFF980  }
0x149: {  	_ =	swait.ge [sflag:s26], $0xC800  }
0x14a: {  	[sflag:s26] =	ssyncset.done $0x0  }
0x14b: {  	[sflag:s26] =	ssyncadd.s32 $0xFFFF3800  }
0x14c: {  	[tilespmem:s8], [sflag:$0x1] =	stream.indirect.gather [hbm4b:s3+s11], $0x20, s2, s11, $0xb8;
	[tilespmem:$0x19D00] =	vst v63  }
0x14d: {  	s8 =	simm.s32 $0x1980  }
0x14e: {  	[tilespmem:s8], [sflag:$0x1] =	stream.indirect.gather [hbm4b:s3+s11], $0x20, s5, s11, $0xb8;
	[tilespmem:$0x19D00] =	vst v63  }
0x14f: {  	s8 =	simm.s32 $0x2600  }
0x150: {  	[tilespmem:s8], [sflag:$0x1] =	stream.indirect.gather [hbm4b:s3+s11], $0x20, s7, s11, $0xb8;
	[tilespmem:$0x19D00] =	vst v63  }
0x151: {  	_ = 	snop  }
0x152: {  	[tilespmem:s9], [sflag:$0x1] =	stream.indirect.gather [hbm4b:s3+s11], $0x20, s4, s11, $0xb8;
	[tilespmem:$0x19D00] =	vst v63  }
0x153: {  	_ = 	snop  }
0x154: {  	[tilespmem:s14], [sflag:$0x1] =	stream.indirect.gather [hbm4b:s3+s11], $0x20, s13, s11, $0xb8;
	[tilespmem:$0x19D00] =	vst v63  }
0x155: {  	_ = 	snop  }
0x156: {  	[tilespmem:s16], [sflag:$0x1] =	stream.indirect.gather [hbm4b:s3+s11], $0x20, s15, s11, $0xb8;
	[tilespmem:$0x19D00] =	vst v63  }
0x157: {  	_ = 	snop  }
0x158: {  	[tilespmem:s20], [sflag:$0x1] =	stream.indirect.gather [hbm4b:s3+s11], $0x20, s19, s11, $0xb8;
	[tilespmem:$0x19D00] =	vst v63  }
0x159: {  	_ = 	snop  }
0x15a: {  	[tilespmem:s22], [sflag:$0x1] =	stream.indirect.gather [hbm4b:s3+s11], $0x20, s21, s11, $0xb8;
	[tilespmem:$0x19D00] =	vst v63  }
0x15b: {  	_ = 	snop  }
0x15c: {  	[tilespmem:s24], [sflag:$0x1] =	stream.indirect.gather [hbm4b:s3+s11], $0x20, s23, s11, $0xb8;
	[tilespmem:$0x19D00] =	vst v63  }
0x15d: {  	s8 =	simm.s32 $0x7D80  }
0x15e: {  	[tilespmem:s8], [sflag:$0x1] =	stream.indirect.gather [hbm4b:s3+s11], $0x20, s12, s11, $0xb8;
	[tilespmem:$0x19D00] =	vst v63  }
0x15f: {  	s1 =	simm.s32 $0x8A00;
	s8 =	simm.s32 $0x410  }
0x160: {  	[tilespmem:s1], [sflag:$0x1] =	stream.indirect.gather [hbm4b:s3+s11], $0x20, s8, s11, $0xb8;
	[tilespmem:$0x19D00] =	vst v63  }
0x161: {  	s1 =	simm.s32 $0x478;
	s8 =	simm.s32 $0x9680  }
0x162: {  	[tilespmem:s8], [sflag:$0x1] =	stream.indirect.gather [hbm4b:s3+s11], $0x20, s1, s11, $0xb8;
	[tilespmem:$0x19D00] =	vst v63  }
0x163: {  	s1 =	simm.s32 $0x4E0;
	s8 =	simm.s32 $0xA300  }
0x164: {  	[tilespmem:s8], [sflag:$0x1] =	stream.indirect.gather [hbm4b:s3+s11], $0x20, s1, s11, $0xb8;
	[tilespmem:$0x19D00] =	vst v63  }
0x165: {  	s1 =	simm.s32 $0x548;
	s8 =	simm.s32 $0xAF80  }
0x166: {  	[tilespmem:s8], [sflag:$0x1] =	stream.indirect.gather [hbm4b:s3+s11], $0x20, s1, s11, $0xb8;
	[tilespmem:$0x19D00] =	vst v63  }
0x167: {  	s1 =	simm.s32 $0x5B0;
	s8 =	simm.s32 $0xBC00  }
0x168: {  	[tilespmem:s8], [sflag:$0x1] =	stream.indirect.gather [hbm4b:s3+s11], $0x20, s1, s11, $0xb8;
	[tilespmem:$0x19D00] =	vst v63  }
0x169: {  	s1 =	simm.s32 $0x618;
	s8 =	simm.s32 $0xC880  }
0x16a: {  	[tilespmem:s8], [sflag:$0x1] =	stream.indirect.gather [hbm4b:s3+s11], $0x20, s1, s11, $0xb8;
	[tilespmem:$0x19D00] =	vst v63  }
0x16b: {  	_ =	swait.ge [sflag:s28], $0xC80  }
0x16c: {  	[sflag:s28] =	ssyncset.done $0x0  }
0x16d: {  	[sflag:s28] =	ssyncadd.s32 $0xFFFFF380  }
0x16e: {  	_ =	swait.ge [sflag:s28], $0xC80  }
0x16f: {  	[sflag:s28] =	ssyncset.done $0x0  }
0x170: {  	[sflag:s28] =	ssyncadd.s32 $0xFFFFF380  }
0x171: {  	_ =	swait.ge [sflag:s28], $0xC80  }
0x172: {  	[sflag:s28] =	ssyncset.done $0x0  }
0x173: {  	[sflag:s28] =	ssyncadd.s32 $0xFFFFF380  }
0x174: {  	_ =	swait.ge [sflag:s28], $0xC80  }
0x175: {  	[sflag:s28] =	ssyncset.done $0x0  }
0x176: {  	[sflag:s28] =	ssyncadd.s32 $0xFFFFF380  }
0x177: {  	_ =	swait.ge [sflag:s28], $0xC80  }
0x178: {  	[sflag:s28] =	ssyncset.done $0x0  }
0x179: {  	[sflag:s28] =	ssyncadd.s32 $0xFFFFF380  }
0x17a: {  	_ =	swait.ge [sflag:s28], $0xC80  }
0x17b: {  	[sflag:s28] =	ssyncset.done $0x0  }
0x17c: {  	[sflag:s28] =	ssyncadd.s32 $0xFFFFF380  }
0x17d: {  	_ =	swait.ge [sflag:s28], $0xC80  }
0x17e: {  	[sflag:s28] =	ssyncset.done $0x0  }
0x17f: {  	[sflag:s28] =	ssyncadd.s32 $0xFFFFF380  }
0x180: {  	_ =	swait.ge [sflag:s28], $0xC80  }
0x181: {  	[sflag:s28] =	ssyncset.done $0x0  }
0x182: {  	[sflag:s28] =	ssyncadd.s32 $0xFFFFF380  }
0x183: {  	_ =	swait.ge [sflag:s28], $0xC80  }
0x184: {  	[sflag:s28] =	ssyncset.done $0x0  }
0x185: {  	[sflag:s28] =	ssyncadd.s32 $0xFFFFF380  }
0x186: {  	_ =	swait.ge [sflag:s28], $0xC80  }
0x187: {  	[sflag:s28] =	ssyncset.done $0x0  }
0x188: {  	[sflag:s28] =	ssyncadd.s32 $0xFFFFF380  }
0x189: {  	_ =	swait.ge [sflag:s28], $0xC80  }
0x18a: {  	[sflag:s28] =	ssyncset.done $0x0  }
0x18b: {  	[sflag:s28] =	ssyncadd.s32 $0xFFFFF380  }
0x18c: {  	_ =	swait.ge [sflag:s28], $0xC80  }
0x18d: {  	[sflag:s28] =	ssyncset.done $0x0  }
0x18e: {  	[sflag:s28] =	ssyncadd.s32 $0xFFFFF380  }
0x18f: {  	_ =	swait.ge [sflag:s28], $0xC80  }
0x190: {  	[sflag:s28] =	ssyncset.done $0x0  }
0x191: {  	[sflag:s28] =	ssyncadd.s32 $0xFFFFF380  }
0x192: {  	_ =	swait.ge [sflag:s28], $0xC80  }
0x193: {  	[sflag:s28] =	ssyncset.done $0x0  }
0x194: {  	[sflag:s28] =	ssyncadd.s32 $0xFFFFF380  }
0x195: {  	_ =	swait.ge [sflag:s28], $0xC80  }
0x196: {  	[sflag:s28] =	ssyncset.done $0x0  }
0x197: {  	[sflag:s28] =	ssyncadd.s32 $0xFFFFF380  }
0x198: {  	_ =	swait.ge [sflag:s28], $0xC80  }
0x199: {  	[sflag:s28] =	ssyncset.done $0x0  }
0x19a: {  	s8 =	sadd.s32 $0x1900, s31;
	[sflag:s28] =	ssyncadd.s32 $0xFFFFF380  }
0x19b: {  	[hbm4b:s8+s2] =	stream.linear.scatter [tilespmem:s18], [sflag:$0x4], $0xC800, $0x38;
	[tilespmem:$0x19D00] =	vst v63  }
0x19c: {  	s0 =	sadd.s32 $0x270, s0  }
0x19d: {  	[tilespmem:s17], [sflag:$0x5] =	stream.linear.gather [hbm4b:s0+s2], $0x680, $0x38;
	[tilespmem:$0x19D00] =	vst v63  }
0x19e: {  	_ =	swait.ge [sflag:s10], $0x680  }
0x19f: {  	[sflag:s10] =	ssyncset.done $0x0  }
0x1a0: {  	[sflag:s10] =	ssyncadd.s32 $0xFFFFF980  }
0x1a1: {  	_ =	swait.ge [sflag:s29], $0xC800  }
0x1a2: {  	[sflag:s29] =	ssyncset.done $0x0  }
0x1a3: {  	[sflag:s29] =	ssyncadd.s32 $0xFFFF3800  }
0x1a4: {  	[tilespmem:s18], [sflag:$0x2] =	stream.indirect.gather [hbm4b:s3+s11], $0x20, s17, s11, $0xb8;
	[tilespmem:$0x19D00] =	vst v63  }
0x1a5: {  	s1 =	simm.s32 $0x6E8;
	s8 =	simm.s32 $0xE180  }
0x1a6: {  	[tilespmem:s8], [sflag:$0x2] =	stream.indirect.gather [hbm4b:s3+s11], $0x20, s1, s11, $0xb8;
	[tilespmem:$0x19D00] =	vst v63  }
0x1a7: {  	s1 =	simm.s32 $0x750;
	s8 =	simm.s32 $0xEE00  }
0x1a8: {  	[tilespmem:s8], [sflag:$0x2] =	stream.indirect.gather [hbm4b:s3+s11], $0x20, s1, s11, $0xb8;
	[tilespmem:$0x19D00] =	vst v63  }
0x1a9: {  	s1 =	simm.s32 $0x7B8;
	s8 =	simm.s32 $0xFA80  }
0x1aa: {  	[tilespmem:s8], [sflag:$0x2] =	stream.indirect.gather [hbm4b:s3+s11], $0x20, s1, s11, $0xb8;
	[tilespmem:$0x19D00] =	vst v63  }
0x1ab: {  	s1 =	simm.s32 $0x820;
	s8 =	simm.s32 $0x10700  }
0x1ac: {  	[tilespmem:s8], [sflag:$0x2] =	stream.indirect.gather [hbm4b:s3+s11], $0x20, s1, s11, $0xb8;
	[tilespmem:$0x19D00] =	vst v63  }
0x1ad: {  	s1 =	simm.s32 $0x888;
	s8 =	simm.s32 $0x11380  }
0x1ae: {  	[tilespmem:s8], [sflag:$0x2] =	stream.indirect.gather [hbm4b:s3+s11], $0x20, s1, s11, $0xb8;
	[tilespmem:$0x19D00] =	vst v63  }
0x1af: {  	s1 =	simm.s32 $0x8F0;
	s8 =	simm.s32 $0x12000  }
0x1b0: {  	[tilespmem:s8], [sflag:$0x2] =	stream.indirect.gather [hbm4b:s3+s11], $0x20, s1, s11, $0xb8;
	[tilespmem:$0x19D00] =	vst v63  }
0x1b1: {  	s1 =	simm.s32 $0x958;
	s8 =	simm.s32 $0x12C80  }
0x1b2: {  	[tilespmem:s8], [sflag:$0x2] =	stream.indirect.gather [hbm4b:s3+s11], $0x20, s1, s11, $0xb8;
	[tilespmem:$0x19D00] =	vst v63  }
0x1b3: {  	s1 =	simm.s32 $0x9C0;
	s8 =	simm.s32 $0x13900  }
0x1b4: {  	[tilespmem:s8], [sflag:$0x2] =	stream.indirect.gather [hbm4b:s3+s11], $0x20, s1, s11, $0xb8;
	[tilespmem:$0x19D00] =	vst v63  }
0x1b5: {  	s1 =	simm.s32 $0xA28;
	s8 =	simm.s32 $0x14580  }
0x1b6: {  	[tilespmem:s8], [sflag:$0x2] =	stream.indirect.gather [hbm4b:s3+s11], $0x20, s1, s11, $0xb8;
	[tilespmem:$0x19D00] =	vst v63  }
0x1b7: {  	s1 =	simm.s32 $0xA90;
	s8 =	simm.s32 $0x15200  }
0x1b8: {  	[tilespmem:s8], [sflag:$0x2] =	stream.indirect.gather [hbm4b:s3+s11], $0x20, s1, s11, $0xb8;
	[tilespmem:$0x19D00] =	vst v63  }
0x1b9: {  	s1 =	simm.s32 $0xAF8;
	s8 =	simm.s32 $0x15E80  }
0x1ba: {  	[tilespmem:s8], [sflag:$0x2] =	stream.indirect.gather [hbm4b:s3+s11], $0x20, s1, s11, $0xb8;
	[tilespmem:$0x19D00] =	vst v63  }
0x1bb: {  	p0 =	sne.s32 s30, $0x16C0;
	s1 =	simm.s32 $0xB60;
	s8 =	simm.s32 $0x16B00  }
0x1bc: {  	[tilespmem:s8], [sflag:$0x2] =	stream.indirect.gather [hbm4b:s3+s11], $0x20, s1, s11, $0xb8;
	[tilespmem:$0x19D00] =	vst v63  }
.Ltmp0:
0x1bd: {  	_ = 	snop;
	(pc) =	sbr.rel @p0 .LBB2_2-.Ltmp0, $4  }
0x1be: {  	s30 =	sadd.s32 $0x1A0, s30;
	s1 =	simm.s32 $0xBC8;
	s8 =	simm.s32 $0x17780  }
0x1bf: {  	[tilespmem:s8], [sflag:$0x2] =	stream.indirect.gather [hbm4b:s3+s11], $0x20, s1, s11, $0xb8;
	[tilespmem:$0x19D00] =	vst v63  }
0x1c0: {  	s6 =	simm.s32 $0xD00;
	s1 =	simm.s32 $0xC30;
	s8 =	simm.s32 $0x18400  }
0x1c1: {  	[tilespmem:s8], [sflag:$0x2] =	stream.indirect.gather [hbm4b:s3+s11], $0x20, s1, s11, $0xb8;
	[tilespmem:$0x19D00] =	vst v63  }
0x1c2: {  	s0 =	simm.s32 $0xC98;
	s1 =	simm.s32 $0x19080  }
0x1c3: {  	[tilespmem:s1], [sflag:$0x2] =	stream.indirect.gather [hbm4b:s3+s11], $0x20, s0, s11, $0xb8;
	[tilespmem:$0x19D00] =	vst v63  }
0x1c4: {  	_ =	swait.ge [sflag:s25], $0xC80  }
0x1c5: {  	[sflag:s25] =	ssyncset.done $0x0  }
0x1c6: {  	[sflag:s25] =	ssyncadd.s32 $0xFFFFF380  }
0x1c7: {  	_ =	swait.ge [sflag:s25], $0xC80  }
0x1c8: {  	[sflag:s25] =	ssyncset.done $0x0  }
0x1c9: {  	[sflag:s25] =	ssyncadd.s32 $0xFFFFF380  }
0x1ca: {  	_ =	swait.ge [sflag:s25], $0xC80  }
0x1cb: {  	[sflag:s25] =	ssyncset.done $0x0  }
0x1cc: {  	[sflag:s25] =	ssyncadd.s32 $0xFFFFF380  }
0x1cd: {  	_ =	swait.ge [sflag:s25], $0xC80  }
0x1ce: {  	[sflag:s25] =	ssyncset.done $0x0  }
0x1cf: {  	[sflag:s25] =	ssyncadd.s32 $0xFFFFF380  }
0x1d0: {  	_ =	swait.ge [sflag:s25], $0xC80  }
0x1d1: {  	[sflag:s25] =	ssyncset.done $0x0  }
0x1d2: {  	[sflag:s25] =	ssyncadd.s32 $0xFFFFF380  }
0x1d3: {  	_ =	swait.ge [sflag:s25], $0xC80  }
0x1d4: {  	[sflag:s25] =	ssyncset.done $0x0  }
0x1d5: {  	[sflag:s25] =	ssyncadd.s32 $0xFFFFF380  }
0x1d6: {  	_ =	swait.ge [sflag:s25], $0xC80  }
0x1d7: {  	[sflag:s25] =	ssyncset.done $0x0  }
0x1d8: {  	[sflag:s25] =	ssyncadd.s32 $0xFFFFF380  }
0x1d9: {  	_ =	swait.ge [sflag:s25], $0xC80  }
0x1da: {  	[sflag:s25] =	ssyncset.done $0x0  }
0x1db: {  	[sflag:s25] =	ssyncadd.s32 $0xFFFFF380  }
0x1dc: {  	_ =	swait.ge [sflag:s25], $0xC80  }
0x1dd: {  	[sflag:s25] =	ssyncset.done $0x0  }
0x1de: {  	[sflag:s25] =	ssyncadd.s32 $0xFFFFF380  }
0x1df: {  	_ =	swait.ge [sflag:s25], $0xC80  }
0x1e0: {  	[sflag:s25] =	ssyncset.done $0x0  }
0x1e1: {  	[sflag:s25] =	ssyncadd.s32 $0xFFFFF380  }
0x1e2: {  	_ =	swait.ge [sflag:s25], $0xC80  }
0x1e3: {  	[sflag:s25] =	ssyncset.done $0x0  }
0x1e4: {  	[sflag:s25] =	ssyncadd.s32 $0xFFFFF380  }
0x1e5: {  	_ =	swait.ge [sflag:s25], $0xC80  }
0x1e6: {  	[sflag:s25] =	ssyncset.done $0x0  }
0x1e7: {  	[sflag:s25] =	ssyncadd.s32 $0xFFFFF380  }
0x1e8: {  	_ =	swait.ge [sflag:s25], $0xC80  }
0x1e9: {  	[sflag:s25] =	ssyncset.done $0x0  }
0x1ea: {  	[sflag:s25] =	ssyncadd.s32 $0xFFFFF380  }
0x1eb: {  	_ =	swait.ge [sflag:s25], $0xC80  }
0x1ec: {  	[sflag:s25] =	ssyncset.done $0x0  }
0x1ed: {  	[sflag:s25] =	ssyncadd.s32 $0xFFFFF380  }
0x1ee: {  	_ =	swait.ge [sflag:s25], $0xC80  }
0x1ef: {  	[sflag:s25] =	ssyncset.done $0x0  }
0x1f0: {  	[sflag:s25] =	ssyncadd.s32 $0xFFFFF380  }
0x1f1: {  	_ =	swait.ge [sflag:s25], $0xC80  }
0x1f2: {  	[sflag:s25] =	ssyncset.done $0x0  }
0x1f3: {  	s21 =	rddreg [dreg:$0x6];
	[sflag:s25] =	ssyncadd.s32 $0xFFFFF380  }
0x1f4: {  	[hbm4b:s21+s2] =	stream.linear.scatter [tilespmem:s6], [sflag:$0x5], $0xC800, $0x38;
	[tilespmem:$0x19D00] =	vst v63  }
0x1f5: {  	_ =	swait.ge [sflag:s10], $0xC800  }
0x1f6: {  	[sflag:s10] =	ssyncset.done $0x0  }
0x1f7: {  	[sflag:s10] =	ssyncadd.s32 $0xFFFF3800  }
0x1f8: {  	_ =	swait.ge [sflag:s28], $0xC80  }
0x1f9: {  	[sflag:s28] =	ssyncset.done $0x0  }
0x1fa: {  	[sflag:s28] =	ssyncadd.s32 $0xFFFFF380  }
0x1fb: {  	_ =	swait.ge [sflag:s28], $0xC80  }
0x1fc: {  	[sflag:s28] =	ssyncset.done $0x0  }
0x1fd: {  	[sflag:s28] =	ssyncadd.s32 $0xFFFFF380  }
0x1fe: {  	_ =	swait.ge [sflag:s28], $0xC80  }
0x1ff: {  	[sflag:s28] =	ssyncset.done $0x0  }
0x200: {  	[sflag:s28] =	ssyncadd.s32 $0xFFFFF380  }
0x201: {  	_ =	swait.ge [sflag:s28], $0xC80  }
0x202: {  	[sflag:s28] =	ssyncset.done $0x0  }
0x203: {  	[sflag:s28] =	ssyncadd.s32 $0xFFFFF380  }
0x204: {  	_ =	swait.ge [sflag:s28], $0xC80  }
0x205: {  	[sflag:s28] =	ssyncset.done $0x0  }
0x206: {  	[sflag:s28] =	ssyncadd.s32 $0xFFFFF380  }
0x207: {  	_ =	swait.ge [sflag:s28], $0xC80  }
0x208: {  	[sflag:s28] =	ssyncset.done $0x0  }
0x209: {  	[sflag:s28] =	ssyncadd.s32 $0xFFFFF380  }
0x20a: {  	_ =	swait.ge [sflag:s28], $0xC80  }
0x20b: {  	[sflag:s28] =	ssyncset.done $0x0  }
0x20c: {  	[sflag:s28] =	ssyncadd.s32 $0xFFFFF380  }
0x20d: {  	_ =	swait.ge [sflag:s28], $0xC80  }
0x20e: {  	[sflag:s28] =	ssyncset.done $0x0  }
0x20f: {  	[sflag:s28] =	ssyncadd.s32 $0xFFFFF380  }
0x210: {  	_ =	swait.ge [sflag:s28], $0xC80  }
0x211: {  	[sflag:s28] =	ssyncset.done $0x0  }
0x212: {  	[sflag:s28] =	ssyncadd.s32 $0xFFFFF380  }
0x213: {  	_ =	swait.ge [sflag:s28], $0xC80  }
0x214: {  	[sflag:s28] =	ssyncset.done $0x0  }
0x215: {  	[sflag:s28] =	ssyncadd.s32 $0xFFFFF380  }
0x216: {  	_ =	swait.ge [sflag:s28], $0xC80  }
0x217: {  	[sflag:s28] =	ssyncset.done $0x0  }
0x218: {  	[sflag:s28] =	ssyncadd.s32 $0xFFFFF380  }
0x219: {  	_ =	swait.ge [sflag:s28], $0xC80  }
0x21a: {  	[sflag:s28] =	ssyncset.done $0x0  }
0x21b: {  	[sflag:s28] =	ssyncadd.s32 $0xFFFFF380  }
0x21c: {  	_ =	swait.ge [sflag:s28], $0xC80  }
0x21d: {  	[sflag:s28] =	ssyncset.done $0x0  }
0x21e: {  	[sflag:s28] =	ssyncadd.s32 $0xFFFFF380  }
0x21f: {  	_ =	swait.ge [sflag:s28], $0xC80  }
0x220: {  	[sflag:s28] =	ssyncset.done $0x0  }
0x221: {  	[sflag:s28] =	ssyncadd.s32 $0xFFFFF380  }
0x222: {  	_ =	swait.ge [sflag:s28], $0xC80  }
0x223: {  	[sflag:s28] =	ssyncset.done $0x0  }
0x224: {  	[sflag:s28] =	ssyncadd.s32 $0xFFFFF380  }
0x225: {  	_ =	swait.ge [sflag:s28], $0xC80  }
0x226: {  	[sflag:s28] =	ssyncset.done $0x0  }
0x227: {  	s22 =	rddreg [dreg:$0x7];
	[sflag:s28] =	ssyncadd.s32 $0xFFFFF380  }
0x228: {  	[hbm4b:s22+s2] =	stream.linear.scatter [tilespmem:s18], [sflag:$0x5], $0xC800, $0x38;
	[tilespmem:$0x19D00] =	vst v63  }
0x229: {  	s5 =	simm.s32 $0x1980;
	s7 =	simm.s32 $0x2600;
	_ =	swait.ge [sflag:s10], $0xC800  }
0x22a: {  	s4 =	simm.s32 $0x138;
	s8 =	simm.s32 $0x3280;
	s24 =	rddreg [dreg:$0xa]  }
0x22b: {  	s9 =	simm.s32 $0x1A0;
	s23 =	rddreg [dreg:$0x8];
	s24 =	sadd.s32 $0x1, s24  }
0x22c: {  	s13 =	simm.s32 $0x3F00;
	s14 =	simm.s32 $0x208;
	p0 =	sne.s32 s24, s23  }
.Ltmp1:
0x22d: {  	s15 =	simm.s32 $0x4B80;
	s16 =	simm.s32 $0x270;
	(pc) =	sbr.rel @p0 .LBB2_1-.Ltmp1, $4  }
0x22e: {  	s19 =	simm.s32 $0x5800;
	s20 =	simm.s32 $0x2D8;
	s12 =	simm.s32 $0x3A8  }
0x22f: {  	s30 =	simm.s32 $0x7D80;
	s31 =	simm.s32 $0x410;
	s1 =	simm.s32 $0x68  }
0x230: {  	s6 =	simm.s32 $0xD0;
	s21 =	simm.s32 $0x6480;
	[sflag:s10] =	ssyncset.done $0x0  }
0x231: {  	s22 =	simm.s32 $0x340;
	[sflag:s10] =	ssyncadd.s32 $0xFFFF3800;
	s23 =	simm.s32 $0x7100  }
0x232: {  	_ =	sfence.sel $0x180000  }
0x233: {  	[bflag:$0x0] =	sbarrier.arrive $0xFFFF  }
0x234: {  	_ =	strace $0x90000047  }
0x235: {  	s0 =	stileid.u32;
	[bflag:$0x2] =	sbarrier.arrive $0xFFFF  }
0x236: {  	p0 =	sne.s32 s0, $0x0;
	s0 =	rddreg [dreg:$0x2]  }
0x237: {  	s0 =	sadd.s32 @!p0 $0x100000, s0  }
0x238: {  	[sflag:s0] =	ssyncadd.tile.s32 @!p0 $0x1;
	_ =	shalt  }
.Lfunc_end2:
_tile_overlayer_lowered:
.L_overlay_start_2:
0x239: {  	(tag) =	ssettag $0x2  }
0x23a: {  	s0 =	rddreg [dreg:$0x0];
	s2 =	stileid.u32  }
0x23b: {  	s1 =	rddreg [dreg:$0x1];
	p0 =	sne.s32 s2, $0x0  }
0x23c: {  	s3 =	rddreg [dreg:$0x2];
	[bflag:$0x3] =	sbarrier.arrive $0xFFFF;
	s2 =	simm.s32 @!p0 $0x1C05  }
0x23d: {  	[timem:s3], [sflag:s2] =	dma.local @!p0 [hbm:s0], s1  }
0x23e: {  	s0 =	simm.s32 @!p0 $0x5  }
0x23f: {  	_ =	swait.ge @!p0 [sflag:s0], s1  }
0x240: {  	s1 =	ssub.s32 @!p0 $0x0, s1;
	[sflag:s0] =	ssyncset.done @!p0 $0x0  }
0x241: {  	[sflag:s0] =	ssyncadd.s32 @!p0 s1  }
0x242: {  	[bflag:$0x3] =	sbarrier.arrive $0xFFFF  }
0x243: {  	_ =	shalt  }

// kernel: sparse-core-data-format-call.cloned.1.call-start
scs
called_computation_lowered:
.L_overlay_start_0:
0x0: {  	s2 =	sld [smem:$0x3FD9]  }
0x1: {  	s3 =	sld [smem:$0x3FFE];
	_ =	sdelay $0x1  }
0x2: {  	s1 =	srdreg.scid  }
0x3: {  	s0 =	sand.u32 $0x1, s1  }
0x4: {  	s18 =	sshll.u32 s0, $0xA;
	s2 =	sadd.s32 s3, s2  }
0x5: {  	s2 =	sadd.s32 s2, s18  }
0x6: {  	[smem:$0x3FC6] =	sst s2  }
0x7: {  	_ = 	snop  }
0x8: {  	s2 =	sld [smem:$0x3FD0];
	(tm) =	ssettm $0x1  }
0x9: {  	s19 =	sld [smem:$0x3FFB];
	_ =	sdelay $0x3  }
0xa: {  	_ =	strace s19  }
0xb: {  	s3 =	sld [smem:$0x3FFC];
	_ =	sdelay $0x3  }
0xc: {  	_ =	strace s3  }
0xd: {  	s3 =	sld [smem:$0x3FFD];
	_ =	sdelay $0x3  }
0xe: {  	_ =	strace s3  }
0xf: {  	_ =	strace $0x8FFFFFFF  }
0x10: {  	s20 =	sld [smem:$0x3FDB];
	_ =	sdelay $0x1  }
0x11: {  	s4 =	simm.s32 $_scs_section_size  }
0x12: {  	s5 =	simm.s32 $_size__tile_overlayer_lowered;
	s6 =	simm.s32 $_tile_overlayer_lowered  }
0x13: {  	s23 =	simm.s32 $0x1BFF;
	s22 =	sshll.u32 s6, $0x1;
	s3 =	sadd.s32 s4, s20  }
0x14: {  	s7 =	simm.s32 $0x0;
	s21 =	sshll.u32 s5, $0x1;
	s5 =	sadd.s32 s22, s3  }
0x15: {  	[timem:s7], [sflag:s23] =	dma.local [hbm:s5], s21  }
0x16: {  	_ =	swait.ge [sflag:s23], s21  }
0x17: {  	s4 =	ssub.s32 $0x0, s21;
	[sflag:s23] =	ssyncset.done $0x0  }
0x18: {  	[sflag:s23] =	ssyncadd.s32 s4;
	_ =	sdelay $0x1  }
0x19: {  	s24 =	simm.s32 $0x1B8B  }
0x1a: {  	_ =	swait.ge [sflag:s24], $0x1  }
0x1b: {  	[sflag:s24] =	ssyncset.done $0x0  }
0x1c: {  	s26 =	simm.s32 $0x1B8E;
	s25 =	sld [smem:$0x3FFE];
	[sflag:s24] =	ssyncadd.s32 $0xFFFFFFFF  }
0x1d: {  	s27 =	simm.s32 $execute0_lowered;
	[smem:$0x3FD2] =	sst s26  }
0x1e: {  	s5 =	sshll.u32 s27, $0x1;
	_ =	strace $0x80000049;
	[dreg:$0x1] =	wrdreg $0xFFFFFFFF  }
0x1f: {  	s28 =	simm.s32 $_size_execute0_lowered;
	s3 =	sadd.s32 s3, s5;
	[dreg:$0x0] =	wrdreg $0x0  }
0x20: {  	s5 =	sshll.u32 s28, $0x1;
	[dreg:$0x2] =	wrdreg s3  }
0x21: {  	[dreg:$0x3] =	wrdreg s5  }
0x22: {  	[dreg:$0x4] =	wrdreg $0xC0  }
0x23: {  	_ =	task [dreg:s7], $0x5FFFF  }
0x24: {  	[dreg:$0x1] =	wrdreg $0xFFFFFFFF  }
0x25: {  	[dreg:$0x0] =	wrdreg $0x60  }
0x26: {  	[dreg:$0x2] =	wrdreg s25  }
0x27: {  	[dreg:$0x3] =	wrdreg s2  }
0x28: {  	[dreg:$0x4] =	wrdreg $0x9  }
0x29: {  	_ =	task.clear_ibuf [dreg:s7], $0x5FFFF;
	_ =	strace $0x90000049  }
0x2a: {  	s29 =	simm.s32 $0x9;
	_ =	strace $0x8000004B  }
0x2b: {  	_ =	swait.ge [sflag:s29], $0x1  }
0x2c: {  	[sflag:s29] =	ssyncadd.s32 $0xFFFFFFFF  }
0x2d: {  	_ =	strace $0x9000004B  }
0x2e: {  	_ =	sfence  }
0x2f: {  	s30 =	sld [smem:$0x0];
	_ =	sdelay $0x2  }
0x30: {  	s31 =	sshll.u32 s1, $0xD;
	s1 =	sshrl.u32 s1, $0x2  }
0x31: {  	s3 =	sand.u32 $0x4000, s31;
	s1 =	sadd.s32 s1, s30  }
0x32: {  	s0 =	sor.u32 s3, s0;
	s1 =	sshll.u32 s1, $0x11  }
0x33: {  	s0 =	sor.u32 s1, s0  }
0x34: {  	s0 =	sadd.s32 $0x8F2B, s0  }
0x35: {  	[sflag:s0] =	ssyncadd.remote.s32 $0x1  }
0x36: {  	_ =	sfence.sel $0xFFFF  }
0x37: {  	[dreg:$0x0] =	wrdreg $0xFFFFFFFF;
	(pc) =	sbr.abs _section_cstart, $3  }
0x38: {  	[dreg:$0x1] =	wrdreg $0xFFFFFFFF  }
0x39: {  	_ =	task.clear_ibuf [dreg:s7], $0x2FFFF;
	_ =	strace $0x9FFFFFFF  }
0x3a: {  	(tm) =	ssettm $0x7FFFFFFF  }
0x3b: {  	_ =	shalt  }
tec
execute0_lowered:
.L_overlay_start_1:
0x0: {  	(tag) =	ssettag $0x1  }
0x1: {  	s0 =	srdreg.scid  }
0x2: {  	s1 =	sshll.u32 s0, $0x4  }
0x3: {  	s0 =	stileid.u32;
	s1 =	sand.u32 $0x10, s1  }
0x4: {  	s1 =	sor.u32 s0, s1  }
0x5: {  	s6 =	rddreg [dreg:$0x0];
	s4 =	simm.s32 $0x1;
	s2 =	sshll.u32 s1, $0x7  }
0x6: {  	s7 =	simm.s32 $0x2;
	s12 =	simm.s32 $0x0;
	s1 =	ssub.s32 $0x4000, s2  }
0x7: {  	s8 =	simm.s32 $0x20000;
	s13 =	simm.s32 $0x0;
	s3 =	sand.u32 $0xF80, s1  }
0x8: {  	s9 =	simm.s32 $0x0;
	s5 =	sshrl.u32 s1, $0xC;
	p0 =	sne.s32 s3, $0x0  }
.Ltmp0:
0x9: {  	s1 =	rddreg [dreg:$0x2];
	s4 =	simm.s32 @!p0 $0x0;
	(pc) =	sbr.rel .LBB1_1-.Ltmp0, $4  }
0xa: {  	s11 =	simm.s32 $0x0;
	s3 =	rddreg [dreg:$0x1];
	s5 =	sadd.s32 s4, s5  }
0xb: {  	_ =	strace $0x8000004A;
	s4 =	simm.s32 $0x1;
	s5 =	smul.u32 $0x64, s5  }
0xc: {  	s6 =	sadd.s32 $0x800, s6;
	s10 =	smov.u32 s2;
	[sflag:s4] =	ssyncpa.u1 $0x0  }
0xd: {  	p0 =	por $0x0, $0x0;
	[sflag:s7] =	ssyncpa.u1 $0x0;
	s7 =	sor.u32 $0x1, s5  }
.LBB1_4:
0xe: {  	s16 =	sshll.u32 s13, $0x3;
	s17 =	sand.u32 $0x78, s13  }
0xf: {  	s30 =	sand.u32 $0xF800, s13;
	s12 =	sshll.u32 s12, $0x10;
	s16 =	sand.u32 $0x3C00, s16  }
0x10: {  	s31 =	sand.u32 $0x7, s13;
	s16 =	sor.u32 s17, s16;
	s17 =	sadd.s32 s3, s30  }
0x11: {  	s13 =	sshll.u32 s31, $0x12;
	s16 =	sshrl.u32 s16, $0x3;
	s12 =	sadd.s32 s12, s17  }
0x12: {  	[tilespmem:s15+$0x0 ss:$0x81] =	vst.msk $0xffff, v0;
	s13 =	sor.u32 $0x400, s13;
	s12 =	sadd.s32 s16, s12  }
0x13: {  	[hbm4b:s12+s13] =	stream.strided.scatter [tilespmem:s14], [sflag:$0x2], $0x1000, s8, s13, $0x20;
	[tilespmem:$0x4040] =	vst v63  }
.LBB1_5:
0x14: {  	s14 =	sadd.s32 $0x1, s9  }
0x15: {  	s12 =	sadd.s32 $0x1000, s10;
	s16 =	smov.u32 s10;
	p2 =	sgt.s32 s14, $0x63  }
0x16: {  	s16 =	smov.u32 @p2 s12  }
0x17: {  	s14 =	simm.s32 @p2 $0x0;
	p2 =	sgt.s32 s16, $0x3FFF  }
0x18: {  	s16 =	smov.u32 @p2 s2;
	p2 =	sne.s32 s11, s7  }
.Ltmp1:
0x19: {  	p1 =	slt.u32 s11, $0x2;
	(pc) =	sbr.rel @!p2 .LBB1_6-.Ltmp1, $4  }
0x1a: {  	s15 =	simm.s32 @!p1 $0x2  }
0x1b: {  	s13 =	smov.u32 s10;
	p0 =	por !p0, !p0;
	_ =	swait.ge @!p1 [sflag:s15], $0x1000  }
0x1c: {  	s12 =	smov.u32 s9;
	[sflag:s15] =	ssyncset.done @!p1 $0x0;
	s9 =	smov.u32 s14  }
0x1d: {  	s11 =	sadd.s32 $0x1, s11;
	[sflag:s15] =	ssyncadd.s32 @!p1 $0xFFFFF000;
	s10 =	smov.u32 s16  }
.LBB1_1:
0x1e: {  	p1 =	sge.u32 s11, s5  }
0x1f: {  	s14 =	sand.u32 @!p1 $0x1FFFFFF, s9  }
0x20: {  	s15 =	smulhi.u32 @!p1 $0x2762763, s14;
	_ =	sdelay $0x1  }
0x21: {  	s15 =	smul.u32 @!p1 $0x68, s15  }
0x22: {  	s16 =	sxor.u32 @!p1 $0xFFFFFFFF, s11;
	s17 =	smul.u32 @!p1 $0x680, s10  }
0x23: {  	s31 =	sadd.s32 $0xFFFFFFFF, s11;
	s16 =	sshll.u32 @!p1 s16, $0xC;
	s14 =	ssub.s32 @!p1 s14, s15  }
0x24: {  	s15 =	sand.u32 @!p1 $0x1000, s16;
	s16 =	sadd.s32 @!p1 s6, s17;
	s14 =	sshll.u32 @!p1 s14, $0x4  }
0x25: {  	s17 =	simm.s32 @!p1 $0x3400;
	s14 =	sadd.s32 @!p1 s14, s16;
	s16 =	simm.s32 @!p1 $0x20  }
0x26: {  	[tilespmem:s15], [sflag:$0x1] =	stream.strided.gather @!p1 [hbm4b:s14+s16], $0x1000, s17, s16, $0x38;
	[tilespmem:$0x4040] =	vst v63  }
0x27: {  	p1 =	sge.u32 s31, s5  }
.Ltmp2:
0x28: {  	_ = 	snop;
	(pc) =	sbr.rel @p1 .LBB1_5-.Ltmp2, $1  }
0x29: {  	_ =	sdelay $0x3  }
0x2a: {  	s14 =	simm.s32 $0x1  }
0x2b: {  	_ =	swait.ge [sflag:s4], $0x1000;
	s14 =	simm.s32 @!p0 $0x0  }
0x2c: {  	[sflag:s4] =	ssyncset.done $0x0;
	s15 =	sshll.u32 s14, $0xC  }
0x2d: {  	[sflag:s4] =	ssyncadd.s32 $0xFFFFF000;
	s18 =	sor.u32 $0x10, s15  }
0x2e: {  	s14 =	smul.u32 $0x4080, s14;
	v1 =	vld [tilespmem:s18+$0x0]  }
0x2f: {  	s30 =	sand.u32 $0x1, s11;
	v0 =	vld [tilespmem:s18+$0xFFFFFFF0]  }
0x30: {  	s15 =	smul.u32 $0x4080, s30;
	s14 =	sshrl.u32 s14, $0x2  }
0x31: {  	s16 =	sor.u32 $0x2000, s14  }
0x32: {  	s31 =	sshrl.u32 s15, $0x2;
	s15 =	sadd.s32 $0x0, s16  }
0x33: {  	s17 =	simm.s32 $0x4;
	s18 =	sadd.s32 $0x20, s18;
	s14 =	sor.u32 $0x2000, s31;
	[tilespmem:s15+$0x810 ss:$0x81] =	vst.msk $0xffff, v1  }
.LBB1_3:
0x34: {  	v1 =	vld [tilespmem:s18+$0x0];
	p1 =	sne.s32 s17, $0x1FC;
	[tilespmem:s15+$0x0 ss:$0x81] =	vst.msk $0xffff, v0;
	s15 =	smov.u32 s17;
	s17 =	sadd.s32 $0x4, s17  }
.Ltmp3:
0x35: {  	v0 =	vld [tilespmem:s18+$0xFFFFFFF0];
	(pc) =	sbr.rel @p1 .LBB1_3-.Ltmp3, $4  }
0x36: {  	_ = 	snop  }
0x37: {  	s15 =	sshra.s32 s15, $0x2  }
0x38: {  	s15 =	sadd.s32 s15, s16  }
0x39: {  	s18 =	sadd.s32 $0x20, s18;
	[tilespmem:s15+$0x810 ss:$0x81] =	vst.msk $0xffff, v1  }
.Ltmp4:
0x3a: {  	_ = 	snop;
	(pc) =	sbr.rel .LBB1_4-.Ltmp4, $1  }
0x3b: {  	_ =	sdelay $0x3  }
.LBB1_6:
0x3c: {  	_ =	sfence.sel $0x180000  }
0x3d: {  	s2 =	simm.s32 $0x1;
	[bflag:$0x0] =	sbarrier.arrive $0xFFFF  }
0x3e: {  	s31 =	simm.s32 $0x2;
	[sflag:s2] =	ssyncpa.u1 $0x1  }
0x3f: {  	[sflag:s31] =	ssyncpa.u1 $0x1  }
0x40: {  	p0 =	sne.s32 s0, $0x0;
	_ =	strace $0x9000004A  }
0x41: {  	s0 =	sadd.s32 @!p0 $0x100000, s1;
	[bflag:$0x2] =	sbarrier.arrive $0xFFFF  }
0x42: {  	[sflag:s0] =	ssyncadd.tile.s32 @!p0 $0x1;
	_ =	shalt  }
.Lfunc_end1:
_tile_overlayer_lowered:
.L_overlay_start_2:
0x43: {  	(tag) =	ssettag $0x2  }
0x44: {  	s0 =	rddreg [dreg:$0x0];
	s2 =	stileid.u32  }
0x45: {  	s1 =	rddreg [dreg:$0x1];
	p0 =	sne.s32 s2, $0x0  }
0x46: {  	s3 =	rddreg [dreg:$0x2];
	[bflag:$0x3] =	sbarrier.arrive $0xFFFF;
	s2 =	simm.s32 @!p0 $0x1C01  }
0x47: {  	[timem:s3], [sflag:s2] =	dma.local @!p0 [hbm:s0], s1  }
0x48: {  	s0 =	simm.s32 @!p0 $0x1  }
0x49: {  	_ =	swait.ge @!p0 [sflag:s0], s1  }
0x4a: {  	s1 =	ssub.s32 @!p0 $0x0, s1;
	[sflag:s0] =	ssyncset.done @!p0 $0x0  }
0x4b: {  	[sflag:s0] =	ssyncadd.s32 @!p0 s1  }
0x4c: {  	[bflag:$0x3] =	sbarrier.arrive $0xFFFF  }
0x4d: {  	_ =	shalt  }

</sc_bundles>
